<compile_context>
chip_gen: v7x
topology: tpu7x:2x2x1
jax: 0.10.2.dev20260603
libtpu: 0.0.44.dev20260713+nightly
codegen_flags: <defaults>
</compile_context>

<pallas_src>
import functools

import jax
import jax.numpy as jnp
from jax import lax
from jax.experimental import pallas as pl
from jax.experimental.pallas import tpu as pltpu
from jax.experimental.pallas import tpu_sc as plsc

DECAY = 0.95
RES = 256
N_PTS = 1048576
NVOX = RES * RES * RES

NW = 32
LANES = 16
NBIN = 512
VB = NVOX // NBIN
BIN_SHIFT = 15
LMASK = VB - 1
NP_W = N_PTS // NW
C1 = 512
C2 = 2048
C3 = 512
G = 16
LA = NP_W + NBIN * G
NPAD = N_PTS + NW * NBIN * G + 4096
SPAD = 544
SENT = -1

_mesh = lambda: plsc.VectorSubcoreMesh(core_axis_name="c", subcore_axis_name="s")


def _wid():
    return lax.axis_index("s") * 2 + lax.axis_index("c")


def _iota16():
    return lax.broadcasted_iota(jnp.int32, (LANES,), 0)


def _k1_body(pts_hbm, key_hbm, counts_hbm, pbuf, kbuf, hist, cbuf):
    wid = _wid()
    iota = _iota16()

    def zb(i, _):
        hist[pl.ds(i * 16, 16)] = jnp.zeros((16,), jnp.int32)
        return 0

    lax.fori_loop(0, NBIN * 16 // 16, zb, 0)

    base_pt = wid * NP_W

    def chunk(qc, _):
        base = base_pt + qc * C1
        pltpu.sync_copy(pts_hbm.at[pl.ds(pl.multiple_of(base, 8), C1), :],
                        pbuf)

        def vec(j, _):
            pr = j * 16 + iota
            zc = jnp.zeros((16,), jnp.int32)
            xs = plsc.load_gather(pbuf, [pr, zc])
            ys = plsc.load_gather(pbuf, [pr, zc + 1])
            zs = plsc.load_gather(pbuf, [pr, zc + 2])

            def gcoord(t):
                tt = (t * 0.5 + 0.5) * 256.0
                return jnp.clip(tt.astype(jnp.int32), 0, RES - 1)

            key = gcoord(xs) * 65536 + gcoord(ys) * 256 + gcoord(zs)
            kbuf[pl.ds(j * 16, 16)] = key
            b = key >> BIN_SHIFT
            plsc.addupdate_scatter(hist, [iota * NBIN + b],
                                   jnp.ones((16,), jnp.int32))
            return 0

        lax.fori_loop(0, C1 // 16, vec, 0)
        pltpu.sync_copy(kbuf, key_hbm.at[pl.ds(pl.multiple_of(base, 8), C1)])
        return 0

    lax.fori_loop(0, NP_W // C1, chunk, 0)

    def red(bv, _):
        def add_t(t, acc):
            return acc + hist[pl.ds(t * NBIN + bv * 16, 16)]

        acc = lax.fori_loop(0, 16, add_t, jnp.zeros((16,), jnp.int32))
        cbuf[pl.ds(bv * 16, 16)] = acc
        return 0

    lax.fori_loop(0, NBIN // 16, red, 0)
    pltpu.sync_copy(cbuf, counts_hbm.at[pl.ds(pl.multiple_of(wid * NBIN, 8), NBIN)])


def _k2_body(key_hbm, val_hbm, counts_hbm, bpair_hbm, starts_hbm,
             cntbuf, goff, loff, lcur, sbuf, kbuf, vbuf, lpairs, sem_k):
    wid = _wid()
    iota = _iota16()

    pltpu.sync_copy(counts_hbm, cntbuf)

    def per_bv(bv, carry):
        gc, lc = carry

        def acc_w(w2, tpm):
            tot, part, mine = tpm
            row = cntbuf[pl.ds(w2 * NBIN + bv * 16, 16)]
            rp = (row + (G - 1)) & ~(G - 1)
            z = jnp.zeros((16,), jnp.int32)
            part = part + jnp.where(w2 < wid, rp, z)
            mine = mine + jnp.where(w2 == wid, rp, z)
            return tot + rp, part, mine

        z16 = jnp.zeros((16,), jnp.int32)
        tot, part, mine = lax.fori_loop(0, NW, acc_w, (z16, z16, z16))
        exc = plsc.cumsum(tot) - tot + gc
        goff[pl.ds(bv * 16, 16)] = exc + part
        sbuf[pl.ds(bv * 16, 16)] = exc
        lexc = plsc.cumsum(mine) - mine + lc
        loff[pl.ds(bv * 16, 16)] = lexc
        lcur[pl.ds(bv * 16, 16)] = lexc
        return gc + jnp.sum(tot), lc + jnp.sum(mine)

    total, ltotal = lax.fori_loop(0, NBIN // 16, per_bv,
                                  (jnp.int32(0), jnp.int32(0)))
    sbuf[pl.ds(NBIN, 16)] = jnp.where(iota == 0, total, 0)
    sbuf[pl.ds(NBIN + 16, 16)] = jnp.zeros((16,), jnp.int32)
    loff[pl.ds(NBIN, 16)] = jnp.where(iota == 0, ltotal, 0)

    @pl.when(wid == 0)
    def _():
        pltpu.sync_copy(sbuf, starts_hbm)

    def fill(i, _):
        lpairs[pl.ds(i * 16, 16)] = jnp.full((16,), SENT, jnp.int32)
        return 0

    lax.fori_loop(0, 2 * LA // 16, fill, 0)

    def chunk(qc, _):
        rowbase = wid * (NP_W // 128) + qc * (C2 // 128)
        pltpu.sync_copy(key_hbm.at[pl.ds(rowbase, C2 // 128)], kbuf)
        pltpu.sync_copy(val_hbm.at[pl.ds(rowbase, C2 // 128)], vbuf)

        def row(r, _):
            for cc in range(128 // 16):
                kv = kbuf[r, pl.ds(cc * 16, 16)]
                vv = vbuf[r, pl.ds(cc * 16, 16)]
                b = kv >> BIN_SHIFT
                cntv, lastm = plsc.scan_count(b)
                cur = plsc.load_gather(lcur, [b])
                ldest = cur + cntv - 1
                plsc.store_scatter(lcur, [b], ldest + 1, mask=lastm)
                ldest = jnp.clip(ldest, 0, LA - 1)
                plsc.store_scatter(lpairs, [2 * ldest], kv)
                plsc.store_scatter(lpairs, [2 * ldest + 1],
                                   plsc.bitcast(vv, jnp.int32))
            return 0

        lax.fori_loop(0, C2 // 128, row, 0)
        return 0

    lax.fori_loop(0, NP_W // C2, chunk, 0)

    def sweep(do_wait):
        def per_bin(b, _):
            bsel = b + jnp.minimum(iota, 1)
            lv = plsc.load_gather(loff, [bsel])
            bl = jnp.max(jnp.where(iota == 0, lv, 0))
            bl_next = jnp.max(jnp.where(iota == 1, lv, 0))
            gv = plsc.load_gather(goff, [jnp.full((16,), b, jnp.int32)])
            bg = jnp.max(jnp.where(iota == 0, gv, 0))
            nc = (bl_next - bl) // G

            def per_chunk(q, _):
                src = lpairs.at[pl.ds(pl.multiple_of(2 * (bl + q * G), 8),
                                      2 * G)]
                dst = bpair_hbm.at[pl.ds(pl.multiple_of(2 * (bg + q * G), 8),
                                         2 * G)]
                if do_wait:
                    pltpu.make_async_copy(src, dst, sem_k).wait()
                else:
                    pltpu.async_copy(src, dst, sem_k)
                return 0

            lax.fori_loop(0, nc, per_chunk, 0)
            return 0

        lax.fori_loop(0, NBIN, per_bin, 0)

    sweep(False)
    sweep(True)


NCH_RES = 16


def _k3_body(grid_hbm, bpair_hbm, starts_hbm, out_hbm,
             sorig, obuf, pbig, stv, sem_a, sem_b, sem_c):
    wid = _wid()
    iota = _iota16()

    pltpu.sync_copy(starts_hbm, stv)

    def bin_i(i, _):
        b = i * NW + wid
        x = b >> 1
        y0 = (b & 1) * 128
        gidx = b + jnp.minimum(iota, 1)
        sv = plsc.load_gather(stv, [gidx])
        start = jnp.max(jnp.where(iota == 0, sv, 0))
        end = jnp.max(jnp.where(iota == 1, sv, 0))
        h1 = pltpu.async_copy(grid_hbm.at[x, pl.ds(y0, 128), :], sorig, sem_a)
        h2 = pltpu.async_copy(grid_hbm.at[x, pl.ds(y0, 128), :], obuf, sem_b)
        nch = jnp.clip((end - start + (C3 - 1)) // C3, 0, NPAD // C3)

        def passA(row, cb):
            def vA(j, _):
                pi = row * (2 * C3) + 2 * (j * 16 + iota)
                kv = plsc.load_gather(pbig, [pi])
                gpos = cb + j * 16 + iota
                valid = (gpos < end) & (kv >= 0)
                lidx = jnp.where(valid, kv & LMASK, 0)
                ly, lz = lidx >> 8, lidx & 255
                g = plsc.load_gather(sorig, [ly, lz])
                plsc.store_scatter(obuf, [ly, lz], g * DECAY, mask=valid)
                return 0

            lax.fori_loop(0, C3 // 16, vA, 0)

        def passB(row, cb):
            def vB(j, _):
                pi = row * (2 * C3) + 2 * (j * 16 + iota)
                kv = plsc.load_gather(pbig, [pi])
                vv = plsc.bitcast(plsc.load_gather(pbig, [pi + 1]),
                                  jnp.float32)
                gpos = cb + j * 16 + iota
                valid = (gpos < end) & (kv >= 0)
                lidx = jnp.where(valid, kv & LMASK, 0)
                ly, lz = lidx >> 8, lidx & 255
                cntv, _ = plsc.scan_count(lidx)
                rounds = jnp.max(jnp.where(valid, cntv, 0))

                def rnd(r, _):
                    sel = valid & (cntv == r + 1)
                    g = plsc.load_gather(obuf, [ly, lz])
                    plsc.store_scatter(obuf, [ly, lz], jnp.maximum(g, vv),
                                       mask=sel)
                    return 0

                lax.fori_loop(0, rounds, rnd, 0)
                return 0

            lax.fori_loop(0, C3 // 16, vB, 0)

        def pair_slice(q):
            return bpair_hbm.at[
                pl.ds(pl.multiple_of(2 * (start + q * C3), 8), 2 * C3)]

        @pl.when(nch <= NCH_RES)
        def _():
            def fire(q, _):
                pltpu.async_copy(pair_slice(q),
                                 pbig.at[pl.ds(q * (2 * C3), 2 * C3)], sem_c)
                return 0

            def drain(q, _):
                pltpu.make_async_copy(
                    pair_slice(q),
                    pbig.at[pl.ds(q * (2 * C3), 2 * C3)], sem_c).wait()
                return 0

            lax.fori_loop(0, nch, fire, 0)
            lax.fori_loop(0, nch, drain, 0)
            h1.wait()
            h2.wait()

            def doA(q, _):
                passA(q, start + q * C3)
                return 0

            def doB(q, _):
                passB(q, start + q * C3)
                return 0

            lax.fori_loop(0, nch, doA, 0)
            lax.fori_loop(0, nch, doB, 0)

        @pl.when(nch > NCH_RES)
        def _():
            h1.wait()
            h2.wait()

            def doA(q, _):
                pltpu.sync_copy(pair_slice(q), pbig.at[pl.ds(0, 2 * C3)])
                passA(0, start + q * C3)
                return 0

            def doB(q, _):
                pltpu.sync_copy(pair_slice(q), pbig.at[pl.ds(0, 2 * C3)])
                passB(0, start + q * C3)
                return 0

            lax.fori_loop(0, nch, doA, 0)
            lax.fori_loop(0, nch, doB, 0)

        pltpu.sync_copy(obuf, out_hbm.at[x, pl.ds(y0, 128), :])
        return 0

    lax.fori_loop(0, NBIN // NW, bin_i, 0)


def _make_kernels():
    cp = pltpu.CompilerParams(needs_layout_passes=False)
    cp_tc1 = pltpu.CompilerParams(needs_layout_passes=False,
                                  use_tc_tiling_on_sc=True)
    k1 = functools.partial(
        pl.kernel, _k1_body, mesh=_mesh(),
        out_type=(jax.ShapeDtypeStruct((N_PTS,), jnp.int32),
                  jax.ShapeDtypeStruct((NW * NBIN,), jnp.int32)),
        scratch_types=[pltpu.VMEM((C1, 3), jnp.float32),
                       pltpu.VMEM((C1,), jnp.int32),
                       pltpu.VMEM((16 * NBIN,), jnp.int32),
                       pltpu.VMEM((NBIN,), jnp.int32)],
        compiler_params=cp_tc1, name="occ_k1_keys_hist")()
    k2 = functools.partial(
        pl.kernel, _k2_body, mesh=_mesh(),
        out_type=(jax.ShapeDtypeStruct((2 * NPAD,), jnp.int32),
                  jax.ShapeDtypeStruct((SPAD,), jnp.int32)),
        scratch_types=[pltpu.VMEM((NW * NBIN,), jnp.int32),
                       pltpu.VMEM((NBIN,), jnp.int32),
                       pltpu.VMEM((NBIN + 16,), jnp.int32),
                       pltpu.VMEM((NBIN,), jnp.int32),
                       pltpu.VMEM((SPAD,), jnp.int32),
                       pltpu.VMEM((C2 // 128, 128), jnp.int32),
                       pltpu.VMEM((C2 // 128, 128), jnp.float32),
                       pltpu.VMEM((2 * LA,), jnp.int32),
                       pltpu.SemaphoreType.DMA],
        compiler_params=cp, name="occ_k2_route")()
    cp_tc = pltpu.CompilerParams(needs_layout_passes=False,
                                 use_tc_tiling_on_sc=True)
    k3 = functools.partial(
        pl.kernel, _k3_body, mesh=_mesh(),
        out_type=jax.ShapeDtypeStruct((RES, RES, RES), jnp.float32),
        scratch_types=[pltpu.VMEM((128, RES), jnp.float32),
                       pltpu.VMEM((128, RES), jnp.float32),
                       pltpu.VMEM((NCH_RES * 2 * C3,), jnp.int32),
                       pltpu.VMEM((SPAD,), jnp.int32),
                       pltpu.SemaphoreType.DMA,
                       pltpu.SemaphoreType.DMA,
                       pltpu.SemaphoreType.DMA],
        compiler_params=cp_tc, name="occ_k3_slab_update")()
    return k1, k2, k3


_K1, _K2, _K3 = _make_kernels()


def kernel(occ_val_grid, pts, occ_val):
    keys, counts = _K1(pts)
    key2d = keys.reshape(N_PTS // 128, 128)
    val2d = occ_val.reshape(N_PTS // 128, 128)
    bpair, starts = _K2(key2d, val2d, counts)
    return _K3(occ_val_grid, bpair, starts)

# --- scband reference (transcript-rebuilt; emitter-appended) ---
"""Pipeline reference for scband-occupancy-grid-ema-23854248362332 (READ-ONLY COPY).

The authoritative reference and input builder live on the scoring server;
editing this copy changes nothing except your own understanding.
"""

import jax, jax.numpy as jnp
import numpy as np

EMA_DECAY = 0.95
RES = 256
N_PTS = 1048576


def setup_inputs(seed: int = 0) -> dict:
    key = jax.random.key(seed)
    k1, k2, k3 = jax.random.split(key, 3)
    occ_val_grid = jax.random.uniform(k1, (RES, RES, RES), dtype=jnp.float32)
    pts = jax.random.normal(k2, (N_PTS, 3), dtype=jnp.float32)
    occ_val = jax.random.uniform(k3, (N_PTS,), dtype=jnp.float32)
    return {"occ_val_grid": occ_val_grid, "pts": pts, "occ_val": occ_val}


def reference(occ_val_grid, pts, occ_val):
    # Faithful translation of update_occ_val_grid_ / update_occ_val_grid_idx_
    # with occ_val_fn = identity (occ_val_fn_cfg type='density').
    shape = occ_val_grid.shape
    resf = jnp.array(shape, dtype=jnp.float32)
    resi = jnp.array(shape, dtype=jnp.int32)
    p = pts.reshape(-1, 3)
    v = occ_val.reshape(-1).astype(occ_val_grid.dtype)
    # ((pts / 2 + 0.5) * resolution).long().clamp(0, res - 1)
    gidx = jnp.clip(((p / 2.0 + 0.5) * resf).astype(jnp.int32), 0, resi - 1)
    strides = jnp.array([shape[1] * shape[2], shape[2], 1], dtype=jnp.int32)
    gidx_ravel = (gidx * strides).sum(-1)
    # scatter_max(occ_val, gidx_ravel, out=ema_decay * occ_val_grid.flatten())
    occ_flat = (EMA_DECAY * occ_val_grid).reshape(-1)
    occ_val_new = occ_flat.at[gidx_ravel].max(v)
    # occ_val_grid.index_put_(gidx, occ_val_new[gidx_ravel]) -> only touched voxels updated
    out = occ_val_grid.reshape(-1).at[gidx_ravel].set(occ_val_new[gidx_ravel]).reshape(shape)
    return out

if __name__ == "__main__":
    import jax
    _d = setup_inputs()
    print(jax.jit(kernel)(*tuple(_d.values())))

</pallas_src>

<mosaic_0001>
#map = affine_map<(d0, d1) -> (0, 0)>
#map1 = affine_map<(d0, d1) -> (0)>
module attributes {stable_mosaic.version = 14 : i64} {
  func.func @occ_k1_keys_hist(%arg0: i32, %arg1: i32, %arg2: memref<1048576x3xf32, #tpu.memory_space<hbm>>, %arg3: memref<1048576xi32, #tpu.memory_space<hbm>>, %arg4: memref<16384xi32, #tpu.memory_space<hbm>>, %arg5: memref<512x3xf32, #tpu.memory_space<vmem>>, %arg6: memref<512xi32, #tpu.memory_space<vmem>>, %arg7: memref<8192xi32, #tpu.memory_space<vmem>>, %arg8: memref<512xi32, #tpu.memory_space<vmem>>) attributes {dimension_semantics = [#tpu.dimension_semantics<core_parallel>, #tpu.dimension_semantics<subcore_parallel>], iteration_bounds = array<i64: 2, 16>, scalar_prefetch = 0 : i64, scratch_operands = 4 : i64, tpu.core_type = #tpu.core_type<sc_vector_subcore>, window_params = [{transform_indices = #map}, {transform_indices = #map1}, {transform_indices = #map1}]} {
    %mul3A = arith.constant 2 : i32
    %mul3A_0 = arith.muli %arg1, %mul3A : i32
    %add3A = arith.addi %mul3A_0, %arg0 : i32
    %iota3A = tpu.iota {dimensions = array<i32: 0>} : vector<16xi32>
    %scan3A = arith.constant 0 : i32
    %scan3A_1 = arith.constant 0 : i32
    %scan3A_2 = arith.constant 512 : i32
    %scan3A_3 = arith.addi %scan3A_1, %scan3A_2 : i32
    %scan3A_4 = arith.constant 1 : i32
    %scan3A_5 = scf.for %scan3A_25 = %scan3A_1 to %scan3A_3 step %scan3A_4 iter_args(%scan3A_26 = %scan3A) -> (i32)  : i32 {
      %broadcast_in_dim3A = arith.constant 0 : i32
      %broadcast_in_dim3A_27 = vector.broadcast %broadcast_in_dim3A : i32 to vector<16xi32>
      %mul3A_28 = arith.constant 16 : i32
      %mul3A_29 = arith.muli %scan3A_25, %mul3A_28 : i32
      %swap3A = arith.index_cast %mul3A_29 : i32 to index
      %swap3A_30 = tpu.vector_load %arg7[%swap3A] {strides = array<i32>} : memref<8192xi32, #tpu.memory_space<vmem>>, vector<16xi32>,
      tpu.vector_store %arg7[%swap3A], %broadcast_in_dim3A_27 {strides = array<i32>} : memref<8192xi32, #tpu.memory_space<vmem>>, vector<16xi32>,
      %scan3A_31 = arith.constant 0 : i32
      scf.yield %scan3A_31 : i32
    }
    %scan3A_6 = arith.constant 512 : i32
    %mul3A_7 = arith.constant 32768 : i32
    %mul3A_8 = arith.muli %add3A, %mul3A_7 : i32
    %scan3A_9 = arith.constant 0 : i32
    %scan3A_10 = arith.constant 0 : i32
    %scan3A_11 = arith.constant 64 : i32
    %scan3A_12 = arith.addi %scan3A_10, %scan3A_11 : i32
    %scan3A_13 = arith.constant 1 : i32
    %scan3A_14 = scf.for %scan3A_25 = %scan3A_10 to %scan3A_12 step %scan3A_13 iter_args(%scan3A_26 = %scan3A_9) -> (i32)  : i32 {
      %mul3A_27 = arith.constant 512 : i32
      %mul3A_28 = arith.muli %scan3A_25, %mul3A_27 : i32
      %add3A_29 = arith.addi %mul3A_8, %mul3A_28 : i32
      %multiple_of3A_30 = tpu.assume_multiple %add3A_29, 8 : i32
      "tpu.region"() ({
        %run_scoped3A = tpu.sem_alloc : memref<!tpu.dma_semaphore, #tpu.memory_space<semaphore_mem>>
        %dma_start3A = arith.constant 0 : i32
        %dma_start3A_40 = tpu.memref_slice %arg2[%multiple_of3A_30, %dma_start3A] : memref<1048576x3xf32, #tpu.memory_space<hbm>> -> memref<512x3xf32, #tpu.memory_space<hbm>>
        %dma_start3A_41 = arith.constant 0 : i32
        %dma_start3A_42 = tpu.memref_slice %arg2[%multiple_of3A_30, %dma_start3A_41] : memref<1048576x3xf32, #tpu.memory_space<hbm>> -> memref<512x3xf32, #tpu.memory_space<hbm>>
        tpu.enqueue_dma source(%dma_start3A_42 : memref<512x3xf32, #tpu.memory_space<hbm>>) target(%arg5 : memref<512x3xf32, #tpu.memory_space<vmem>>) target_semaphore(%run_scoped3A : memref<!tpu.dma_semaphore, #tpu.memory_space<semaphore_mem>>)
        %dma_wait3A = arith.constant 0 : i32
        %dma_wait3A_43 = tpu.memref_slice %arg2[%multiple_of3A_30, %dma_wait3A] : memref<1048576x3xf32, #tpu.memory_space<hbm>> -> memref<512x3xf32, #tpu.memory_space<hbm>>
        %dma_wait3A_44 = arith.constant 0 : i32
        %dma_wait3A_45 = tpu.memref_slice %arg2[%multiple_of3A_30, %dma_wait3A_44] : memref<1048576x3xf32, #tpu.memory_space<hbm>> -> memref<512x3xf32, #tpu.memory_space<hbm>>
        tpu.wait_dma2 semaphore(%run_scoped3A : memref<!tpu.dma_semaphore, #tpu.memory_space<semaphore_mem>>) src(%dma_wait3A_45 : memref<512x3xf32, #tpu.memory_space<hbm>>) dst(%arg5 : memref<512x3xf32, #tpu.memory_space<vmem>>)
        tpu.yield
      }) : () -> ()
      %scan3A_31 = arith.constant 0 : i32
      %scan3A_32 = arith.constant 0 : i32
      %scan3A_33 = arith.constant 32 : i32
      %scan3A_34 = arith.addi %scan3A_32, %scan3A_33 : i32
      %scan3A_35 = arith.constant 1 : i32
      %scan3A_36 = scf.for %scan3A_40 = %scan3A_32 to %scan3A_34 step %scan3A_35 iter_args(%scan3A_41 = %scan3A_31) -> (i32)  : i32 {
        %mul3A_42 = arith.constant 16 : i32
        %mul3A_43 = arith.muli %scan3A_40, %mul3A_42 : i32
        %add3A_44 = vector.broadcast %mul3A_43 : i32 to vector<16xi32>
        %add3A_45 = arith.addi %add3A_44, %iota3A : vector<16xi32>
        %broadcast_in_dim3A = arith.constant 0 : i32
        %broadcast_in_dim3A_46 = vector.broadcast %broadcast_in_dim3A : i32 to vector<16xi32>
        %gather3A = tpu.vector_load_idx %arg5[%add3A_45, %broadcast_in_dim3A_46] : memref<512x3xf32, #tpu.memory_space<vmem>>[vector<16xi32>, vector<16xi32>], vector<16xf32>,
        %add3A_47 = arith.constant 1 : i32
        %add3A_48 = vector.broadcast %add3A_47 : i32 to vector<16xi32>
        %add3A_49 = arith.addi %broadcast_in_dim3A_46, %add3A_48 : vector<16xi32>
        %gather3A_50 = tpu.vector_load_idx %arg5[%add3A_45, %add3A_49] : memref<512x3xf32, #tpu.memory_space<vmem>>[vector<16xi32>, vector<16xi32>], vector<16xf32>,
        %add3A_51 = arith.constant 2 : i32
        %add3A_52 = vector.broadcast %add3A_51 : i32 to vector<16xi32>
        %add3A_53 = arith.addi %broadcast_in_dim3A_46, %add3A_52 : vector<16xi32>
        %gather3A_54 = tpu.vector_load_idx %arg5[%add3A_45, %add3A_53] : memref<512x3xf32, #tpu.memory_space<vmem>>[vector<16xi32>, vector<16xi32>], vector<16xf32>,
        %mul3A_55 = arith.constant 5.000000e-01 : f32
        %mul3A_56 = vector.broadcast %mul3A_55 : f32 to vector<16xf32>
        %mul3A_57 = arith.mulf %gather3A, %mul3A_56 : vector<16xf32>
        %add3A_58 = arith.constant 5.000000e-01 : f32
        %add3A_59 = vector.broadcast %add3A_58 : f32 to vector<16xf32>
        %add3A_60 = arith.addf %mul3A_57, %add3A_59 : vector<16xf32>
        %mul3A_61 = arith.constant 2.560000e+02 : f32
        %mul3A_62 = vector.broadcast %mul3A_61 : f32 to vector<16xf32>
        %mul3A_63 = arith.mulf %add3A_60, %mul3A_62 : vector<16xf32>
        %convert_element_type3A = arith.fptosi %mul3A_63 : vector<16xf32> to vector<16xi32>
        %jit3A = arith.constant 0 : i32
        %jit3A_64 = arith.constant 255 : i32
        %max3A = vector.broadcast %jit3A : i32 to vector<16xi32>
        %max3A_65 = arith.maxsi %max3A, %convert_element_type3A : vector<16xi32>
        %min3A = vector.broadcast %jit3A_64 : i32 to vector<16xi32>
        %min3A_66 = arith.minsi %min3A, %max3A_65 : vector<16xi32>
        %mul3A_67 = arith.constant 65536 : i32
        %mul3A_68 = vector.broadcast %mul3A_67 : i32 to vector<16xi32>
        %mul3A_69 = arith.muli %min3A_66, %mul3A_68 : vector<16xi32>
        %mul3A_70 = arith.constant 5.000000e-01 : f32
        %mul3A_71 = vector.broadcast %mul3A_70 : f32 to vector<16xf32>
        %mul3A_72 = arith.mulf %gather3A_50, %mul3A_71 : vector<16xf32>
        %add3A_73 = arith.constant 5.000000e-01 : f32
        %add3A_74 = vector.broadcast %add3A_73 : f32 to vector<16xf32>
        %add3A_75 = arith.addf %mul3A_72, %add3A_74 : vector<16xf32>
        %mul3A_76 = arith.constant 2.560000e+02 : f32
        %mul3A_77 = vector.broadcast %mul3A_76 : f32 to vector<16xf32>
        %mul3A_78 = arith.mulf %add3A_75, %mul3A_77 : vector<16xf32>
        %convert_element_type3A_79 = arith.fptosi %mul3A_78 : vector<16xf32> to vector<16xi32>
        %jit3A_80 = arith.constant 0 : i32
        %jit3A_81 = arith.constant 255 : i32
        %max3A_82 = vector.broadcast %jit3A_80 : i32 to vector<16xi32>
        %max3A_83 = arith.maxsi %max3A_82, %convert_element_type3A_79 : vector<16xi32>
        %min3A_84 = vector.broadcast %jit3A_81 : i32 to vector<16xi32>
        %min3A_85 = arith.minsi %min3A_84, %max3A_83 : vector<16xi32>
        %mul3A_86 = arith.constant 256 : i32
        %mul3A_87 = vector.broadcast %mul3A_86 : i32 to vector<16xi32>
        %mul3A_88 = arith.muli %min3A_85, %mul3A_87 : vector<16xi32>
        %add3A_89 = arith.addi %mul3A_69, %mul3A_88 : vector<16xi32>
        %mul3A_90 = arith.constant 5.000000e-01 : f32
        %mul3A_91 = vector.broadcast %mul3A_90 : f32 to vector<16xf32>
        %mul3A_92 = arith.mulf %gather3A_54, %mul3A_91 : vector<16xf32>
        %add3A_93 = arith.constant 5.000000e-01 : f32
        %add3A_94 = vector.broadcast %add3A_93 : f32 to vector<16xf32>
        %add3A_95 = arith.addf %mul3A_92, %add3A_94 : vector<16xf32>
        %mul3A_96 = arith.constant 2.560000e+02 : f32
        %mul3A_97 = vector.broadcast %mul3A_96 : f32 to vector<16xf32>
        %mul3A_98 = arith.mulf %add3A_95, %mul3A_97 : vector<16xf32>
        %convert_element_type3A_99 = arith.fptosi %mul3A_98 : vector<16xf32> to vector<16xi32>
        %jit3A_100 = arith.constant 0 : i32
        %jit3A_101 = arith.constant 255 : i32
        %max3A_102 = vector.broadcast %jit3A_100 : i32 to vector<16xi32>
        %max3A_103 = arith.maxsi %max3A_102, %convert_element_type3A_99 : vector<16xi32>
        %min3A_104 = vector.broadcast %jit3A_101 : i32 to vector<16xi32>
        %min3A_105 = arith.minsi %min3A_104, %max3A_103 : vector<16xi32>
        %add3A_106 = arith.addi %add3A_89, %min3A_105 : vector<16xi32>
        %mul3A_107 = arith.constant 16 : i32
        %mul3A_108 = arith.muli %scan3A_40, %mul3A_107 : i32
        %swap3A = arith.index_cast %mul3A_108 : i32 to index
        %swap3A_109 = tpu.vector_load %arg6[%swap3A] {strides = array<i32>} : memref<512xi32, #tpu.memory_space<vmem>>, vector<16xi32>,
        tpu.vector_store %arg6[%swap3A], %add3A_106 {strides = array<i32>} : memref<512xi32, #tpu.memory_space<vmem>>, vector<16xi32>,
        %shift_right_arithmetic3A = arith.constant 15 : i32
        %shift_right_arithmetic3A_110 = vector.broadcast %shift_right_arithmetic3A : i32 to vector<16xi32>
        %shift_right_arithmetic3A_111 = arith.shrsi %add3A_106, %shift_right_arithmetic3A_110 : vector<16xi32>
        %mul3A_112 = arith.constant 512 : i32
        %mul3A_113 = vector.broadcast %mul3A_112 : i32 to vector<16xi32>
        %mul3A_114 = arith.muli %iota3A, %mul3A_113 : vector<16xi32>
        %add3A_115 = arith.addi %mul3A_114, %shift_right_arithmetic3A_111 : vector<16xi32>
        %broadcast_in_dim3A_116 = arith.constant 1 : i32
        %broadcast_in_dim3A_117 = vector.broadcast %broadcast_in_dim3A_116 : i32 to vector<16xi32>
        tpu.vector_store_idx %arg7[%add3A_115], %broadcast_in_dim3A_117 {add = true} : memref<8192xi32, #tpu.memory_space<vmem>>[vector<16xi32>], vector<16xi32>,
        %scan3A_118 = arith.constant 0 : i32
        scf.yield %scan3A_118 : i32
      }
      %scan3A_37 = arith.constant 32 : i32
      %multiple_of3A_38 = tpu.assume_multiple %add3A_29, 8 : i32
      "tpu.region"() ({
        %run_scoped3A = tpu.sem_alloc : memref<!tpu.dma_semaphore, #tpu.memory_space<semaphore_mem>>
        %dma_start3A = tpu.memref_slice %arg3[%multiple_of3A_38] : memref<1048576xi32, #tpu.memory_space<hbm>> -> memref<512xi32, #tpu.memory_space<hbm>>
        %dma_start3A_40 = tpu.memref_slice %arg3[%multiple_of3A_38] : memref<1048576xi32, #tpu.memory_space<hbm>> -> memref<512xi32, #tpu.memory_space<hbm>>
        tpu.enqueue_dma source(%arg6 : memref<512xi32, #tpu.memory_space<vmem>>) target(%dma_start3A_40 : memref<512xi32, #tpu.memory_space<hbm>>) target_semaphore(%run_scoped3A : memref<!tpu.dma_semaphore, #tpu.memory_space<semaphore_mem>>)
        %dma_wait3A = tpu.memref_slice %arg3[%multiple_of3A_38] : memref<1048576xi32, #tpu.memory_space<hbm>> -> memref<512xi32, #tpu.memory_space<hbm>>
        %dma_wait3A_41 = tpu.memref_slice %arg3[%multiple_of3A_38] : memref<1048576xi32, #tpu.memory_space<hbm>> -> memref<512xi32, #tpu.memory_space<hbm>>
        tpu.wait_dma2 semaphore(%run_scoped3A : memref<!tpu.dma_semaphore, #tpu.memory_space<semaphore_mem>>) src(%arg6 : memref<512xi32, #tpu.memory_space<vmem>>) dst(%dma_wait3A_41 : memref<512xi32, #tpu.memory_space<hbm>>)
        tpu.yield
      }) : () -> ()
      %scan3A_39 = arith.constant 0 : i32
      scf.yield %scan3A_39 : i32
    }
    %scan3A_15 = arith.constant 64 : i32
    %scan3A_16 = arith.constant 0 : i32
    %scan3A_17 = arith.constant 0 : i32
    %scan3A_18 = arith.constant 32 : i32
    %scan3A_19 = arith.addi %scan3A_17, %scan3A_18 : i32
    %scan3A_20 = arith.constant 1 : i32
    %scan3A_21 = scf.for %scan3A_25 = %scan3A_17 to %scan3A_19 step %scan3A_20 iter_args(%scan3A_26 = %scan3A_16) -> (i32)  : i32 {
      %broadcast_in_dim3A = arith.constant 0 : i32
      %broadcast_in_dim3A_27 = vector.broadcast %broadcast_in_dim3A : i32 to vector<16xi32>
      %scan3A_28 = arith.constant 0 : i32
      %scan3A_29 = arith.constant 16 : i32
      %scan3A_30 = arith.addi %scan3A_28, %scan3A_29 : i32
      %scan3A_31 = arith.constant 1 : i32
      %scan3A_32 = scf.for %scan3A_38 = %scan3A_28 to %scan3A_30 step %scan3A_31 iter_args(%scan3A_39 = %broadcast_in_dim3A_27) -> (vector<16xi32>)  : i32 {
        %mul3A_40 = arith.constant 512 : i32
        %mul3A_41 = arith.muli %scan3A_38, %mul3A_40 : i32
        %mul3A_42 = arith.constant 16 : i32
        %mul3A_43 = arith.muli %scan3A_25, %mul3A_42 : i32
        %add3A_44 = arith.addi %mul3A_41, %mul3A_43 : i32
        %get3A = arith.index_cast %add3A_44 : i32 to index
        %get3A_45 = tpu.vector_load %arg7[%get3A] {strides = array<i32>} : memref<8192xi32, #tpu.memory_space<vmem>>, vector<16xi32>,
        %add3A_46 = arith.addi %scan3A_39, %get3A_45 : vector<16xi32>
        scf.yield %add3A_46 : vector<16xi32>
      }
      %scan3A_33 = arith.constant 16 : i32
      %mul3A_34 = arith.constant 16 : i32
      %mul3A_35 = arith.muli %scan3A_25, %mul3A_34 : i32
      %swap3A = arith.index_cast %mul3A_35 : i32 to index
      %swap3A_36 = tpu.vector_load %arg8[%swap3A] {strides = array<i32>} : memref<512xi32, #tpu.memory_space<vmem>>, vector<16xi32>,
      tpu.vector_store %arg8[%swap3A], %scan3A_32 {strides = array<i32>} : memref<512xi32, #tpu.memory_space<vmem>>, vector<16xi32>,
      %scan3A_37 = arith.constant 0 : i32
      scf.yield %scan3A_37 : i32
    }
    %scan3A_22 = arith.constant 32 : i32
    %mul3A_23 = arith.constant 512 : i32
    %mul3A_24 = arith.muli %add3A, %mul3A_23 : i32
    %multiple_of3A = tpu.assume_multiple %mul3A_24, 8 : i32
    "tpu.region"() ({
      %run_scoped3A = tpu.sem_alloc : memref<!tpu.dma_semaphore, #tpu.memory_space<semaphore_mem>>
      %dma_start3A = tpu.memref_slice %arg4[%multiple_of3A] : memref<16384xi32, #tpu.memory_space<hbm>> -> memref<512xi32, #tpu.memory_space<hbm>>
      %dma_start3A_25 = tpu.memref_slice %arg4[%multiple_of3A] : memref<16384xi32, #tpu.memory_space<hbm>> -> memref<512xi32, #tpu.memory_space<hbm>>
      tpu.enqueue_dma source(%arg8 : memref<512xi32, #tpu.memory_space<vmem>>) target(%dma_start3A_25 : memref<512xi32, #tpu.memory_space<hbm>>) target_semaphore(%run_scoped3A : memref<!tpu.dma_semaphore, #tpu.memory_space<semaphore_mem>>)
      %dma_wait3A = tpu.memref_slice %arg4[%multiple_of3A] : memref<16384xi32, #tpu.memory_space<hbm>> -> memref<512xi32, #tpu.memory_space<hbm>>
      %dma_wait3A_26 = tpu.memref_slice %arg4[%multiple_of3A] : memref<16384xi32, #tpu.memory_space<hbm>> -> memref<512xi32, #tpu.memory_space<hbm>>
      tpu.wait_dma2 semaphore(%run_scoped3A : memref<!tpu.dma_semaphore, #tpu.memory_space<semaphore_mem>>) src(%arg8 : memref<512xi32, #tpu.memory_space<vmem>>) dst(%dma_wait3A_26 : memref<512xi32, #tpu.memory_space<hbm>>)
      tpu.yield
    }) : () -> ()
    return
  }
}

#map = affine_map<(d0, d1) -> (0, 0)>
#map1 = affine_map<(d0, d1) -> (0)>
module attributes {stable_mosaic.version = 14 : i64} {
  func.func @occ_k2_route(%arg0: i32, %arg1: i32, %arg2: memref<8192x128xi32, #tpu.memory_space<hbm>>, %arg3: memref<8192x128xf32, #tpu.memory_space<hbm>>, %arg4: memref<16384xi32, #tpu.memory_space<hbm>>, %arg5: memref<2629632xi32, #tpu.memory_space<hbm>>, %arg6: memref<544xi32, #tpu.memory_space<hbm>>, %arg7: memref<16384xi32, #tpu.memory_space<vmem>>, %arg8: memref<512xi32, #tpu.memory_space<vmem>>, %arg9: memref<528xi32, #tpu.memory_space<vmem>>, %arg10: memref<512xi32, #tpu.memory_space<vmem>>, %arg11: memref<544xi32, #tpu.memory_space<vmem>>, %arg12: memref<16x128xi32, #tpu.memory_space<vmem>>, %arg13: memref<16x128xf32, #tpu.memory_space<vmem>>, %arg14: memref<81920xi32, #tpu.memory_space<vmem>>, %arg15: memref<!tpu.dma_semaphore, #tpu.memory_space<semaphore_mem>>) attributes {dimension_semantics = [#tpu.dimension_semantics<core_parallel>, #tpu.dimension_semantics<subcore_parallel>], iteration_bounds = array<i64: 2, 16>, scalar_prefetch = 0 : i64, scratch_operands = 9 : i64, tpu.core_type = #tpu.core_type<sc_vector_subcore>, window_params = [{transform_indices = #map}, {transform_indices = #map}, {transform_indices = #map1}, {transform_indices = #map1}, {transform_indices = #map1}]} {
    %mul3A = arith.constant 2 : i32
    %mul3A_0 = arith.muli %arg1, %mul3A : i32
    %add3A = arith.addi %mul3A_0, %arg0 : i32
    %iota3A = tpu.iota {dimensions = array<i32: 0>} : vector<16xi32>
    "tpu.region"() ({
      %run_scoped3A = tpu.sem_alloc : memref<!tpu.dma_semaphore, #tpu.memory_space<semaphore_mem>>
      tpu.enqueue_dma source(%arg4 : memref<16384xi32, #tpu.memory_space<hbm>>) target(%arg7 : memref<16384xi32, #tpu.memory_space<vmem>>) target_semaphore(%run_scoped3A : memref<!tpu.dma_semaphore, #tpu.memory_space<semaphore_mem>>)
      tpu.wait_dma2 semaphore(%run_scoped3A : memref<!tpu.dma_semaphore, #tpu.memory_space<semaphore_mem>>) src(%arg4 : memref<16384xi32, #tpu.memory_space<hbm>>) dst(%arg7 : memref<16384xi32, #tpu.memory_space<vmem>>)
      tpu.yield
    }) : () -> ()
    %scan3A = arith.constant 0 : i32
    %scan3A_1 = arith.constant 0 : i32
    %scan3A_2 = arith.constant 0 : i32
    %scan3A_3 = arith.constant 32 : i32
    %scan3A_4 = arith.addi %scan3A_2, %scan3A_3 : i32
    %scan3A_5 = arith.constant 1 : i32
    %scan3A_6:2 = scf.for %scan3A_56 = %scan3A_2 to %scan3A_4 step %scan3A_5 iter_args(%scan3A_57 = %scan3A, %scan3A_58 = %scan3A_1) -> (i32, i32)  : i32 {
      %broadcast_in_dim3A_59 = arith.constant 0 : i32
      %broadcast_in_dim3A_60 = vector.broadcast %broadcast_in_dim3A_59 : i32 to vector<16xi32>
      %scan3A_61 = arith.constant 0 : i32
      %scan3A_62 = arith.constant 32 : i32
      %scan3A_63 = arith.addi %scan3A_61, %scan3A_62 : i32
      %scan3A_64 = arith.constant 1 : i32
      %scan3A_65:3 = scf.for %scan3A_103 = %scan3A_61 to %scan3A_63 step %scan3A_64 iter_args(%scan3A_104 = %broadcast_in_dim3A_60, %scan3A_105 = %broadcast_in_dim3A_60, %scan3A_106 = %broadcast_in_dim3A_60) -> (vector<16xi32>, vector<16xi32>, vector<16xi32>)  : i32 {
        %mul3A_107 = arith.constant 512 : i32
        %mul3A_108 = arith.muli %scan3A_103, %mul3A_107 : i32
        %mul3A_109 = arith.constant 16 : i32
        %mul3A_110 = arith.muli %scan3A_56, %mul3A_109 : i32
        %add3A_111 = arith.addi %mul3A_108, %mul3A_110 : i32
        %get3A = arith.index_cast %add3A_111 : i32 to index
        %get3A_112 = tpu.vector_load %arg7[%get3A] {strides = array<i32>} : memref<16384xi32, #tpu.memory_space<vmem>>, vector<16xi32>,
        %add3A_113 = arith.constant 15 : i32
        %add3A_114 = vector.broadcast %add3A_113 : i32 to vector<16xi32>
        %add3A_115 = arith.addi %get3A_112, %add3A_114 : vector<16xi32>
        %and3A = arith.constant -16 : i32
        %and3A_116 = vector.broadcast %and3A : i32 to vector<16xi32>
        %and3A_117 = arith.andi %add3A_115, %and3A_116 : vector<16xi32>
        %broadcast_in_dim3A_118 = arith.constant 0 : i32
        %broadcast_in_dim3A_119 = vector.broadcast %broadcast_in_dim3A_118 : i32 to vector<16xi32>
        %lt3A = arith.cmpi slt, %scan3A_103, %add3A : i32
        %select_n3A_120 = arith.select %lt3A, %and3A_117, %broadcast_in_dim3A_119 : vector<16xi32>
        %add3A_121 = arith.addi %scan3A_105, %select_n3A_120 : vector<16xi32>
        %eq3A_122 = arith.cmpi eq, %scan3A_103, %add3A : i32
        %select_n3A_123 = arith.select %eq3A_122, %and3A_117, %broadcast_in_dim3A_119 : vector<16xi32>
        %add3A_124 = arith.addi %scan3A_106, %select_n3A_123 : vector<16xi32>
        %add3A_125 = arith.addi %scan3A_104, %and3A_117 : vector<16xi32>
        scf.yield %add3A_125, %add3A_121, %add3A_124 : vector<16xi32>, vector<16xi32>, vector<16xi32>
      }
      %scan3A_66 = arith.constant 32 : i32
      %broadcast_in_dim3A_67 = arith.constant true
      %broadcast_in_dim3A_68 = vector.broadcast %broadcast_in_dim3A_67 : i1 to vector<16xi1>
      %masked_cumsum3A = tpu.scan <sum>, %scan3A_65#0 masked %broadcast_in_dim3A_68 : vector<16xi32>, vector<16xi1> -> vector<16xi32>
      %sub3A = arith.subi %masked_cumsum3A, %scan3A_65#0 : vector<16xi32>
      %add3A_69 = vector.broadcast %scan3A_57 : i32 to vector<16xi32>
      %add3A_70 = arith.addi %sub3A, %add3A_69 : vector<16xi32>
      %add3A_71 = arith.addi %add3A_70, %scan3A_65#1 : vector<16xi32>
      %mul3A_72 = arith.constant 16 : i32
      %mul3A_73 = arith.muli %scan3A_56, %mul3A_72 : i32
      %swap3A_74 = arith.index_cast %mul3A_73 : i32 to index
      %swap3A_75 = tpu.vector_load %arg8[%swap3A_74] {strides = array<i32>} : memref<512xi32, #tpu.memory_space<vmem>>, vector<16xi32>,
      tpu.vector_store %arg8[%swap3A_74], %add3A_71 {strides = array<i32>} : memref<512xi32, #tpu.memory_space<vmem>>, vector<16xi32>,
      %mul3A_76 = arith.constant 16 : i32
      %mul3A_77 = arith.muli %scan3A_56, %mul3A_76 : i32
      %swap3A_78 = arith.index_cast %mul3A_77 : i32 to index
      %swap3A_79 = tpu.vector_load %arg11[%swap3A_78] {strides = array<i32>} : memref<544xi32, #tpu.memory_space<vmem>>, vector<16xi32>,
      tpu.vector_store %arg11[%swap3A_78], %add3A_70 {strides = array<i32>} : memref<544xi32, #tpu.memory_space<vmem>>, vector<16xi32>,
      %broadcast_in_dim3A_80 = arith.constant true
      %broadcast_in_dim3A_81 = vector.broadcast %broadcast_in_dim3A_80 : i1 to vector<16xi1>
      %masked_cumsum3A_82 = tpu.scan <sum>, %scan3A_65#2 masked %broadcast_in_dim3A_81 : vector<16xi32>, vector<16xi1> -> vector<16xi32>
      %sub3A_83 = arith.subi %masked_cumsum3A_82, %scan3A_65#2 : vector<16xi32>
      %add3A_84 = vector.broadcast %scan3A_58 : i32 to vector<16xi32>
      %add3A_85 = arith.addi %sub3A_83, %add3A_84 : vector<16xi32>
      %mul3A_86 = arith.constant 16 : i32
      %mul3A_87 = arith.muli %scan3A_56, %mul3A_86 : i32
      %swap3A_88 = arith.index_cast %mul3A_87 : i32 to index
      %swap3A_89 = tpu.vector_load %arg9[%swap3A_88] {strides = array<i32>} : memref<528xi32, #tpu.memory_space<vmem>>, vector<16xi32>,
      tpu.vector_store %arg9[%swap3A_88], %add3A_85 {strides = array<i32>} : memref<528xi32, #tpu.memory_space<vmem>>, vector<16xi32>,
      %mul3A_90 = arith.constant 16 : i32
      %mul3A_91 = arith.muli %scan3A_56, %mul3A_90 : i32
      %swap3A_92 = arith.index_cast %mul3A_91 : i32 to index
      %swap3A_93 = tpu.vector_load %arg10[%swap3A_92] {strides = array<i32>} : memref<512xi32, #tpu.memory_space<vmem>>, vector<16xi32>,
      tpu.vector_store %arg10[%swap3A_92], %add3A_85 {strides = array<i32>} : memref<512xi32, #tpu.memory_space<vmem>>, vector<16xi32>,
      %reduce_sum3A = arith.constant true
      %reduce_sum3A_94 = vector.broadcast %reduce_sum3A : i1 to vector<16xi1>
      %reduce_sum3A_95 = tpu.scan <sum>, %scan3A_65#0 masked %reduce_sum3A_94 : vector<16xi32>, vector<16xi1> -> vector<16xi32>
      %reduce_sum3A_96 = vector.extract %reduce_sum3A_95[15] : i32 from vector<16xi32>
      %add3A_97 = arith.addi %scan3A_57, %reduce_sum3A_96 : i32
      %reduce_sum3A_98 = arith.constant true
      %reduce_sum3A_99 = vector.broadcast %reduce_sum3A_98 : i1 to vector<16xi1>
      %reduce_sum3A_100 = tpu.scan <sum>, %scan3A_65#2 masked %reduce_sum3A_99 : vector<16xi32>, vector<16xi1> -> vector<16xi32>
      %reduce_sum3A_101 = vector.extract %reduce_sum3A_100[15] : i32 from vector<16xi32>
      %add3A_102 = arith.addi %scan3A_58, %reduce_sum3A_101 : i32
      scf.yield %add3A_97, %add3A_102 : i32, i32
    }
    %scan3A_7 = arith.constant 32 : i32
    %eq3A = arith.constant 0 : i32
    %eq3A_8 = vector.broadcast %eq3A : i32 to vector<16xi32>
    %eq3A_9 = arith.cmpi eq, %iota3A, %eq3A_8 : vector<16xi32>
    %jit3A = arith.constant 0 : i32
    %broadcast_in_dim3A = vector.broadcast %scan3A_6#0 : i32 to vector<16xi32>
    %broadcast_in_dim3A_10 = vector.broadcast %jit3A : i32 to vector<16xi32>
    %select_n3A = arith.select %eq3A_9, %broadcast_in_dim3A, %broadcast_in_dim3A_10 : vector<16xi1>, vector<16xi32>
    %swap3A = arith.constant 512 : index
    %swap3A_11 = tpu.vector_load %arg11[%swap3A] {strides = array<i32>} : memref<544xi32, #tpu.memory_space<vmem>>, vector<16xi32>,
    tpu.vector_store %arg11[%swap3A], %select_n3A {strides = array<i32>} : memref<544xi32, #tpu.memory_space<vmem>>, vector<16xi32>,
    %broadcast_in_dim3A_12 = arith.constant 0 : i32
    %broadcast_in_dim3A_13 = vector.broadcast %broadcast_in_dim3A_12 : i32 to vector<16xi32>
    %swap3A_14 = arith.constant 528 : index
    %swap3A_15 = tpu.vector_load %arg11[%swap3A_14] {strides = array<i32>} : memref<544xi32, #tpu.memory_space<vmem>>, vector<16xi32>,
    tpu.vector_store %arg11[%swap3A_14], %broadcast_in_dim3A_13 {strides = array<i32>} : memref<544xi32, #tpu.memory_space<vmem>>, vector<16xi32>,
    %eq3A_16 = arith.constant 0 : i32
    %eq3A_17 = vector.broadcast %eq3A_16 : i32 to vector<16xi32>
    %eq3A_18 = arith.cmpi eq, %iota3A, %eq3A_17 : vector<16xi32>
    %jit3A_19 = arith.constant 0 : i32
    %broadcast_in_dim3A_20 = vector.broadcast %scan3A_6#1 : i32 to vector<16xi32>
    %broadcast_in_dim3A_21 = vector.broadcast %jit3A_19 : i32 to vector<16xi32>
    %select_n3A_22 = arith.select %eq3A_18, %broadcast_in_dim3A_20, %broadcast_in_dim3A_21 : vector<16xi1>, vector<16xi32>
    %swap3A_23 = arith.constant 512 : index
    %swap3A_24 = tpu.vector_load %arg9[%swap3A_23] {strides = array<i32>} : memref<528xi32, #tpu.memory_space<vmem>>, vector<16xi32>,
    tpu.vector_store %arg9[%swap3A_23], %select_n3A_22 {strides = array<i32>} : memref<528xi32, #tpu.memory_space<vmem>>, vector<16xi32>,
    %eq3A_25 = arith.constant 0 : i32
    %eq3A_26 = arith.cmpi eq, %add3A, %eq3A_25 : i32
    %convert_element_type3A = arith.extui %eq3A_26 : i1 to i32
    %cond3A = arith.constant 0 : i32
    %cond3A_27 = arith.cmpi ne, %convert_element_type3A, %cond3A : i32
    scf.if %cond3A_27 {
      "tpu.region"() ({
        %run_scoped3A = tpu.sem_alloc : memref<!tpu.dma_semaphore, #tpu.memory_space<semaphore_mem>>
        tpu.enqueue_dma source(%arg11 : memref<544xi32, #tpu.memory_space<vmem>>) target(%arg6 : memref<544xi32, #tpu.memory_space<hbm>>) target_semaphore(%run_scoped3A : memref<!tpu.dma_semaphore, #tpu.memory_space<semaphore_mem>>)
        tpu.wait_dma2 semaphore(%run_scoped3A : memref<!tpu.dma_semaphore, #tpu.memory_space<semaphore_mem>>) src(%arg11 : memref<544xi32, #tpu.memory_space<vmem>>) dst(%arg6 : memref<544xi32, #tpu.memory_space<hbm>>)
        tpu.yield
      }) : () -> ()
    } else {
    }
    %scan3A_28 = arith.constant 0 : i32
    %scan3A_29 = arith.constant 0 : i32
    %scan3A_30 = arith.constant 5120 : i32
    %scan3A_31 = arith.addi %scan3A_29, %scan3A_30 : i32
    %scan3A_32 = arith.constant 1 : i32
    %scan3A_33 = scf.for %scan3A_56 = %scan3A_29 to %scan3A_31 step %scan3A_32 iter_args(%scan3A_57 = %scan3A_28) -> (i32)  : i32 {
      %broadcast_in_dim3A_58 = arith.constant -1 : i32
      %broadcast_in_dim3A_59 = vector.broadcast %broadcast_in_dim3A_58 : i32 to vector<16xi32>
      %mul3A_60 = arith.constant 16 : i32
      %mul3A_61 = arith.muli %scan3A_56, %mul3A_60 : i32
      %swap3A_62 = arith.index_cast %mul3A_61 : i32 to index
      %swap3A_63 = tpu.vector_load %arg14[%swap3A_62] {strides = array<i32>} : memref<81920xi32, #tpu.memory_space<vmem>>, vector<16xi32>,
      tpu.vector_store %arg14[%swap3A_62], %broadcast_in_dim3A_59 {strides = array<i32>} : memref<81920xi32, #tpu.memory_space<vmem>>, vector<16xi32>,
      %scan3A_64 = arith.constant 0 : i32
      scf.yield %scan3A_64 : i32
    }
    %scan3A_34 = arith.constant 5120 : i32
    %scan3A_35 = arith.constant 0 : i32
    %scan3A_36 = arith.constant 0 : i32
    %scan3A_37 = arith.constant 16 : i32
    %scan3A_38 = arith.addi %scan3A_36, %scan3A_37 : i32
    %scan3A_39 = arith.constant 1 : i32
    %scan3A_40 = scf.for %scan3A_56 = %scan3A_36 to %scan3A_38 step %scan3A_39 iter_args(%scan3A_57 = %scan3A_35) -> (i32)  : i32 {
      %mul3A_58 = arith.constant 256 : i32
      %mul3A_59 = arith.muli %add3A, %mul3A_58 : i32
      %mul3A_60 = arith.constant 16 : i32
      %mul3A_61 = arith.muli %scan3A_56, %mul3A_60 : i32
      %add3A_62 = arith.addi %mul3A_59, %mul3A_61 : i32
      "tpu.region"() ({
        %run_scoped3A = tpu.sem_alloc : memref<!tpu.dma_semaphore, #tpu.memory_space<semaphore_mem>>
        %dma_start3A = arith.constant 0 : i32
        %dma_start3A_71 = tpu.memref_slice %arg2[%add3A_62, %dma_start3A] : memref<8192x128xi32, #tpu.memory_space<hbm>> -> memref<16x128xi32, #tpu.memory_space<hbm>>
        %dma_start3A_72 = arith.constant 0 : i32
        %dma_start3A_73 = tpu.memref_slice %arg2[%add3A_62, %dma_start3A_72] : memref<8192x128xi32, #tpu.memory_space<hbm>> -> memref<16x128xi32, #tpu.memory_space<hbm>>
        tpu.enqueue_dma source(%dma_start3A_73 : memref<16x128xi32, #tpu.memory_space<hbm>>) target(%arg12 : memref<16x128xi32, #tpu.memory_space<vmem>>) target_semaphore(%run_scoped3A : memref<!tpu.dma_semaphore, #tpu.memory_space<semaphore_mem>>)
        %dma_wait3A = arith.constant 0 : i32
        %dma_wait3A_74 = tpu.memref_slice %arg2[%add3A_62, %dma_wait3A] : memref<8192x128xi32, #tpu.memory_space<hbm>> -> memref<16x128xi32, #tpu.memory_space<hbm>>
        %dma_wait3A_75 = arith.constant 0 : i32
        %dma_wait3A_76 = tpu.memref_slice %arg2[%add3A_62, %dma_wait3A_75] : memref<8192x128xi32, #tpu.memory_space<hbm>> -> memref<16x128xi32, #tpu.memory_space<hbm>>
        tpu.wait_dma2 semaphore(%run_scoped3A : memref<!tpu.dma_semaphore, #tpu.memory_space<semaphore_mem>>) src(%dma_wait3A_76 : memref<16x128xi32, #tpu.memory_space<hbm>>) dst(%arg12 : memref<16x128xi32, #tpu.memory_space<vmem>>)
        tpu.yield
      }) : () -> ()
      "tpu.region"() ({
        %run_scoped3A = tpu.sem_alloc : memref<!tpu.dma_semaphore, #tpu.memory_space<semaphore_mem>>
        %dma_start3A = arith.constant 0 : i32
        %dma_start3A_71 = tpu.memref_slice %arg3[%add3A_62, %dma_start3A] : memref<8192x128xf32, #tpu.memory_space<hbm>> -> memref<16x128xf32, #tpu.memory_space<hbm>>
        %dma_start3A_72 = arith.constant 0 : i32
        %dma_start3A_73 = tpu.memref_slice %arg3[%add3A_62, %dma_start3A_72] : memref<8192x128xf32, #tpu.memory_space<hbm>> -> memref<16x128xf32, #tpu.memory_space<hbm>>
        tpu.enqueue_dma source(%dma_start3A_73 : memref<16x128xf32, #tpu.memory_space<hbm>>) target(%arg13 : memref<16x128xf32, #tpu.memory_space<vmem>>) target_semaphore(%run_scoped3A : memref<!tpu.dma_semaphore, #tpu.memory_space<semaphore_mem>>)
        %dma_wait3A = arith.constant 0 : i32
        %dma_wait3A_74 = tpu.memref_slice %arg3[%add3A_62, %dma_wait3A] : memref<8192x128xf32, #tpu.memory_space<hbm>> -> memref<16x128xf32, #tpu.memory_space<hbm>>
        %dma_wait3A_75 = arith.constant 0 : i32
        %dma_wait3A_76 = tpu.memref_slice %arg3[%add3A_62, %dma_wait3A_75] : memref<8192x128xf32, #tpu.memory_space<hbm>> -> memref<16x128xf32, #tpu.memory_space<hbm>>
        tpu.wait_dma2 semaphore(%run_scoped3A : memref<!tpu.dma_semaphore, #tpu.memory_space<semaphore_mem>>) src(%dma_wait3A_76 : memref<16x128xf32, #tpu.memory_space<hbm>>) dst(%arg13 : memref<16x128xf32, #tpu.memory_space<vmem>>)
        tpu.yield
      }) : () -> ()
      %scan3A_63 = arith.constant 0 : i32
      %scan3A_64 = arith.constant 0 : i32
      %scan3A_65 = arith.constant 16 : i32
      %scan3A_66 = arith.addi %scan3A_64, %scan3A_65 : i32
      %scan3A_67 = arith.constant 1 : i32
      %scan3A_68 = scf.for %scan3A_71 = %scan3A_64 to %scan3A_66 step %scan3A_67 iter_args(%scan3A_72 = %scan3A_63) -> (i32)  : i32 {
        %get3A = arith.index_cast %scan3A_71 : i32 to index
        %get3A_73 = arith.constant 0 : index
        %get3A_74 = tpu.vector_load %arg12[%get3A, %get3A_73] {strides = array<i32>} : memref<16x128xi32, #tpu.memory_space<vmem>>, vector<16xi32>,
        %get3A_75 = arith.index_cast %scan3A_71 : i32 to index
        %get3A_76 = arith.constant 0 : index
        %get3A_77 = tpu.vector_load %arg13[%get3A_75, %get3A_76] {strides = array<i32>} : memref<16x128xf32, #tpu.memory_space<vmem>>, vector<16xf32>,
        %shift_right_arithmetic3A = arith.constant 15 : i32
        %shift_right_arithmetic3A_78 = vector.broadcast %shift_right_arithmetic3A : i32 to vector<16xi32>
        %shift_right_arithmetic3A_79 = arith.shrsi %get3A_74, %shift_right_arithmetic3A_78 : vector<16xi32>
        %broadcast_in_dim3A_80 = arith.constant true
        %broadcast_in_dim3A_81 = vector.broadcast %broadcast_in_dim3A_80 : i1 to vector<16xi1>
        %unique3A, %unique3A_82 = tpu.scan_count mask(%broadcast_in_dim3A_81 : vector<16xi1>) value(%shift_right_arithmetic3A_79 : vector<16xi32>) : vector<16xi1>, vector<16xi32>
        %gather3A = tpu.vector_load_idx %arg10[%shift_right_arithmetic3A_79] : memref<512xi32, #tpu.memory_space<vmem>>[vector<16xi32>], vector<16xi32>,
        %add3A_83 = arith.addi %gather3A, %unique3A_82 : vector<16xi32>
        %sub3A = arith.constant 1 : i32
        %sub3A_84 = vector.broadcast %sub3A : i32 to vector<16xi32>
        %sub3A_85 = arith.subi %add3A_83, %sub3A_84 : vector<16xi32>
        %add3A_86 = arith.constant 1 : i32
        %add3A_87 = vector.broadcast %add3A_86 : i32 to vector<16xi32>
        %add3A_88 = arith.addi %sub3A_85, %add3A_87 : vector<16xi32>
        tpu.vector_store_idx %arg10[%shift_right_arithmetic3A_79], %add3A_88 masked %unique3A : memref<512xi32, #tpu.memory_space<vmem>>[vector<16xi32>], vector<16xi32>, vector<16xi1>
        %jit3A_89 = arith.constant 0 : i32
        %jit3A_90 = arith.constant 40959 : i32
        %max3A = vector.broadcast %jit3A_89 : i32 to vector<16xi32>
        %max3A_91 = arith.maxsi %max3A, %sub3A_85 : vector<16xi32>
        %min3A = vector.broadcast %jit3A_90 : i32 to vector<16xi32>
        %min3A_92 = arith.minsi %min3A, %max3A_91 : vector<16xi32>
        %mul3A_93 = arith.constant 2 : i32
        %mul3A_94 = vector.broadcast %mul3A_93 : i32 to vector<16xi32>
        %mul3A_95 = arith.muli %mul3A_94, %min3A_92 : vector<16xi32>
        tpu.vector_store_idx %arg14[%mul3A_95], %get3A_74 : memref<81920xi32, #tpu.memory_space<vmem>>[vector<16xi32>], vector<16xi32>,
        %mul3A_96 = arith.constant 2 : i32
        %mul3A_97 = vector.broadcast %mul3A_96 : i32 to vector<16xi32>
        %mul3A_98 = arith.muli %mul3A_97, %min3A_92 : vector<16xi32>
        %add3A_99 = arith.constant 1 : i32
        %add3A_100 = vector.broadcast %add3A_99 : i32 to vector<16xi32>
        %add3A_101 = arith.addi %mul3A_98, %add3A_100 : vector<16xi32>
        %bitcast3A = vector.bitcast %get3A_77 : vector<16xf32> to vector<16xi32>
        tpu.vector_store_idx %arg14[%add3A_101], %bitcast3A : memref<81920xi32, #tpu.memory_space<vmem>>[vector<16xi32>], vector<16xi32>,
        %get3A_102 = arith.index_cast %scan3A_71 : i32 to index
        %get3A_103 = arith.constant 16 : index
        %get3A_104 = tpu.vector_load %arg12[%get3A_102, %get3A_103] {strides = array<i32>} : memref<16x128xi32, #tpu.memory_space<vmem>>, vector<16xi32>,
        %get3A_105 = arith.index_cast %scan3A_71 : i32 to index
        %get3A_106 = arith.constant 16 : index
        %get3A_107 = tpu.vector_load %arg13[%get3A_105, %get3A_106] {strides = array<i32>} : memref<16x128xf32, #tpu.memory_space<vmem>>, vector<16xf32>,
        %shift_right_arithmetic3A_108 = arith.constant 15 : i32
        %shift_right_arithmetic3A_109 = vector.broadcast %shift_right_arithmetic3A_108 : i32 to vector<16xi32>
        %shift_right_arithmetic3A_110 = arith.shrsi %get3A_104, %shift_right_arithmetic3A_109 : vector<16xi32>
        %broadcast_in_dim3A_111 = arith.constant true
        %broadcast_in_dim3A_112 = vector.broadcast %broadcast_in_dim3A_111 : i1 to vector<16xi1>
        %unique3A_113, %unique3A_114 = tpu.scan_count mask(%broadcast_in_dim3A_112 : vector<16xi1>) value(%shift_right_arithmetic3A_110 : vector<16xi32>) : vector<16xi1>, vector<16xi32>
        %gather3A_115 = tpu.vector_load_idx %arg10[%shift_right_arithmetic3A_110] : memref<512xi32, #tpu.memory_space<vmem>>[vector<16xi32>], vector<16xi32>,
        %add3A_116 = arith.addi %gather3A_115, %unique3A_114 : vector<16xi32>
        %sub3A_117 = arith.constant 1 : i32
        %sub3A_118 = vector.broadcast %sub3A_117 : i32 to vector<16xi32>
        %sub3A_119 = arith.subi %add3A_116, %sub3A_118 : vector<16xi32>
        %add3A_120 = arith.constant 1 : i32
        %add3A_121 = vector.broadcast %add3A_120 : i32 to vector<16xi32>
        %add3A_122 = arith.addi %sub3A_119, %add3A_121 : vector<16xi32>
        tpu.vector_store_idx %arg10[%shift_right_arithmetic3A_110], %add3A_122 masked %unique3A_113 : memref<512xi32, #tpu.memory_space<vmem>>[vector<16xi32>], vector<16xi32>, vector<16xi1>
        %jit3A_123 = arith.constant 0 : i32
        %jit3A_124 = arith.constant 40959 : i32
        %max3A_125 = vector.broadcast %jit3A_123 : i32 to vector<16xi32>
        %max3A_126 = arith.maxsi %max3A_125, %sub3A_119 : vector<16xi32>
        %min3A_127 = vector.broadcast %jit3A_124 : i32 to vector<16xi32>
        %min3A_128 = arith.minsi %min3A_127, %max3A_126 : vector<16xi32>
        %mul3A_129 = arith.constant 2 : i32
        %mul3A_130 = vector.broadcast %mul3A_129 : i32 to vector<16xi32>
        %mul3A_131 = arith.muli %mul3A_130, %min3A_128 : vector<16xi32>
        tpu.vector_store_idx %arg14[%mul3A_131], %get3A_104 : memref<81920xi32, #tpu.memory_space<vmem>>[vector<16xi32>], vector<16xi32>,
        %mul3A_132 = arith.constant 2 : i32
        %mul3A_133 = vector.broadcast %mul3A_132 : i32 to vector<16xi32>
        %mul3A_134 = arith.muli %mul3A_133, %min3A_128 : vector<16xi32>
        %add3A_135 = arith.constant 1 : i32
        %add3A_136 = vector.broadcast %add3A_135 : i32 to vector<16xi32>
        %add3A_137 = arith.addi %mul3A_134, %add3A_136 : vector<16xi32>
        %bitcast3A_138 = vector.bitcast %get3A_107 : vector<16xf32> to vector<16xi32>
        tpu.vector_store_idx %arg14[%add3A_137], %bitcast3A_138 : memref<81920xi32, #tpu.memory_space<vmem>>[vector<16xi32>], vector<16xi32>,
        %get3A_139 = arith.index_cast %scan3A_71 : i32 to index
        %get3A_140 = arith.constant 32 : index
        %get3A_141 = tpu.vector_load %arg12[%get3A_139, %get3A_140] {strides = array<i32>} : memref<16x128xi32, #tpu.memory_space<vmem>>, vector<16xi32>,
        %get3A_142 = arith.index_cast %scan3A_71 : i32 to index
        %get3A_143 = arith.constant 32 : index
        %get3A_144 = tpu.vector_load %arg13[%get3A_142, %get3A_143] {strides = array<i32>} : memref<16x128xf32, #tpu.memory_space<vmem>>, vector<16xf32>,
        %shift_right_arithmetic3A_145 = arith.constant 15 : i32
        %shift_right_arithmetic3A_146 = vector.broadcast %shift_right_arithmetic3A_145 : i32 to vector<16xi32>
        %shift_right_arithmetic3A_147 = arith.shrsi %get3A_141, %shift_right_arithmetic3A_146 : vector<16xi32>
        %broadcast_in_dim3A_148 = arith.constant true
        %broadcast_in_dim3A_149 = vector.broadcast %broadcast_in_dim3A_148 : i1 to vector<16xi1>
        %unique3A_150, %unique3A_151 = tpu.scan_count mask(%broadcast_in_dim3A_149 : vector<16xi1>) value(%shift_right_arithmetic3A_147 : vector<16xi32>) : vector<16xi1>, vector<16xi32>
        %gather3A_152 = tpu.vector_load_idx %arg10[%shift_right_arithmetic3A_147] : memref<512xi32, #tpu.memory_space<vmem>>[vector<16xi32>], vector<16xi32>,
        %add3A_153 = arith.addi %gather3A_152, %unique3A_151 : vector<16xi32>
        %sub3A_154 = arith.constant 1 : i32
        %sub3A_155 = vector.broadcast %sub3A_154 : i32 to vector<16xi32>
        %sub3A_156 = arith.subi %add3A_153, %sub3A_155 : vector<16xi32>
        %add3A_157 = arith.constant 1 : i32
        %add3A_158 = vector.broadcast %add3A_157 : i32 to vector<16xi32>
        %add3A_159 = arith.addi %sub3A_156, %add3A_158 : vector<16xi32>
        tpu.vector_store_idx %arg10[%shift_right_arithmetic3A_147], %add3A_159 masked %unique3A_150 : memref<512xi32, #tpu.memory_space<vmem>>[vector<16xi32>], vector<16xi32>, vector<16xi1>
        %jit3A_160 = arith.constant 0 : i32
        %jit3A_161 = arith.constant 40959 : i32
        %max3A_162 = vector.broadcast %jit3A_160 : i32 to vector<16xi32>
        %max3A_163 = arith.maxsi %max3A_162, %sub3A_156 : vector<16xi32>
        %min3A_164 = vector.broadcast %jit3A_161 : i32 to vector<16xi32>
        %min3A_165 = arith.minsi %min3A_164, %max3A_163 : vector<16xi32>
        %mul3A_166 = arith.constant 2 : i32
        %mul3A_167 = vector.broadcast %mul3A_166 : i32 to vector<16xi32>
        %mul3A_168 = arith.muli %mul3A_167, %min3A_165 : vector<16xi32>
        tpu.vector_store_idx %arg14[%mul3A_168], %get3A_141 : memref<81920xi32, #tpu.memory_space<vmem>>[vector<16xi32>], vector<16xi32>,
        %mul3A_169 = arith.constant 2 : i32
        %mul3A_170 = vector.broadcast %mul3A_169 : i32 to vector<16xi32>
        %mul3A_171 = arith.muli %mul3A_170, %min3A_165 : vector<16xi32>
        %add3A_172 = arith.constant 1 : i32
        %add3A_173 = vector.broadcast %add3A_172 : i32 to vector<16xi32>
        %add3A_174 = arith.addi %mul3A_171, %add3A_173 : vector<16xi32>
        %bitcast3A_175 = vector.bitcast %get3A_144 : vector<16xf32> to vector<16xi32>
        tpu.vector_store_idx %arg14[%add3A_174], %bitcast3A_175 : memref<81920xi32, #tpu.memory_space<vmem>>[vector<16xi32>], vector<16xi32>,
        %get3A_176 = arith.index_cast %scan3A_71 : i32 to index
        %get3A_177 = arith.constant 48 : index
        %get3A_178 = tpu.vector_load %arg12[%get3A_176, %get3A_177] {strides = array<i32>} : memref<16x128xi32, #tpu.memory_space<vmem>>, vector<16xi32>,
        %get3A_179 = arith.index_cast %scan3A_71 : i32 to index
        %get3A_180 = arith.constant 48 : index
        %get3A_181 = tpu.vector_load %arg13[%get3A_179, %get3A_180] {strides = array<i32>} : memref<16x128xf32, #tpu.memory_space<vmem>>, vector<16xf32>,
        %shift_right_arithmetic3A_182 = arith.constant 15 : i32
        %shift_right_arithmetic3A_183 = vector.broadcast %shift_right_arithmetic3A_182 : i32 to vector<16xi32>
        %shift_right_arithmetic3A_184 = arith.shrsi %get3A_178, %shift_right_arithmetic3A_183 : vector<16xi32>
        %broadcast_in_dim3A_185 = arith.constant true
        %broadcast_in_dim3A_186 = vector.broadcast %broadcast_in_dim3A_185 : i1 to vector<16xi1>
        %unique3A_187, %unique3A_188 = tpu.scan_count mask(%broadcast_in_dim3A_186 : vector<16xi1>) value(%shift_right_arithmetic3A_184 : vector<16xi32>) : vector<16xi1>, vector<16xi32>
        %gather3A_189 = tpu.vector_load_idx %arg10[%shift_right_arithmetic3A_184] : memref<512xi32, #tpu.memory_space<vmem>>[vector<16xi32>], vector<16xi32>,
        %add3A_190 = arith.addi %gather3A_189, %unique3A_188 : vector<16xi32>
        %sub3A_191 = arith.constant 1 : i32
        %sub3A_192 = vector.broadcast %sub3A_191 : i32 to vector<16xi32>
        %sub3A_193 = arith.subi %add3A_190, %sub3A_192 : vector<16xi32>
        %add3A_194 = arith.constant 1 : i32
        %add3A_195 = vector.broadcast %add3A_194 : i32 to vector<16xi32>
        %add3A_196 = arith.addi %sub3A_193, %add3A_195 : vector<16xi32>
        tpu.vector_store_idx %arg10[%shift_right_arithmetic3A_184], %add3A_196 masked %unique3A_187 : memref<512xi32, #tpu.memory_space<vmem>>[vector<16xi32>], vector<16xi32>, vector<16xi1>
        %jit3A_197 = arith.constant 0 : i32
        %jit3A_198 = arith.constant 40959 : i32
        %max3A_199 = vector.broadcast %jit3A_197 : i32 to vector<16xi32>
        %max3A_200 = arith.maxsi %max3A_199, %sub3A_193 : vector<16xi32>
        %min3A_201 = vector.broadcast %jit3A_198 : i32 to vector<16xi32>
        %min3A_202 = arith.minsi %min3A_201, %max3A_200 : vector<16xi32>
        %mul3A_203 = arith.constant 2 : i32
        %mul3A_204 = vector.broadcast %mul3A_203 : i32 to vector<16xi32>
        %mul3A_205 = arith.muli %mul3A_204, %min3A_202 : vector<16xi32>
        tpu.vector_store_idx %arg14[%mul3A_205], %get3A_178 : memref<81920xi32, #tpu.memory_space<vmem>>[vector<16xi32>], vector<16xi32>,
        %mul3A_206 = arith.constant 2 : i32
        %mul3A_207 = vector.broadcast %mul3A_206 : i32 to vector<16xi32>
        %mul3A_208 = arith.muli %mul3A_207, %min3A_202 : vector<16xi32>
        %add3A_209 = arith.constant 1 : i32
        %add3A_210 = vector.broadcast %add3A_209 : i32 to vector<16xi32>
        %add3A_211 = arith.addi %mul3A_208, %add3A_210 : vector<16xi32>
        %bitcast3A_212 = vector.bitcast %get3A_181 : vector<16xf32> to vector<16xi32>
        tpu.vector_store_idx %arg14[%add3A_211], %bitcast3A_212 : memref<81920xi32, #tpu.memory_space<vmem>>[vector<16xi32>], vector<16xi32>,
        %get3A_213 = arith.index_cast %scan3A_71 : i32 to index
        %get3A_214 = arith.constant 64 : index
        %get3A_215 = tpu.vector_load %arg12[%get3A_213, %get3A_214] {strides = array<i32>} : memref<16x128xi32, #tpu.memory_space<vmem>>, vector<16xi32>,
        %get3A_216 = arith.index_cast %scan3A_71 : i32 to index
        %get3A_217 = arith.constant 64 : index
        %get3A_218 = tpu.vector_load %arg13[%get3A_216, %get3A_217] {strides = array<i32>} : memref<16x128xf32, #tpu.memory_space<vmem>>, vector<16xf32>,
        %shift_right_arithmetic3A_219 = arith.constant 15 : i32
        %shift_right_arithmetic3A_220 = vector.broadcast %shift_right_arithmetic3A_219 : i32 to vector<16xi32>
        %shift_right_arithmetic3A_221 = arith.shrsi %get3A_215, %shift_right_arithmetic3A_220 : vector<16xi32>
        %broadcast_in_dim3A_222 = arith.constant true
        %broadcast_in_dim3A_223 = vector.broadcast %broadcast_in_dim3A_222 : i1 to vector<16xi1>
        %unique3A_224, %unique3A_225 = tpu.scan_count mask(%broadcast_in_dim3A_223 : vector<16xi1>) value(%shift_right_arithmetic3A_221 : vector<16xi32>) : vector<16xi1>, vector<16xi32>
        %gather3A_226 = tpu.vector_load_idx %arg10[%shift_right_arithmetic3A_221] : memref<512xi32, #tpu.memory_space<vmem>>[vector<16xi32>], vector<16xi32>,
        %add3A_227 = arith.addi %gather3A_226, %unique3A_225 : vector<16xi32>
        %sub3A_228 = arith.constant 1 : i32
        %sub3A_229 = vector.broadcast %sub3A_228 : i32 to vector<16xi32>
        %sub3A_230 = arith.subi %add3A_227, %sub3A_229 : vector<16xi32>
        %add3A_231 = arith.constant 1 : i32
        %add3A_232 = vector.broadcast %add3A_231 : i32 to vector<16xi32>
        %add3A_233 = arith.addi %sub3A_230, %add3A_232 : vector<16xi32>
        tpu.vector_store_idx %arg10[%shift_right_arithmetic3A_221], %add3A_233 masked %unique3A_224 : memref<512xi32, #tpu.memory_space<vmem>>[vector<16xi32>], vector<16xi32>, vector<16xi1>
        %jit3A_234 = arith.constant 0 : i32
        %jit3A_235 = arith.constant 40959 : i32
        %max3A_236 = vector.broadcast %jit3A_234 : i32 to vector<16xi32>
        %max3A_237 = arith.maxsi %max3A_236, %sub3A_230 : vector<16xi32>
        %min3A_238 = vector.broadcast %jit3A_235 : i32 to vector<16xi32>
        %min3A_239 = arith.minsi %min3A_238, %max3A_237 : vector<16xi32>
        %mul3A_240 = arith.constant 2 : i32
        %mul3A_241 = vector.broadcast %mul3A_240 : i32 to vector<16xi32>
        %mul3A_242 = arith.muli %mul3A_241, %min3A_239 : vector<16xi32>
        tpu.vector_store_idx %arg14[%mul3A_242], %get3A_215 : memref<81920xi32, #tpu.memory_space<vmem>>[vector<16xi32>], vector<16xi32>,
        %mul3A_243 = arith.constant 2 : i32
        %mul3A_244 = vector.broadcast %mul3A_243 : i32 to vector<16xi32>
        %mul3A_245 = arith.muli %mul3A_244, %min3A_239 : vector<16xi32>
        %add3A_246 = arith.constant 1 : i32
        %add3A_247 = vector.broadcast %add3A_246 : i32 to vector<16xi32>
        %add3A_248 = arith.addi %mul3A_245, %add3A_247 : vector<16xi32>
        %bitcast3A_249 = vector.bitcast %get3A_218 : vector<16xf32> to vector<16xi32>
        tpu.vector_store_idx %arg14[%add3A_248], %bitcast3A_249 : memref<81920xi32, #tpu.memory_space<vmem>>[vector<16xi32>], vector<16xi32>,
        %get3A_250 = arith.index_cast %scan3A_71 : i32 to index
        %get3A_251 = arith.constant 80 : index
        %get3A_252 = tpu.vector_load %arg12[%get3A_250, %get3A_251] {strides = array<i32>} : memref<16x128xi32, #tpu.memory_space<vmem>>, vector<16xi32>,
        %get3A_253 = arith.index_cast %scan3A_71 : i32 to index
        %get3A_254 = arith.constant 80 : index
        %get3A_255 = tpu.vector_load %arg13[%get3A_253, %get3A_254] {strides = array<i32>} : memref<16x128xf32, #tpu.memory_space<vmem>>, vector<16xf32>,
        %shift_right_arithmetic3A_256 = arith.constant 15 : i32
        %shift_right_arithmetic3A_257 = vector.broadcast %shift_right_arithmetic3A_256 : i32 to vector<16xi32>
        %shift_right_arithmetic3A_258 = arith.shrsi %get3A_252, %shift_right_arithmetic3A_257 : vector<16xi32>
        %broadcast_in_dim3A_259 = arith.constant true
        %broadcast_in_dim3A_260 = vector.broadcast %broadcast_in_dim3A_259 : i1 to vector<16xi1>
        %unique3A_261, %unique3A_262 = tpu.scan_count mask(%broadcast_in_dim3A_260 : vector<16xi1>) value(%shift_right_arithmetic3A_258 : vector<16xi32>) : vector<16xi1>, vector<16xi32>
        %gather3A_263 = tpu.vector_load_idx %arg10[%shift_right_arithmetic3A_258] : memref<512xi32, #tpu.memory_space<vmem>>[vector<16xi32>], vector<16xi32>,
        %add3A_264 = arith.addi %gather3A_263, %unique3A_262 : vector<16xi32>
        %sub3A_265 = arith.constant 1 : i32
        %sub3A_266 = vector.broadcast %sub3A_265 : i32 to vector<16xi32>
        %sub3A_267 = arith.subi %add3A_264, %sub3A_266 : vector<16xi32>
        %add3A_268 = arith.constant 1 : i32
        %add3A_269 = vector.broadcast %add3A_268 : i32 to vector<16xi32>
        %add3A_270 = arith.addi %sub3A_267, %add3A_269 : vector<16xi32>
        tpu.vector_store_idx %arg10[%shift_right_arithmetic3A_258], %add3A_270 masked %unique3A_261 : memref<512xi32, #tpu.memory_space<vmem>>[vector<16xi32>], vector<16xi32>, vector<16xi1>
        %jit3A_271 = arith.constant 0 : i32
        %jit3A_272 = arith.constant 40959 : i32
        %max3A_273 = vector.broadcast %jit3A_271 : i32 to vector<16xi32>
        %max3A_274 = arith.maxsi %max3A_273, %sub3A_267 : vector<16xi32>
        %min3A_275 = vector.broadcast %jit3A_272 : i32 to vector<16xi32>
        %min3A_276 = arith.minsi %min3A_275, %max3A_274 : vector<16xi32>
        %mul3A_277 = arith.constant 2 : i32
        %mul3A_278 = vector.broadcast %mul3A_277 : i32 to vector<16xi32>
        %mul3A_279 = arith.muli %mul3A_278, %min3A_276 : vector<16xi32>
        tpu.vector_store_idx %arg14[%mul3A_279], %get3A_252 : memref<81920xi32, #tpu.memory_space<vmem>>[vector<16xi32>], vector<16xi32>,
        %mul3A_280 = arith.constant 2 : i32
        %mul3A_281 = vector.broadcast %mul3A_280 : i32 to vector<16xi32>
        %mul3A_282 = arith.muli %mul3A_281, %min3A_276 : vector<16xi32>
        %add3A_283 = arith.constant 1 : i32
        %add3A_284 = vector.broadcast %add3A_283 : i32 to vector<16xi32>
        %add3A_285 = arith.addi %mul3A_282, %add3A_284 : vector<16xi32>
        %bitcast3A_286 = vector.bitcast %get3A_255 : vector<16xf32> to vector<16xi32>
        tpu.vector_store_idx %arg14[%add3A_285], %bitcast3A_286 : memref<81920xi32, #tpu.memory_space<vmem>>[vector<16xi32>], vector<16xi32>,
        %get3A_287 = arith.index_cast %scan3A_71 : i32 to index
        %get3A_288 = arith.constant 96 : index
        %get3A_289 = tpu.vector_load %arg12[%get3A_287, %get3A_288] {strides = array<i32>} : memref<16x128xi32, #tpu.memory_space<vmem>>, vector<16xi32>,
        %get3A_290 = arith.index_cast %scan3A_71 : i32 to index
        %get3A_291 = arith.constant 96 : index
        %get3A_292 = tpu.vector_load %arg13[%get3A_290, %get3A_291] {strides = array<i32>} : memref<16x128xf32, #tpu.memory_space<vmem>>, vector<16xf32>,
        %shift_right_arithmetic3A_293 = arith.constant 15 : i32
        %shift_right_arithmetic3A_294 = vector.broadcast %shift_right_arithmetic3A_293 : i32 to vector<16xi32>
        %shift_right_arithmetic3A_295 = arith.shrsi %get3A_289, %shift_right_arithmetic3A_294 : vector<16xi32>
        %broadcast_in_dim3A_296 = arith.constant true
        %broadcast_in_dim3A_297 = vector.broadcast %broadcast_in_dim3A_296 : i1 to vector<16xi1>
        %unique3A_298, %unique3A_299 = tpu.scan_count mask(%broadcast_in_dim3A_297 : vector<16xi1>) value(%shift_right_arithmetic3A_295 : vector<16xi32>) : vector<16xi1>, vector<16xi32>
        %gather3A_300 = tpu.vector_load_idx %arg10[%shift_right_arithmetic3A_295] : memref<512xi32, #tpu.memory_space<vmem>>[vector<16xi32>], vector<16xi32>,
        %add3A_301 = arith.addi %gather3A_300, %unique3A_299 : vector<16xi32>
        %sub3A_302 = arith.constant 1 : i32
        %sub3A_303 = vector.broadcast %sub3A_302 : i32 to vector<16xi32>
        %sub3A_304 = arith.subi %add3A_301, %sub3A_303 : vector<16xi32>
        %add3A_305 = arith.constant 1 : i32
        %add3A_306 = vector.broadcast %add3A_305 : i32 to vector<16xi32>
        %add3A_307 = arith.addi %sub3A_304, %add3A_306 : vector<16xi32>
        tpu.vector_store_idx %arg10[%shift_right_arithmetic3A_295], %add3A_307 masked %unique3A_298 : memref<512xi32, #tpu.memory_space<vmem>>[vector<16xi32>], vector<16xi32>, vector<16xi1>
        %jit3A_308 = arith.constant 0 : i32
        %jit3A_309 = arith.constant 40959 : i32
        %max3A_310 = vector.broadcast %jit3A_308 : i32 to vector<16xi32>
        %max3A_311 = arith.maxsi %max3A_310, %sub3A_304 : vector<16xi32>
        %min3A_312 = vector.broadcast %jit3A_309 : i32 to vector<16xi32>
        %min3A_313 = arith.minsi %min3A_312, %max3A_311 : vector<16xi32>
        %mul3A_314 = arith.constant 2 : i32
        %mul3A_315 = vector.broadcast %mul3A_314 : i32 to vector<16xi32>
        %mul3A_316 = arith.muli %mul3A_315, %min3A_313 : vector<16xi32>
        tpu.vector_store_idx %arg14[%mul3A_316], %get3A_289 : memref<81920xi32, #tpu.memory_space<vmem>>[vector<16xi32>], vector<16xi32>,
        %mul3A_317 = arith.constant 2 : i32
        %mul3A_318 = vector.broadcast %mul3A_317 : i32 to vector<16xi32>
        %mul3A_319 = arith.muli %mul3A_318, %min3A_313 : vector<16xi32>
        %add3A_320 = arith.constant 1 : i32
        %add3A_321 = vector.broadcast %add3A_320 : i32 to vector<16xi32>
        %add3A_322 = arith.addi %mul3A_319, %add3A_321 : vector<16xi32>
        %bitcast3A_323 = vector.bitcast %get3A_292 : vector<16xf32> to vector<16xi32>
        tpu.vector_store_idx %arg14[%add3A_322], %bitcast3A_323 : memref<81920xi32, #tpu.memory_space<vmem>>[vector<16xi32>], vector<16xi32>,
        %get3A_324 = arith.index_cast %scan3A_71 : i32 to index
        %get3A_325 = arith.constant 112 : index
        %get3A_326 = tpu.vector_load %arg12[%get3A_324, %get3A_325] {strides = array<i32>} : memref<16x128xi32, #tpu.memory_space<vmem>>, vector<16xi32>,
        %get3A_327 = arith.index_cast %scan3A_71 : i32 to index
        %get3A_328 = arith.constant 112 : index
        %get3A_329 = tpu.vector_load %arg13[%get3A_327, %get3A_328] {strides = array<i32>} : memref<16x128xf32, #tpu.memory_space<vmem>>, vector<16xf32>,
        %shift_right_arithmetic3A_330 = arith.constant 15 : i32
        %shift_right_arithmetic3A_331 = vector.broadcast %shift_right_arithmetic3A_330 : i32 to vector<16xi32>
        %shift_right_arithmetic3A_332 = arith.shrsi %get3A_326, %shift_right_arithmetic3A_331 : vector<16xi32>
        %broadcast_in_dim3A_333 = arith.constant true
        %broadcast_in_dim3A_334 = vector.broadcast %broadcast_in_dim3A_333 : i1 to vector<16xi1>
        %unique3A_335, %unique3A_336 = tpu.scan_count mask(%broadcast_in_dim3A_334 : vector<16xi1>) value(%shift_right_arithmetic3A_332 : vector<16xi32>) : vector<16xi1>, vector<16xi32>
        %gather3A_337 = tpu.vector_load_idx %arg10[%shift_right_arithmetic3A_332] : memref<512xi32, #tpu.memory_space<vmem>>[vector<16xi32>], vector<16xi32>,
        %add3A_338 = arith.addi %gather3A_337, %unique3A_336 : vector<16xi32>
        %sub3A_339 = arith.constant 1 : i32
        %sub3A_340 = vector.broadcast %sub3A_339 : i32 to vector<16xi32>
        %sub3A_341 = arith.subi %add3A_338, %sub3A_340 : vector<16xi32>
        %add3A_342 = arith.constant 1 : i32
        %add3A_343 = vector.broadcast %add3A_342 : i32 to vector<16xi32>
        %add3A_344 = arith.addi %sub3A_341, %add3A_343 : vector<16xi32>
        tpu.vector_store_idx %arg10[%shift_right_arithmetic3A_332], %add3A_344 masked %unique3A_335 : memref<512xi32, #tpu.memory_space<vmem>>[vector<16xi32>], vector<16xi32>, vector<16xi1>
        %jit3A_345 = arith.constant 0 : i32
        %jit3A_346 = arith.constant 40959 : i32
        %max3A_347 = vector.broadcast %jit3A_345 : i32 to vector<16xi32>
        %max3A_348 = arith.maxsi %max3A_347, %sub3A_341 : vector<16xi32>
        %min3A_349 = vector.broadcast %jit3A_346 : i32 to vector<16xi32>
        %min3A_350 = arith.minsi %min3A_349, %max3A_348 : vector<16xi32>
        %mul3A_351 = arith.constant 2 : i32
        %mul3A_352 = vector.broadcast %mul3A_351 : i32 to vector<16xi32>
        %mul3A_353 = arith.muli %mul3A_352, %min3A_350 : vector<16xi32>
        tpu.vector_store_idx %arg14[%mul3A_353], %get3A_326 : memref<81920xi32, #tpu.memory_space<vmem>>[vector<16xi32>], vector<16xi32>,
        %mul3A_354 = arith.constant 2 : i32
        %mul3A_355 = vector.broadcast %mul3A_354 : i32 to vector<16xi32>
        %mul3A_356 = arith.muli %mul3A_355, %min3A_350 : vector<16xi32>
        %add3A_357 = arith.constant 1 : i32
        %add3A_358 = vector.broadcast %add3A_357 : i32 to vector<16xi32>
        %add3A_359 = arith.addi %mul3A_356, %add3A_358 : vector<16xi32>
        %bitcast3A_360 = vector.bitcast %get3A_329 : vector<16xf32> to vector<16xi32>
        tpu.vector_store_idx %arg14[%add3A_359], %bitcast3A_360 : memref<81920xi32, #tpu.memory_space<vmem>>[vector<16xi32>], vector<16xi32>,
        %scan3A_361 = arith.constant 0 : i32
        scf.yield %scan3A_361 : i32
      }
      %scan3A_69 = arith.constant 16 : i32
      %scan3A_70 = arith.constant 0 : i32
      scf.yield %scan3A_70 : i32
    }
    %scan3A_41 = arith.constant 16 : i32
    %scan3A_42 = arith.constant 0 : i32
    %scan3A_43 = arith.constant 0 : i32
    %scan3A_44 = arith.constant 512 : i32
    %scan3A_45 = arith.addi %scan3A_43, %scan3A_44 : i32
    %scan3A_46 = arith.constant 1 : i32
    %scan3A_47 = scf.for %scan3A_56 = %scan3A_43 to %scan3A_45 step %scan3A_46 iter_args(%scan3A_57 = %scan3A_42) -> (i32)  : i32 {
      %min3A = arith.constant 1 : i32
      %min3A_58 = vector.broadcast %min3A : i32 to vector<16xi32>
      %min3A_59 = arith.minsi %iota3A, %min3A_58 : vector<16xi32>
      %add3A_60 = vector.broadcast %scan3A_56 : i32 to vector<16xi32>
      %add3A_61 = arith.addi %add3A_60, %min3A_59 : vector<16xi32>
      %gather3A = tpu.vector_load_idx %arg9[%add3A_61] : memref<528xi32, #tpu.memory_space<vmem>>[vector<16xi32>], vector<16xi32>,
      %eq3A_62 = arith.constant 0 : i32
      %eq3A_63 = vector.broadcast %eq3A_62 : i32 to vector<16xi32>
      %eq3A_64 = arith.cmpi eq, %iota3A, %eq3A_63 : vector<16xi32>
      %jit3A_65 = arith.constant 0 : i32
      %broadcast_in_dim3A_66 = vector.broadcast %jit3A_65 : i32 to vector<16xi32>
      %select_n3A_67 = arith.select %eq3A_64, %gather3A, %broadcast_in_dim3A_66 : vector<16xi1>, vector<16xi32>
      %reduce_max3A = arith.constant true
      %reduce_max3A_68 = vector.broadcast %reduce_max3A : i1 to vector<16xi1>
      %reduce_max3A_69 = arith.constant -2147483648 : i32
      %reduce_max3A_70 = vector.broadcast %reduce_max3A_69 : i32 to vector<16xi32>
      %reduce_max3A_71 = arith.xori %select_n3A_67, %reduce_max3A_70 : vector<16xi32>
      %reduce_max3A_72 = tpu.scan <max>, %reduce_max3A_71 masked %reduce_max3A_68 : vector<16xi32>, vector<16xi1> -> vector<16xi32>
      %reduce_max3A_73 = arith.xori %reduce_max3A_72, %reduce_max3A_70 : vector<16xi32>
      %reduce_max3A_74 = vector.extract %reduce_max3A_73[15] : i32 from vector<16xi32>
      %eq3A_75 = arith.constant 1 : i32
      %eq3A_76 = vector.broadcast %eq3A_75 : i32 to vector<16xi32>
      %eq3A_77 = arith.cmpi eq, %iota3A, %eq3A_76 : vector<16xi32>
      %jit3A_78 = arith.constant 0 : i32
      %broadcast_in_dim3A_79 = vector.broadcast %jit3A_78 : i32 to vector<16xi32>
      %select_n3A_80 = arith.select %eq3A_77, %gather3A, %broadcast_in_dim3A_79 : vector<16xi1>, vector<16xi32>
      %reduce_max3A_81 = arith.constant true
      %reduce_max3A_82 = vector.broadcast %reduce_max3A_81 : i1 to vector<16xi1>
      %reduce_max3A_83 = arith.constant -2147483648 : i32
      %reduce_max3A_84 = vector.broadcast %reduce_max3A_83 : i32 to vector<16xi32>
      %reduce_max3A_85 = arith.xori %select_n3A_80, %reduce_max3A_84 : vector<16xi32>
      %reduce_max3A_86 = tpu.scan <max>, %reduce_max3A_85 masked %reduce_max3A_82 : vector<16xi32>, vector<16xi1> -> vector<16xi32>
      %reduce_max3A_87 = arith.xori %reduce_max3A_86, %reduce_max3A_84 : vector<16xi32>
      %reduce_max3A_88 = vector.extract %reduce_max3A_87[15] : i32 from vector<16xi32>
      %broadcast_in_dim3A_89 = vector.broadcast %scan3A_56 : i32 to vector<16xi32>
      %gather3A_90 = tpu.vector_load_idx %arg8[%broadcast_in_dim3A_89] : memref<512xi32, #tpu.memory_space<vmem>>[vector<16xi32>], vector<16xi32>,
      %eq3A_91 = arith.constant 0 : i32
      %eq3A_92 = vector.broadcast %eq3A_91 : i32 to vector<16xi32>
      %eq3A_93 = arith.cmpi eq, %iota3A, %eq3A_92 : vector<16xi32>
      %jit3A_94 = arith.constant 0 : i32
      %broadcast_in_dim3A_95 = vector.broadcast %jit3A_94 : i32 to vector<16xi32>
      %select_n3A_96 = arith.select %eq3A_93, %gather3A_90, %broadcast_in_dim3A_95 : vector<16xi1>, vector<16xi32>
      %reduce_max3A_97 = arith.constant true
      %reduce_max3A_98 = vector.broadcast %reduce_max3A_97 : i1 to vector<16xi1>
      %reduce_max3A_99 = arith.constant -2147483648 : i32
      %reduce_max3A_100 = vector.broadcast %reduce_max3A_99 : i32 to vector<16xi32>
      %reduce_max3A_101 = arith.xori %select_n3A_96, %reduce_max3A_100 : vector<16xi32>
      %reduce_max3A_102 = tpu.scan <max>, %reduce_max3A_101 masked %reduce_max3A_98 : vector<16xi32>, vector<16xi1> -> vector<16xi32>
      %reduce_max3A_103 = arith.xori %reduce_max3A_102, %reduce_max3A_100 : vector<16xi32>
      %reduce_max3A_104 = vector.extract %reduce_max3A_103[15] : i32 from vector<16xi32>
      %sub3A = arith.subi %reduce_max3A_88, %reduce_max3A_74 : i32
      %jit3A_105 = arith.constant 16 : i32
      %div3A = arith.divsi %sub3A, %jit3A_105 : i32
      %sign3A = arith.constant 0 : i32
      %sign3A_106 = arith.cmpi sgt, %sub3A, %sign3A : i32
      %sign3A_107 = arith.extui %sign3A_106 : i1 to i32
      %sign3A_108 = arith.constant 0 : i32
      %sign3A_109 = arith.cmpi slt, %sub3A, %sign3A_108 : i32
      %sign3A_110 = arith.extui %sign3A_109 : i1 to i32
      %sign3A_111 = arith.subi %sign3A_107, %sign3A_110 : i32
      %sign3A_112 = arith.constant 0 : i32
      %sign3A_113 = arith.cmpi sgt, %jit3A_105, %sign3A_112 : i32
      %sign3A_114 = arith.extui %sign3A_113 : i1 to i32
      %sign3A_115 = arith.constant 0 : i32
      %sign3A_116 = arith.cmpi slt, %jit3A_105, %sign3A_115 : i32
      %sign3A_117 = arith.extui %sign3A_116 : i1 to i32
      %sign3A_118 = arith.subi %sign3A_114, %sign3A_117 : i32
      %ne3A = arith.cmpi ne, %sign3A_111, %sign3A_118 : i32
      %rem3A = arith.remsi %sub3A, %jit3A_105 : i32
      %ne3A_119 = arith.constant 0 : i32
      %ne3A_120 = arith.cmpi ne, %rem3A, %ne3A_119 : i32
      %and3A = arith.andi %ne3A, %ne3A_120 : i1
      %sub3A_121 = arith.constant 1 : i32
      %sub3A_122 = arith.subi %div3A, %sub3A_121 : i32
      %select_n3A_123 = arith.select %and3A, %sub3A_122, %div3A : i32
      %while3A = arith.constant 0 : i32
      %while3A_124 = arith.constant 0 : i32
      %while3A_125 = arith.subi %select_n3A_123, %while3A : i32
      %while3A_126 = arith.addi %while3A, %while3A_125 : i32
      %while3A_127 = arith.constant 1 : i32
      %while3A_128 = arith.divsi %while3A_125, %while3A_127 : i32
      %while3A_129 = arith.muli %while3A_128, %while3A_127 : i32
      %while3A_130 = arith.addi %while3A, %while3A_129 : i32
      %while3A_131 = arith.constant 1 : i32
      %while3A_132 = scf.for %while3A_136 = %while3A to %while3A_130 step %while3A_131 iter_args(%while3A_137 = %while3A_124) -> (i32)  : i32 {
        %mul3A_138 = arith.constant 16 : i32
        %mul3A_139 = arith.muli %while3A_136, %mul3A_138 : i32
        %add3A_140 = arith.addi %reduce_max3A_74, %mul3A_139 : i32
        %mul3A_141 = arith.constant 2 : i32
        %mul3A_142 = arith.muli %mul3A_141, %add3A_140 : i32
        %multiple_of3A = tpu.assume_multiple %mul3A_142, 8 : i32
        %mul3A_143 = arith.constant 16 : i32
        %mul3A_144 = arith.muli %while3A_136, %mul3A_143 : i32
        %add3A_145 = arith.addi %reduce_max3A_104, %mul3A_144 : i32
        %mul3A_146 = arith.constant 2 : i32
        %mul3A_147 = arith.muli %mul3A_146, %add3A_145 : i32
        %multiple_of3A_148 = tpu.assume_multiple %mul3A_147, 8 : i32
        %dma_start3A = tpu.memref_slice %arg14[%multiple_of3A] : memref<81920xi32, #tpu.memory_space<vmem>> -> memref<32xi32, #tpu.memory_space<vmem>>
        %dma_start3A_149 = tpu.memref_slice %arg5[%multiple_of3A_148] : memref<2629632xi32, #tpu.memory_space<hbm>> -> memref<32xi32, #tpu.memory_space<hbm>>
        %dma_start3A_150 = tpu.memref_slice %arg5[%multiple_of3A_148] : memref<2629632xi32, #tpu.memory_space<hbm>> -> memref<32xi32, #tpu.memory_space<hbm>>
        %dma_start3A_151 = tpu.memref_slice %arg14[%multiple_of3A] : memref<81920xi32, #tpu.memory_space<vmem>> -> memref<32xi32, #tpu.memory_space<vmem>>
        tpu.enqueue_dma source(%dma_start3A_151 : memref<32xi32, #tpu.memory_space<vmem>>) target(%dma_start3A_150 : memref<32xi32, #tpu.memory_space<hbm>>) target_semaphore(%arg15 : memref<!tpu.dma_semaphore, #tpu.memory_space<semaphore_mem>>)
        %while3A_152 = arith.constant 0 : i32
        scf.yield %while3A_152 : i32
      }
      %while3A_133 = arith.constant 1 : i32
      %while3A_134 = scf.for %while3A_136 = %while3A_130 to %while3A_126 step %while3A_133 iter_args(%while3A_137 = %while3A_132) -> (i32)  : i32 {
        %mul3A_138 = arith.constant 16 : i32
        %mul3A_139 = arith.muli %while3A_136, %mul3A_138 : i32
        %add3A_140 = arith.addi %reduce_max3A_74, %mul3A_139 : i32
        %mul3A_141 = arith.constant 2 : i32
        %mul3A_142 = arith.muli %mul3A_141, %add3A_140 : i32
        %multiple_of3A = tpu.assume_multiple %mul3A_142, 8 : i32
        %mul3A_143 = arith.constant 16 : i32
        %mul3A_144 = arith.muli %while3A_136, %mul3A_143 : i32
        %add3A_145 = arith.addi %reduce_max3A_104, %mul3A_144 : i32
        %mul3A_146 = arith.constant 2 : i32
        %mul3A_147 = arith.muli %mul3A_146, %add3A_145 : i32
        %multiple_of3A_148 = tpu.assume_multiple %mul3A_147, 8 : i32
        %dma_start3A = tpu.memref_slice %arg14[%multiple_of3A] : memref<81920xi32, #tpu.memory_space<vmem>> -> memref<32xi32, #tpu.memory_space<vmem>>
        %dma_start3A_149 = tpu.memref_slice %arg5[%multiple_of3A_148] : memref<2629632xi32, #tpu.memory_space<hbm>> -> memref<32xi32, #tpu.memory_space<hbm>>
        %dma_start3A_150 = tpu.memref_slice %arg5[%multiple_of3A_148] : memref<2629632xi32, #tpu.memory_space<hbm>> -> memref<32xi32, #tpu.memory_space<hbm>>
        %dma_start3A_151 = tpu.memref_slice %arg14[%multiple_of3A] : memref<81920xi32, #tpu.memory_space<vmem>> -> memref<32xi32, #tpu.memory_space<vmem>>
        tpu.enqueue_dma source(%dma_start3A_151 : memref<32xi32, #tpu.memory_space<vmem>>) target(%dma_start3A_150 : memref<32xi32, #tpu.memory_space<hbm>>) target_semaphore(%arg15 : memref<!tpu.dma_semaphore, #tpu.memory_space<semaphore_mem>>)
        %while3A_152 = arith.constant 0 : i32
        scf.yield %while3A_152 : i32
      }
      %scan3A_135 = arith.constant 0 : i32
      scf.yield %scan3A_135 : i32
    }
    %scan3A_48 = arith.constant 512 : i32
    %scan3A_49 = arith.constant 0 : i32
    %scan3A_50 = arith.constant 0 : i32
    %scan3A_51 = arith.constant 512 : i32
    %scan3A_52 = arith.addi %scan3A_50, %scan3A_51 : i32
    %scan3A_53 = arith.constant 1 : i32
    %scan3A_54 = scf.for %scan3A_56 = %scan3A_50 to %scan3A_52 step %scan3A_53 iter_args(%scan3A_57 = %scan3A_49) -> (i32)  : i32 {
      %min3A = arith.constant 1 : i32
      %min3A_58 = vector.broadcast %min3A : i32 to vector<16xi32>
      %min3A_59 = arith.minsi %iota3A, %min3A_58 : vector<16xi32>
      %add3A_60 = vector.broadcast %scan3A_56 : i32 to vector<16xi32>
      %add3A_61 = arith.addi %add3A_60, %min3A_59 : vector<16xi32>
      %gather3A = tpu.vector_load_idx %arg9[%add3A_61] : memref<528xi32, #tpu.memory_space<vmem>>[vector<16xi32>], vector<16xi32>,
      %eq3A_62 = arith.constant 0 : i32
      %eq3A_63 = vector.broadcast %eq3A_62 : i32 to vector<16xi32>
      %eq3A_64 = arith.cmpi eq, %iota3A, %eq3A_63 : vector<16xi32>
      %jit3A_65 = arith.constant 0 : i32
      %broadcast_in_dim3A_66 = vector.broadcast %jit3A_65 : i32 to vector<16xi32>
      %select_n3A_67 = arith.select %eq3A_64, %gather3A, %broadcast_in_dim3A_66 : vector<16xi1>, vector<16xi32>
      %reduce_max3A = arith.constant true
      %reduce_max3A_68 = vector.broadcast %reduce_max3A : i1 to vector<16xi1>
      %reduce_max3A_69 = arith.constant -2147483648 : i32
      %reduce_max3A_70 = vector.broadcast %reduce_max3A_69 : i32 to vector<16xi32>
      %reduce_max3A_71 = arith.xori %select_n3A_67, %reduce_max3A_70 : vector<16xi32>
      %reduce_max3A_72 = tpu.scan <max>, %reduce_max3A_71 masked %reduce_max3A_68 : vector<16xi32>, vector<16xi1> -> vector<16xi32>
      %reduce_max3A_73 = arith.xori %reduce_max3A_72, %reduce_max3A_70 : vector<16xi32>
      %reduce_max3A_74 = vector.extract %reduce_max3A_73[15] : i32 from vector<16xi32>
      %eq3A_75 = arith.constant 1 : i32
      %eq3A_76 = vector.broadcast %eq3A_75 : i32 to vector<16xi32>
      %eq3A_77 = arith.cmpi eq, %iota3A, %eq3A_76 : vector<16xi32>
      %jit3A_78 = arith.constant 0 : i32
      %broadcast_in_dim3A_79 = vector.broadcast %jit3A_78 : i32 to vector<16xi32>
      %select_n3A_80 = arith.select %eq3A_77, %gather3A, %broadcast_in_dim3A_79 : vector<16xi1>, vector<16xi32>
      %reduce_max3A_81 = arith.constant true
      %reduce_max3A_82 = vector.broadcast %reduce_max3A_81 : i1 to vector<16xi1>
      %reduce_max3A_83 = arith.constant -2147483648 : i32
      %reduce_max3A_84 = vector.broadcast %reduce_max3A_83 : i32 to vector<16xi32>
      %reduce_max3A_85 = arith.xori %select_n3A_80, %reduce_max3A_84 : vector<16xi32>
      %reduce_max3A_86 = tpu.scan <max>, %reduce_max3A_85 masked %reduce_max3A_82 : vector<16xi32>, vector<16xi1> -> vector<16xi32>
      %reduce_max3A_87 = arith.xori %reduce_max3A_86, %reduce_max3A_84 : vector<16xi32>
      %reduce_max3A_88 = vector.extract %reduce_max3A_87[15] : i32 from vector<16xi32>
      %broadcast_in_dim3A_89 = vector.broadcast %scan3A_56 : i32 to vector<16xi32>
      %gather3A_90 = tpu.vector_load_idx %arg8[%broadcast_in_dim3A_89] : memref<512xi32, #tpu.memory_space<vmem>>[vector<16xi32>], vector<16xi32>,
      %eq3A_91 = arith.constant 0 : i32
      %eq3A_92 = vector.broadcast %eq3A_91 : i32 to vector<16xi32>
      %eq3A_93 = arith.cmpi eq, %iota3A, %eq3A_92 : vector<16xi32>
      %jit3A_94 = arith.constant 0 : i32
      %broadcast_in_dim3A_95 = vector.broadcast %jit3A_94 : i32 to vector<16xi32>
      %select_n3A_96 = arith.select %eq3A_93, %gather3A_90, %broadcast_in_dim3A_95 : vector<16xi1>, vector<16xi32>
      %reduce_max3A_97 = arith.constant true
      %reduce_max3A_98 = vector.broadcast %reduce_max3A_97 : i1 to vector<16xi1>
      %reduce_max3A_99 = arith.constant -2147483648 : i32
      %reduce_max3A_100 = vector.broadcast %reduce_max3A_99 : i32 to vector<16xi32>
      %reduce_max3A_101 = arith.xori %select_n3A_96, %reduce_max3A_100 : vector<16xi32>
      %reduce_max3A_102 = tpu.scan <max>, %reduce_max3A_101 masked %reduce_max3A_98 : vector<16xi32>, vector<16xi1> -> vector<16xi32>
      %reduce_max3A_103 = arith.xori %reduce_max3A_102, %reduce_max3A_100 : vector<16xi32>
      %reduce_max3A_104 = vector.extract %reduce_max3A_103[15] : i32 from vector<16xi32>
      %sub3A = arith.subi %reduce_max3A_88, %reduce_max3A_74 : i32
      %jit3A_105 = arith.constant 16 : i32
      %div3A = arith.divsi %sub3A, %jit3A_105 : i32
      %sign3A = arith.constant 0 : i32
      %sign3A_106 = arith.cmpi sgt, %sub3A, %sign3A : i32
      %sign3A_107 = arith.extui %sign3A_106 : i1 to i32
      %sign3A_108 = arith.constant 0 : i32
      %sign3A_109 = arith.cmpi slt, %sub3A, %sign3A_108 : i32
      %sign3A_110 = arith.extui %sign3A_109 : i1 to i32
      %sign3A_111 = arith.subi %sign3A_107, %sign3A_110 : i32
      %sign3A_112 = arith.constant 0 : i32
      %sign3A_113 = arith.cmpi sgt, %jit3A_105, %sign3A_112 : i32
      %sign3A_114 = arith.extui %sign3A_113 : i1 to i32
      %sign3A_115 = arith.constant 0 : i32
      %sign3A_116 = arith.cmpi slt, %jit3A_105, %sign3A_115 : i32
      %sign3A_117 = arith.extui %sign3A_116 : i1 to i32
      %sign3A_118 = arith.subi %sign3A_114, %sign3A_117 : i32
      %ne3A = arith.cmpi ne, %sign3A_111, %sign3A_118 : i32
      %rem3A = arith.remsi %sub3A, %jit3A_105 : i32
      %ne3A_119 = arith.constant 0 : i32
      %ne3A_120 = arith.cmpi ne, %rem3A, %ne3A_119 : i32
      %and3A = arith.andi %ne3A, %ne3A_120 : i1
      %sub3A_121 = arith.constant 1 : i32
      %sub3A_122 = arith.subi %div3A, %sub3A_121 : i32
      %select_n3A_123 = arith.select %and3A, %sub3A_122, %div3A : i32
      %while3A = arith.constant 0 : i32
      %while3A_124 = arith.constant 0 : i32
      %while3A_125 = arith.subi %select_n3A_123, %while3A : i32
      %while3A_126 = arith.addi %while3A, %while3A_125 : i32
      %while3A_127 = arith.constant 1 : i32
      %while3A_128 = arith.divsi %while3A_125, %while3A_127 : i32
      %while3A_129 = arith.muli %while3A_128, %while3A_127 : i32
      %while3A_130 = arith.addi %while3A, %while3A_129 : i32
      %while3A_131 = arith.constant 1 : i32
      %while3A_132 = scf.for %while3A_136 = %while3A to %while3A_130 step %while3A_131 iter_args(%while3A_137 = %while3A_124) -> (i32)  : i32 {
        %mul3A_138 = arith.constant 16 : i32
        %mul3A_139 = arith.muli %while3A_136, %mul3A_138 : i32
        %add3A_140 = arith.addi %reduce_max3A_74, %mul3A_139 : i32
        %mul3A_141 = arith.constant 2 : i32
        %mul3A_142 = arith.muli %mul3A_141, %add3A_140 : i32
        %multiple_of3A = tpu.assume_multiple %mul3A_142, 8 : i32
        %mul3A_143 = arith.constant 16 : i32
        %mul3A_144 = arith.muli %while3A_136, %mul3A_143 : i32
        %add3A_145 = arith.addi %reduce_max3A_104, %mul3A_144 : i32
        %mul3A_146 = arith.constant 2 : i32
        %mul3A_147 = arith.muli %mul3A_146, %add3A_145 : i32
        %multiple_of3A_148 = tpu.assume_multiple %mul3A_147, 8 : i32
        %dma_wait3A = tpu.memref_slice %arg14[%multiple_of3A] : memref<81920xi32, #tpu.memory_space<vmem>> -> memref<32xi32, #tpu.memory_space<vmem>>
        %dma_wait3A_149 = tpu.memref_slice %arg5[%multiple_of3A_148] : memref<2629632xi32, #tpu.memory_space<hbm>> -> memref<32xi32, #tpu.memory_space<hbm>>
        %dma_wait3A_150 = tpu.memref_slice %arg5[%multiple_of3A_148] : memref<2629632xi32, #tpu.memory_space<hbm>> -> memref<32xi32, #tpu.memory_space<hbm>>
        %dma_wait3A_151 = tpu.memref_slice %arg14[%multiple_of3A] : memref<81920xi32, #tpu.memory_space<vmem>> -> memref<32xi32, #tpu.memory_space<vmem>>
        tpu.wait_dma2 semaphore(%arg15 : memref<!tpu.dma_semaphore, #tpu.memory_space<semaphore_mem>>) src(%dma_wait3A_151 : memref<32xi32, #tpu.memory_space<vmem>>) dst(%dma_wait3A_150 : memref<32xi32, #tpu.memory_space<hbm>>)
        %while3A_152 = arith.constant 0 : i32
        scf.yield %while3A_152 : i32
      }
      %while3A_133 = arith.constant 1 : i32
      %while3A_134 = scf.for %while3A_136 = %while3A_130 to %while3A_126 step %while3A_133 iter_args(%while3A_137 = %while3A_132) -> (i32)  : i32 {
        %mul3A_138 = arith.constant 16 : i32
        %mul3A_139 = arith.muli %while3A_136, %mul3A_138 : i32
        %add3A_140 = arith.addi %reduce_max3A_74, %mul3A_139 : i32
        %mul3A_141 = arith.constant 2 : i32
        %mul3A_142 = arith.muli %mul3A_141, %add3A_140 : i32
        %multiple_of3A = tpu.assume_multiple %mul3A_142, 8 : i32
        %mul3A_143 = arith.constant 16 : i32
        %mul3A_144 = arith.muli %while3A_136, %mul3A_143 : i32
        %add3A_145 = arith.addi %reduce_max3A_104, %mul3A_144 : i32
        %mul3A_146 = arith.constant 2 : i32
        %mul3A_147 = arith.muli %mul3A_146, %add3A_145 : i32
        %multiple_of3A_148 = tpu.assume_multiple %mul3A_147, 8 : i32
        %dma_wait3A = tpu.memref_slice %arg14[%multiple_of3A] : memref<81920xi32, #tpu.memory_space<vmem>> -> memref<32xi32, #tpu.memory_space<vmem>>
        %dma_wait3A_149 = tpu.memref_slice %arg5[%multiple_of3A_148] : memref<2629632xi32, #tpu.memory_space<hbm>> -> memref<32xi32, #tpu.memory_space<hbm>>
        %dma_wait3A_150 = tpu.memref_slice %arg5[%multiple_of3A_148] : memref<2629632xi32, #tpu.memory_space<hbm>> -> memref<32xi32, #tpu.memory_space<hbm>>
        %dma_wait3A_151 = tpu.memref_slice %arg14[%multiple_of3A] : memref<81920xi32, #tpu.memory_space<vmem>> -> memref<32xi32, #tpu.memory_space<vmem>>
        tpu.wait_dma2 semaphore(%arg15 : memref<!tpu.dma_semaphore, #tpu.memory_space<semaphore_mem>>) src(%dma_wait3A_151 : memref<32xi32, #tpu.memory_space<vmem>>) dst(%dma_wait3A_150 : memref<32xi32, #tpu.memory_space<hbm>>)
        %while3A_152 = arith.constant 0 : i32
        scf.yield %while3A_152 : i32
      }
      %scan3A_135 = arith.constant 0 : i32
      scf.yield %scan3A_135 : i32
    }
    %scan3A_55 = arith.constant 512 : i32
    return
  }
}

#map = affine_map<(d0, d1) -> (0, 0, 0)>
#map1 = affine_map<(d0, d1) -> (0)>
module attributes {stable_mosaic.version = 14 : i64} {
  func.func @occ_k3_slab_update(%arg0: i32, %arg1: i32, %arg2: memref<256x256x256xf32, #tpu.memory_space<hbm>>, %arg3: memref<2629632xi32, #tpu.memory_space<hbm>>, %arg4: memref<544xi32, #tpu.memory_space<hbm>>, %arg5: memref<256x256x256xf32, #tpu.memory_space<hbm>>, %arg6: memref<128x256xf32, #tpu.memory_space<vmem>>, %arg7: memref<128x256xf32, #tpu.memory_space<vmem>>, %arg8: memref<16384xi32, #tpu.memory_space<vmem>>, %arg9: memref<544xi32, #tpu.memory_space<vmem>>, %arg10: memref<!tpu.dma_semaphore, #tpu.memory_space<semaphore_mem>>, %arg11: memref<!tpu.dma_semaphore, #tpu.memory_space<semaphore_mem>>, %arg12: memref<!tpu.dma_semaphore, #tpu.memory_space<semaphore_mem>>) attributes {dimension_semantics = [#tpu.dimension_semantics<core_parallel>, #tpu.dimension_semantics<subcore_parallel>], iteration_bounds = array<i64: 2, 16>, scalar_prefetch = 0 : i64, scratch_operands = 7 : i64, tpu.core_type = #tpu.core_type<sc_vector_subcore>, window_params = [{transform_indices = #map}, {transform_indices = #map1}, {transform_indices = #map1}, {transform_indices = #map}]} {
    %mul3A = arith.constant 2 : i32
    %mul3A_0 = arith.muli %arg1, %mul3A : i32
    %add3A = arith.addi %mul3A_0, %arg0 : i32
    %iota3A = tpu.iota {dimensions = array<i32: 0>} : vector<16xi32>
    "tpu.region"() ({
      %run_scoped3A = tpu.sem_alloc : memref<!tpu.dma_semaphore, #tpu.memory_space<semaphore_mem>>
      tpu.enqueue_dma source(%arg4 : memref<544xi32, #tpu.memory_space<hbm>>) target(%arg9 : memref<544xi32, #tpu.memory_space<vmem>>) target_semaphore(%run_scoped3A : memref<!tpu.dma_semaphore, #tpu.memory_space<semaphore_mem>>)
      tpu.wait_dma2 semaphore(%run_scoped3A : memref<!tpu.dma_semaphore, #tpu.memory_space<semaphore_mem>>) src(%arg4 : memref<544xi32, #tpu.memory_space<hbm>>) dst(%arg9 : memref<544xi32, #tpu.memory_space<vmem>>)
      tpu.yield
    }) : () -> ()
    %scan3A = arith.constant 0 : i32
    %scan3A_1 = arith.constant 0 : i32
    %scan3A_2 = arith.constant 16 : i32
    %scan3A_3 = arith.addi %scan3A_1, %scan3A_2 : i32
    %scan3A_4 = arith.constant 1 : i32
    %scan3A_5 = scf.for %scan3A_7 = %scan3A_1 to %scan3A_3 step %scan3A_4 iter_args(%scan3A_8 = %scan3A) -> (i32)  : i32 {
      %mul3A_9 = arith.constant 32 : i32
      %mul3A_10 = arith.muli %scan3A_7, %mul3A_9 : i32
      %add3A_11 = arith.addi %mul3A_10, %add3A : i32
      %shift_right_arithmetic3A = arith.constant 1 : i32
      %shift_right_arithmetic3A_12 = arith.shrsi %add3A_11, %shift_right_arithmetic3A : i32
      %and3A = arith.constant 1 : i32
      %and3A_13 = arith.andi %add3A_11, %and3A : i32
      %mul3A_14 = arith.constant 128 : i32
      %mul3A_15 = arith.muli %and3A_13, %mul3A_14 : i32
      %min3A = arith.constant 1 : i32
      %min3A_16 = vector.broadcast %min3A : i32 to vector<16xi32>
      %min3A_17 = arith.minsi %iota3A, %min3A_16 : vector<16xi32>
      %add3A_18 = vector.broadcast %add3A_11 : i32 to vector<16xi32>
      %add3A_19 = arith.addi %add3A_18, %min3A_17 : vector<16xi32>
      %gather3A = tpu.vector_load_idx %arg9[%add3A_19] : memref<544xi32, #tpu.memory_space<vmem>>[vector<16xi32>], vector<16xi32>,
      %eq3A = arith.constant 0 : i32
      %eq3A_20 = vector.broadcast %eq3A : i32 to vector<16xi32>
      %eq3A_21 = arith.cmpi eq, %iota3A, %eq3A_20 : vector<16xi32>
      %jit3A = arith.constant 0 : i32
      %broadcast_in_dim3A = vector.broadcast %jit3A : i32 to vector<16xi32>
      %select_n3A = arith.select %eq3A_21, %gather3A, %broadcast_in_dim3A : vector<16xi1>, vector<16xi32>
      %reduce_max3A = arith.constant true
      %reduce_max3A_22 = vector.broadcast %reduce_max3A : i1 to vector<16xi1>
      %reduce_max3A_23 = arith.constant -2147483648 : i32
      %reduce_max3A_24 = vector.broadcast %reduce_max3A_23 : i32 to vector<16xi32>
      %reduce_max3A_25 = arith.xori %select_n3A, %reduce_max3A_24 : vector<16xi32>
      %reduce_max3A_26 = tpu.scan <max>, %reduce_max3A_25 masked %reduce_max3A_22 : vector<16xi32>, vector<16xi1> -> vector<16xi32>
      %reduce_max3A_27 = arith.xori %reduce_max3A_26, %reduce_max3A_24 : vector<16xi32>
      %reduce_max3A_28 = vector.extract %reduce_max3A_27[15] : i32 from vector<16xi32>
      %eq3A_29 = arith.constant 1 : i32
      %eq3A_30 = vector.broadcast %eq3A_29 : i32 to vector<16xi32>
      %eq3A_31 = arith.cmpi eq, %iota3A, %eq3A_30 : vector<16xi32>
      %jit3A_32 = arith.constant 0 : i32
      %broadcast_in_dim3A_33 = vector.broadcast %jit3A_32 : i32 to vector<16xi32>
      %select_n3A_34 = arith.select %eq3A_31, %gather3A, %broadcast_in_dim3A_33 : vector<16xi1>, vector<16xi32>
      %reduce_max3A_35 = arith.constant true
      %reduce_max3A_36 = vector.broadcast %reduce_max3A_35 : i1 to vector<16xi1>
      %reduce_max3A_37 = arith.constant -2147483648 : i32
      %reduce_max3A_38 = vector.broadcast %reduce_max3A_37 : i32 to vector<16xi32>
      %reduce_max3A_39 = arith.xori %select_n3A_34, %reduce_max3A_38 : vector<16xi32>
      %reduce_max3A_40 = tpu.scan <max>, %reduce_max3A_39 masked %reduce_max3A_36 : vector<16xi32>, vector<16xi1> -> vector<16xi32>
      %reduce_max3A_41 = arith.xori %reduce_max3A_40, %reduce_max3A_38 : vector<16xi32>
      %reduce_max3A_42 = vector.extract %reduce_max3A_41[15] : i32 from vector<16xi32>
      %dma_start3A = arith.constant 0 : i32
      %dma_start3A_43 = tpu.memref_slice %arg2[%shift_right_arithmetic3A_12, %mul3A_15, %dma_start3A] : memref<256x256x256xf32, #tpu.memory_space<hbm>> -> memref<1x128x256xf32, #tpu.memory_space<hbm>>
      %dma_start3A_44 = tpu.memref_squeeze %dma_start3A_43 : memref<1x128x256xf32, #tpu.memory_space<hbm>> -> memref<128x256xf32, #tpu.memory_space<hbm>>
      %dma_start3A_45 = arith.constant 0 : i32
      %dma_start3A_46 = tpu.memref_slice %arg2[%shift_right_arithmetic3A_12, %mul3A_15, %dma_start3A_45] : memref<256x256x256xf32, #tpu.memory_space<hbm>> -> memref<1x128x256xf32, #tpu.memory_space<hbm>>
      %dma_start3A_47 = tpu.memref_squeeze %dma_start3A_46 : memref<1x128x256xf32, #tpu.memory_space<hbm>> -> memref<128x256xf32, #tpu.memory_space<hbm>>
      tpu.enqueue_dma source(%dma_start3A_47 : memref<128x256xf32, #tpu.memory_space<hbm>>) target(%arg6 : memref<128x256xf32, #tpu.memory_space<vmem>>) target_semaphore(%arg10 : memref<!tpu.dma_semaphore, #tpu.memory_space<semaphore_mem>>)
      %dma_start3A_48 = arith.constant 0 : i32
      %dma_start3A_49 = tpu.memref_slice %arg2[%shift_right_arithmetic3A_12, %mul3A_15, %dma_start3A_48] : memref<256x256x256xf32, #tpu.memory_space<hbm>> -> memref<1x128x256xf32, #tpu.memory_space<hbm>>
      %dma_start3A_50 = tpu.memref_squeeze %dma_start3A_49 : memref<1x128x256xf32, #tpu.memory_space<hbm>> -> memref<128x256xf32, #tpu.memory_space<hbm>>
      %dma_start3A_51 = arith.constant 0 : i32
      %dma_start3A_52 = tpu.memref_slice %arg2[%shift_right_arithmetic3A_12, %mul3A_15, %dma_start3A_51] : memref<256x256x256xf32, #tpu.memory_space<hbm>> -> memref<1x128x256xf32, #tpu.memory_space<hbm>>
      %dma_start3A_53 = tpu.memref_squeeze %dma_start3A_52 : memref<1x128x256xf32, #tpu.memory_space<hbm>> -> memref<128x256xf32, #tpu.memory_space<hbm>>
      tpu.enqueue_dma source(%dma_start3A_53 : memref<128x256xf32, #tpu.memory_space<hbm>>) target(%arg7 : memref<128x256xf32, #tpu.memory_space<vmem>>) target_semaphore(%arg11 : memref<!tpu.dma_semaphore, #tpu.memory_space<semaphore_mem>>)
      %sub3A = arith.subi %reduce_max3A_42, %reduce_max3A_28 : i32
      %add3A_54 = arith.constant 511 : i32
      %add3A_55 = arith.addi %sub3A, %add3A_54 : i32
      %jit3A_56 = arith.constant 512 : i32
      %div3A = arith.divsi %add3A_55, %jit3A_56 : i32
      %sign3A = arith.constant 0 : i32
      %sign3A_57 = arith.cmpi sgt, %add3A_55, %sign3A : i32
      %sign3A_58 = arith.extui %sign3A_57 : i1 to i32
      %sign3A_59 = arith.constant 0 : i32
      %sign3A_60 = arith.cmpi slt, %add3A_55, %sign3A_59 : i32
      %sign3A_61 = arith.extui %sign3A_60 : i1 to i32
      %sign3A_62 = arith.subi %sign3A_58, %sign3A_61 : i32
      %sign3A_63 = arith.constant 0 : i32
      %sign3A_64 = arith.cmpi sgt, %jit3A_56, %sign3A_63 : i32
      %sign3A_65 = arith.extui %sign3A_64 : i1 to i32
      %sign3A_66 = arith.constant 0 : i32
      %sign3A_67 = arith.cmpi slt, %jit3A_56, %sign3A_66 : i32
      %sign3A_68 = arith.extui %sign3A_67 : i1 to i32
      %sign3A_69 = arith.subi %sign3A_65, %sign3A_68 : i32
      %ne3A = arith.cmpi ne, %sign3A_62, %sign3A_69 : i32
      %rem3A = arith.remsi %add3A_55, %jit3A_56 : i32
      %ne3A_70 = arith.constant 0 : i32
      %ne3A_71 = arith.cmpi ne, %rem3A, %ne3A_70 : i32
      %and3A_72 = arith.andi %ne3A, %ne3A_71 : i1
      %sub3A_73 = arith.constant 1 : i32
      %sub3A_74 = arith.subi %div3A, %sub3A_73 : i32
      %select_n3A_75 = arith.select %and3A_72, %sub3A_74, %div3A : i32
      %jit3A_76 = arith.constant 0 : i32
      %jit3A_77 = arith.constant 2568 : i32
      %max3A = arith.maxsi %jit3A_76, %select_n3A_75 : i32
      %min3A_78 = arith.minsi %jit3A_77, %max3A : i32
      %le3A = arith.constant 16 : i32
      %le3A_79 = arith.cmpi sle, %min3A_78, %le3A : i32
      %convert_element_type3A = arith.extui %le3A_79 : i1 to i32
      %cond3A = arith.constant 0 : i32
      %cond3A_80 = arith.cmpi ne, %convert_element_type3A, %cond3A : i32
      scf.if %cond3A_80 {
        %while3A = arith.constant 0 : i32
        %while3A_86 = arith.constant 0 : i32
        %while3A_87 = arith.subi %min3A_78, %while3A : i32
        %while3A_88 = arith.addi %while3A, %while3A_87 : i32
        %while3A_89 = arith.constant 1 : i32
        %while3A_90 = arith.divsi %while3A_87, %while3A_89 : i32
        %while3A_91 = arith.muli %while3A_90, %while3A_89 : i32
        %while3A_92 = arith.addi %while3A, %while3A_91 : i32
        %while3A_93 = arith.constant 1 : i32
        %while3A_94 = scf.for %while3A_144 = %while3A to %while3A_92 step %while3A_93 iter_args(%while3A_145 = %while3A_86) -> (i32)  : i32 {
          %mul3A_146 = arith.constant 512 : i32
          %mul3A_147 = arith.muli %while3A_144, %mul3A_146 : i32
          %add3A_148 = arith.addi %reduce_max3A_28, %mul3A_147 : i32
          %mul3A_149 = arith.constant 2 : i32
          %mul3A_150 = arith.muli %mul3A_149, %add3A_148 : i32
          %multiple_of3A = tpu.assume_multiple %mul3A_150, 8 : i32
          %mul3A_151 = arith.constant 1024 : i32
          %mul3A_152 = arith.muli %while3A_144, %mul3A_151 : i32
          %dma_start3A_153 = tpu.memref_slice %arg8[%mul3A_152] : memref<16384xi32, #tpu.memory_space<vmem>> -> memref<1024xi32, #tpu.memory_space<vmem>>
          %dma_start3A_154 = tpu.memref_slice %arg3[%multiple_of3A] : memref<2629632xi32, #tpu.memory_space<hbm>> -> memref<1024xi32, #tpu.memory_space<hbm>>
          %dma_start3A_155 = tpu.memref_slice %arg8[%mul3A_152] : memref<16384xi32, #tpu.memory_space<vmem>> -> memref<1024xi32, #tpu.memory_space<vmem>>
          %dma_start3A_156 = tpu.memref_slice %arg3[%multiple_of3A] : memref<2629632xi32, #tpu.memory_space<hbm>> -> memref<1024xi32, #tpu.memory_space<hbm>>
          tpu.enqueue_dma source(%dma_start3A_156 : memref<1024xi32, #tpu.memory_space<hbm>>) target(%dma_start3A_155 : memref<1024xi32, #tpu.memory_space<vmem>>) target_semaphore(%arg12 : memref<!tpu.dma_semaphore, #tpu.memory_space<semaphore_mem>>)
          %while3A_157 = arith.constant 0 : i32
          scf.yield %while3A_157 : i32
        }
        %while3A_95 = arith.constant 1 : i32
        %while3A_96 = scf.for %while3A_144 = %while3A_92 to %while3A_88 step %while3A_95 iter_args(%while3A_145 = %while3A_94) -> (i32)  : i32 {
          %mul3A_146 = arith.constant 512 : i32
          %mul3A_147 = arith.muli %while3A_144, %mul3A_146 : i32
          %add3A_148 = arith.addi %reduce_max3A_28, %mul3A_147 : i32
          %mul3A_149 = arith.constant 2 : i32
          %mul3A_150 = arith.muli %mul3A_149, %add3A_148 : i32
          %multiple_of3A = tpu.assume_multiple %mul3A_150, 8 : i32
          %mul3A_151 = arith.constant 1024 : i32
          %mul3A_152 = arith.muli %while3A_144, %mul3A_151 : i32
          %dma_start3A_153 = tpu.memref_slice %arg8[%mul3A_152] : memref<16384xi32, #tpu.memory_space<vmem>> -> memref<1024xi32, #tpu.memory_space<vmem>>
          %dma_start3A_154 = tpu.memref_slice %arg3[%multiple_of3A] : memref<2629632xi32, #tpu.memory_space<hbm>> -> memref<1024xi32, #tpu.memory_space<hbm>>
          %dma_start3A_155 = tpu.memref_slice %arg8[%mul3A_152] : memref<16384xi32, #tpu.memory_space<vmem>> -> memref<1024xi32, #tpu.memory_space<vmem>>
          %dma_start3A_156 = tpu.memref_slice %arg3[%multiple_of3A] : memref<2629632xi32, #tpu.memory_space<hbm>> -> memref<1024xi32, #tpu.memory_space<hbm>>
          tpu.enqueue_dma source(%dma_start3A_156 : memref<1024xi32, #tpu.memory_space<hbm>>) target(%dma_start3A_155 : memref<1024xi32, #tpu.memory_space<vmem>>) target_semaphore(%arg12 : memref<!tpu.dma_semaphore, #tpu.memory_space<semaphore_mem>>)
          %while3A_157 = arith.constant 0 : i32
          scf.yield %while3A_157 : i32
        }
        %while3A_97 = arith.constant 0 : i32
        %while3A_98 = arith.constant 0 : i32
        %while3A_99 = arith.subi %min3A_78, %while3A_97 : i32
        %while3A_100 = arith.addi %while3A_97, %while3A_99 : i32
        %while3A_101 = arith.constant 1 : i32
        %while3A_102 = arith.divsi %while3A_99, %while3A_101 : i32
        %while3A_103 = arith.muli %while3A_102, %while3A_101 : i32
        %while3A_104 = arith.addi %while3A_97, %while3A_103 : i32
        %while3A_105 = arith.constant 1 : i32
        %while3A_106 = scf.for %while3A_144 = %while3A_97 to %while3A_104 step %while3A_105 iter_args(%while3A_145 = %while3A_98) -> (i32)  : i32 {
          %mul3A_146 = arith.constant 512 : i32
          %mul3A_147 = arith.muli %while3A_144, %mul3A_146 : i32
          %add3A_148 = arith.addi %reduce_max3A_28, %mul3A_147 : i32
          %mul3A_149 = arith.constant 2 : i32
          %mul3A_150 = arith.muli %mul3A_149, %add3A_148 : i32
          %multiple_of3A = tpu.assume_multiple %mul3A_150, 8 : i32
          %mul3A_151 = arith.constant 1024 : i32
          %mul3A_152 = arith.muli %while3A_144, %mul3A_151 : i32
          %dma_wait3A_153 = tpu.memref_slice %arg8[%mul3A_152] : memref<16384xi32, #tpu.memory_space<vmem>> -> memref<1024xi32, #tpu.memory_space<vmem>>
          %dma_wait3A_154 = tpu.memref_slice %arg3[%multiple_of3A] : memref<2629632xi32, #tpu.memory_space<hbm>> -> memref<1024xi32, #tpu.memory_space<hbm>>
          %dma_wait3A_155 = tpu.memref_slice %arg8[%mul3A_152] : memref<16384xi32, #tpu.memory_space<vmem>> -> memref<1024xi32, #tpu.memory_space<vmem>>
          %dma_wait3A_156 = tpu.memref_slice %arg3[%multiple_of3A] : memref<2629632xi32, #tpu.memory_space<hbm>> -> memref<1024xi32, #tpu.memory_space<hbm>>
          tpu.wait_dma2 semaphore(%arg12 : memref<!tpu.dma_semaphore, #tpu.memory_space<semaphore_mem>>) src(%dma_wait3A_156 : memref<1024xi32, #tpu.memory_space<hbm>>) dst(%dma_wait3A_155 : memref<1024xi32, #tpu.memory_space<vmem>>)
          %while3A_157 = arith.constant 0 : i32
          scf.yield %while3A_157 : i32
        }
        %while3A_107 = arith.constant 1 : i32
        %while3A_108 = scf.for %while3A_144 = %while3A_104 to %while3A_100 step %while3A_107 iter_args(%while3A_145 = %while3A_106) -> (i32)  : i32 {
          %mul3A_146 = arith.constant 512 : i32
          %mul3A_147 = arith.muli %while3A_144, %mul3A_146 : i32
          %add3A_148 = arith.addi %reduce_max3A_28, %mul3A_147 : i32
          %mul3A_149 = arith.constant 2 : i32
          %mul3A_150 = arith.muli %mul3A_149, %add3A_148 : i32
          %multiple_of3A = tpu.assume_multiple %mul3A_150, 8 : i32
          %mul3A_151 = arith.constant 1024 : i32
          %mul3A_152 = arith.muli %while3A_144, %mul3A_151 : i32
          %dma_wait3A_153 = tpu.memref_slice %arg8[%mul3A_152] : memref<16384xi32, #tpu.memory_space<vmem>> -> memref<1024xi32, #tpu.memory_space<vmem>>
          %dma_wait3A_154 = tpu.memref_slice %arg3[%multiple_of3A] : memref<2629632xi32, #tpu.memory_space<hbm>> -> memref<1024xi32, #tpu.memory_space<hbm>>
          %dma_wait3A_155 = tpu.memref_slice %arg8[%mul3A_152] : memref<16384xi32, #tpu.memory_space<vmem>> -> memref<1024xi32, #tpu.memory_space<vmem>>
          %dma_wait3A_156 = tpu.memref_slice %arg3[%multiple_of3A] : memref<2629632xi32, #tpu.memory_space<hbm>> -> memref<1024xi32, #tpu.memory_space<hbm>>
          tpu.wait_dma2 semaphore(%arg12 : memref<!tpu.dma_semaphore, #tpu.memory_space<semaphore_mem>>) src(%dma_wait3A_156 : memref<1024xi32, #tpu.memory_space<hbm>>) dst(%dma_wait3A_155 : memref<1024xi32, #tpu.memory_space<vmem>>)
          %while3A_157 = arith.constant 0 : i32
          scf.yield %while3A_157 : i32
        }
        %dma_wait3A = arith.constant 0 : i32
        %dma_wait3A_109 = tpu.memref_slice %arg2[%shift_right_arithmetic3A_12, %mul3A_15, %dma_wait3A] : memref<256x256x256xf32, #tpu.memory_space<hbm>> -> memref<1x128x256xf32, #tpu.memory_space<hbm>>
        %dma_wait3A_110 = tpu.memref_squeeze %dma_wait3A_109 : memref<1x128x256xf32, #tpu.memory_space<hbm>> -> memref<128x256xf32, #tpu.memory_space<hbm>>
        %dma_wait3A_111 = arith.constant 0 : i32
        %dma_wait3A_112 = tpu.memref_slice %arg2[%shift_right_arithmetic3A_12, %mul3A_15, %dma_wait3A_111] : memref<256x256x256xf32, #tpu.memory_space<hbm>> -> memref<1x128x256xf32, #tpu.memory_space<hbm>>
        %dma_wait3A_113 = tpu.memref_squeeze %dma_wait3A_112 : memref<1x128x256xf32, #tpu.memory_space<hbm>> -> memref<128x256xf32, #tpu.memory_space<hbm>>
        tpu.wait_dma2 semaphore(%arg10 : memref<!tpu.dma_semaphore, #tpu.memory_space<semaphore_mem>>) src(%dma_wait3A_113 : memref<128x256xf32, #tpu.memory_space<hbm>>) dst(%arg6 : memref<128x256xf32, #tpu.memory_space<vmem>>)
        %dma_wait3A_114 = arith.constant 0 : i32
        %dma_wait3A_115 = tpu.memref_slice %arg2[%shift_right_arithmetic3A_12, %mul3A_15, %dma_wait3A_114] : memref<256x256x256xf32, #tpu.memory_space<hbm>> -> memref<1x128x256xf32, #tpu.memory_space<hbm>>
        %dma_wait3A_116 = tpu.memref_squeeze %dma_wait3A_115 : memref<1x128x256xf32, #tpu.memory_space<hbm>> -> memref<128x256xf32, #tpu.memory_space<hbm>>
        %dma_wait3A_117 = arith.constant 0 : i32
        %dma_wait3A_118 = tpu.memref_slice %arg2[%shift_right_arithmetic3A_12, %mul3A_15, %dma_wait3A_117] : memref<256x256x256xf32, #tpu.memory_space<hbm>> -> memref<1x128x256xf32, #tpu.memory_space<hbm>>
        %dma_wait3A_119 = tpu.memref_squeeze %dma_wait3A_118 : memref<1x128x256xf32, #tpu.memory_space<hbm>> -> memref<128x256xf32, #tpu.memory_space<hbm>>
        tpu.wait_dma2 semaphore(%arg11 : memref<!tpu.dma_semaphore, #tpu.memory_space<semaphore_mem>>) src(%dma_wait3A_119 : memref<128x256xf32, #tpu.memory_space<hbm>>) dst(%arg7 : memref<128x256xf32, #tpu.memory_space<vmem>>)
        %while3A_120 = arith.constant 0 : i32
        %while3A_121 = arith.constant 0 : i32
        %while3A_122 = arith.subi %min3A_78, %while3A_120 : i32
        %while3A_123 = arith.addi %while3A_120, %while3A_122 : i32
        %while3A_124 = arith.constant 1 : i32
        %while3A_125 = arith.divsi %while3A_122, %while3A_124 : i32
        %while3A_126 = arith.muli %while3A_125, %while3A_124 : i32
        %while3A_127 = arith.addi %while3A_120, %while3A_126 : i32
        %while3A_128 = arith.constant 1 : i32
        %while3A_129 = scf.for %while3A_144 = %while3A_120 to %while3A_127 step %while3A_128 iter_args(%while3A_145 = %while3A_121) -> (i32)  : i32 {
          %mul3A_146 = arith.constant 512 : i32
          %mul3A_147 = arith.muli %while3A_144, %mul3A_146 : i32
          %add3A_148 = arith.addi %reduce_max3A_28, %mul3A_147 : i32
          %scan3A_149 = arith.constant 0 : i32
          %scan3A_150 = arith.constant 0 : i32
          %scan3A_151 = arith.constant 32 : i32
          %scan3A_152 = arith.addi %scan3A_150, %scan3A_151 : i32
          %scan3A_153 = arith.constant 1 : i32
          %scan3A_154 = scf.for %scan3A_157 = %scan3A_150 to %scan3A_152 step %scan3A_153 iter_args(%scan3A_158 = %scan3A_149) -> (i32)  : i32 {
            %mul3A_159 = arith.constant 1024 : i32
            %mul3A_160 = arith.muli %while3A_144, %mul3A_159 : i32
            %mul3A_161 = arith.constant 16 : i32
            %mul3A_162 = arith.muli %scan3A_157, %mul3A_161 : i32
            %add3A_163 = vector.broadcast %mul3A_162 : i32 to vector<16xi32>
            %add3A_164 = arith.addi %add3A_163, %iota3A : vector<16xi32>
            %mul3A_165 = arith.constant 2 : i32
            %mul3A_166 = vector.broadcast %mul3A_165 : i32 to vector<16xi32>
            %mul3A_167 = arith.muli %mul3A_166, %add3A_164 : vector<16xi32>
            %add3A_168 = vector.broadcast %mul3A_160 : i32 to vector<16xi32>
            %add3A_169 = arith.addi %add3A_168, %mul3A_167 : vector<16xi32>
            %gather3A_170 = tpu.vector_load_idx %arg8[%add3A_169] : memref<16384xi32, #tpu.memory_space<vmem>>[vector<16xi32>], vector<16xi32>,
            %mul3A_171 = arith.constant 16 : i32
            %mul3A_172 = arith.muli %scan3A_157, %mul3A_171 : i32
            %add3A_173 = arith.addi %add3A_148, %mul3A_172 : i32
            %add3A_174 = vector.broadcast %add3A_173 : i32 to vector<16xi32>
            %add3A_175 = arith.addi %add3A_174, %iota3A : vector<16xi32>
            %lt3A = vector.broadcast %reduce_max3A_42 : i32 to vector<16xi32>
            %lt3A_176 = arith.cmpi slt, %add3A_175, %lt3A : vector<16xi32>
            %ge3A = arith.constant 0 : i32
            %ge3A_177 = vector.broadcast %ge3A : i32 to vector<16xi32>
            %ge3A_178 = arith.cmpi sge, %gather3A_170, %ge3A_177 : vector<16xi32>
            %and3A_179 = arith.andi %lt3A_176, %ge3A_178 : vector<16xi1>
            %and3A_180 = arith.constant 32767 : i32
            %and3A_181 = vector.broadcast %and3A_180 : i32 to vector<16xi32>
            %and3A_182 = arith.andi %gather3A_170, %and3A_181 : vector<16xi32>
            %jit3A_183 = arith.constant 0 : i32
            %broadcast_in_dim3A_184 = vector.broadcast %jit3A_183 : i32 to vector<16xi32>
            %select_n3A_185 = arith.select %and3A_179, %and3A_182, %broadcast_in_dim3A_184 : vector<16xi1>, vector<16xi32>
            %shift_right_arithmetic3A_186 = arith.constant 8 : i32
            %shift_right_arithmetic3A_187 = vector.broadcast %shift_right_arithmetic3A_186 : i32 to vector<16xi32>
            %shift_right_arithmetic3A_188 = arith.shrsi %select_n3A_185, %shift_right_arithmetic3A_187 : vector<16xi32>
            %and3A_189 = arith.constant 255 : i32
            %and3A_190 = vector.broadcast %and3A_189 : i32 to vector<16xi32>
            %and3A_191 = arith.andi %select_n3A_185, %and3A_190 : vector<16xi32>
            %gather3A_192 = tpu.vector_load_idx %arg6[%shift_right_arithmetic3A_188, %and3A_191] : memref<128x256xf32, #tpu.memory_space<vmem>>[vector<16xi32>, vector<16xi32>], vector<16xf32>,
            %mul3A_193 = arith.constant 0.949999988 : f32
            %mul3A_194 = vector.broadcast %mul3A_193 : f32 to vector<16xf32>
            %mul3A_195 = arith.mulf %gather3A_192, %mul3A_194 : vector<16xf32>
            tpu.vector_store_idx %arg7[%shift_right_arithmetic3A_188, %and3A_191], %mul3A_195 masked %and3A_179 : memref<128x256xf32, #tpu.memory_space<vmem>>[vector<16xi32>, vector<16xi32>], vector<16xf32>, vector<16xi1>
            %scan3A_196 = arith.constant 0 : i32
            scf.yield %scan3A_196 : i32
          }
          %scan3A_155 = arith.constant 32 : i32
          %while3A_156 = arith.constant 0 : i32
          scf.yield %while3A_156 : i32
        }
        %while3A_130 = arith.constant 1 : i32
        %while3A_131 = scf.for %while3A_144 = %while3A_127 to %while3A_123 step %while3A_130 iter_args(%while3A_145 = %while3A_129) -> (i32)  : i32 {
          %mul3A_146 = arith.constant 512 : i32
          %mul3A_147 = arith.muli %while3A_144, %mul3A_146 : i32
          %add3A_148 = arith.addi %reduce_max3A_28, %mul3A_147 : i32
          %scan3A_149 = arith.constant 0 : i32
          %scan3A_150 = arith.constant 0 : i32
          %scan3A_151 = arith.constant 32 : i32
          %scan3A_152 = arith.addi %scan3A_150, %scan3A_151 : i32
          %scan3A_153 = arith.constant 1 : i32
          %scan3A_154 = scf.for %scan3A_157 = %scan3A_150 to %scan3A_152 step %scan3A_153 iter_args(%scan3A_158 = %scan3A_149) -> (i32)  : i32 {
            %mul3A_159 = arith.constant 1024 : i32
            %mul3A_160 = arith.muli %while3A_144, %mul3A_159 : i32
            %mul3A_161 = arith.constant 16 : i32
            %mul3A_162 = arith.muli %scan3A_157, %mul3A_161 : i32
            %add3A_163 = vector.broadcast %mul3A_162 : i32 to vector<16xi32>
            %add3A_164 = arith.addi %add3A_163, %iota3A : vector<16xi32>
            %mul3A_165 = arith.constant 2 : i32
            %mul3A_166 = vector.broadcast %mul3A_165 : i32 to vector<16xi32>
            %mul3A_167 = arith.muli %mul3A_166, %add3A_164 : vector<16xi32>
            %add3A_168 = vector.broadcast %mul3A_160 : i32 to vector<16xi32>
            %add3A_169 = arith.addi %add3A_168, %mul3A_167 : vector<16xi32>
            %gather3A_170 = tpu.vector_load_idx %arg8[%add3A_169] : memref<16384xi32, #tpu.memory_space<vmem>>[vector<16xi32>], vector<16xi32>,
            %mul3A_171 = arith.constant 16 : i32
            %mul3A_172 = arith.muli %scan3A_157, %mul3A_171 : i32
            %add3A_173 = arith.addi %add3A_148, %mul3A_172 : i32
            %add3A_174 = vector.broadcast %add3A_173 : i32 to vector<16xi32>
            %add3A_175 = arith.addi %add3A_174, %iota3A : vector<16xi32>
            %lt3A = vector.broadcast %reduce_max3A_42 : i32 to vector<16xi32>
            %lt3A_176 = arith.cmpi slt, %add3A_175, %lt3A : vector<16xi32>
            %ge3A = arith.constant 0 : i32
            %ge3A_177 = vector.broadcast %ge3A : i32 to vector<16xi32>
            %ge3A_178 = arith.cmpi sge, %gather3A_170, %ge3A_177 : vector<16xi32>
            %and3A_179 = arith.andi %lt3A_176, %ge3A_178 : vector<16xi1>
            %and3A_180 = arith.constant 32767 : i32
            %and3A_181 = vector.broadcast %and3A_180 : i32 to vector<16xi32>
            %and3A_182 = arith.andi %gather3A_170, %and3A_181 : vector<16xi32>
            %jit3A_183 = arith.constant 0 : i32
            %broadcast_in_dim3A_184 = vector.broadcast %jit3A_183 : i32 to vector<16xi32>
            %select_n3A_185 = arith.select %and3A_179, %and3A_182, %broadcast_in_dim3A_184 : vector<16xi1>, vector<16xi32>
            %shift_right_arithmetic3A_186 = arith.constant 8 : i32
            %shift_right_arithmetic3A_187 = vector.broadcast %shift_right_arithmetic3A_186 : i32 to vector<16xi32>
            %shift_right_arithmetic3A_188 = arith.shrsi %select_n3A_185, %shift_right_arithmetic3A_187 : vector<16xi32>
            %and3A_189 = arith.constant 255 : i32
            %and3A_190 = vector.broadcast %and3A_189 : i32 to vector<16xi32>
            %and3A_191 = arith.andi %select_n3A_185, %and3A_190 : vector<16xi32>
            %gather3A_192 = tpu.vector_load_idx %arg6[%shift_right_arithmetic3A_188, %and3A_191] : memref<128x256xf32, #tpu.memory_space<vmem>>[vector<16xi32>, vector<16xi32>], vector<16xf32>,
            %mul3A_193 = arith.constant 0.949999988 : f32
            %mul3A_194 = vector.broadcast %mul3A_193 : f32 to vector<16xf32>
            %mul3A_195 = arith.mulf %gather3A_192, %mul3A_194 : vector<16xf32>
            tpu.vector_store_idx %arg7[%shift_right_arithmetic3A_188, %and3A_191], %mul3A_195 masked %and3A_179 : memref<128x256xf32, #tpu.memory_space<vmem>>[vector<16xi32>, vector<16xi32>], vector<16xf32>, vector<16xi1>
            %scan3A_196 = arith.constant 0 : i32
            scf.yield %scan3A_196 : i32
          }
          %scan3A_155 = arith.constant 32 : i32
          %while3A_156 = arith.constant 0 : i32
          scf.yield %while3A_156 : i32
        }
        %while3A_132 = arith.constant 0 : i32
        %while3A_133 = arith.constant 0 : i32
        %while3A_134 = arith.subi %min3A_78, %while3A_132 : i32
        %while3A_135 = arith.addi %while3A_132, %while3A_134 : i32
        %while3A_136 = arith.constant 1 : i32
        %while3A_137 = arith.divsi %while3A_134, %while3A_136 : i32
        %while3A_138 = arith.muli %while3A_137, %while3A_136 : i32
        %while3A_139 = arith.addi %while3A_132, %while3A_138 : i32
        %while3A_140 = arith.constant 1 : i32
        %while3A_141 = scf.for %while3A_144 = %while3A_132 to %while3A_139 step %while3A_140 iter_args(%while3A_145 = %while3A_133) -> (i32)  : i32 {
          %mul3A_146 = arith.constant 512 : i32
          %mul3A_147 = arith.muli %while3A_144, %mul3A_146 : i32
          %add3A_148 = arith.addi %reduce_max3A_28, %mul3A_147 : i32
          %scan3A_149 = arith.constant 0 : i32
          %scan3A_150 = arith.constant 0 : i32
          %scan3A_151 = arith.constant 32 : i32
          %scan3A_152 = arith.addi %scan3A_150, %scan3A_151 : i32
          %scan3A_153 = arith.constant 1 : i32
          %scan3A_154 = scf.for %scan3A_157 = %scan3A_150 to %scan3A_152 step %scan3A_153 iter_args(%scan3A_158 = %scan3A_149) -> (i32)  : i32 {
            %mul3A_159 = arith.constant 1024 : i32
            %mul3A_160 = arith.muli %while3A_144, %mul3A_159 : i32
            %mul3A_161 = arith.constant 16 : i32
            %mul3A_162 = arith.muli %scan3A_157, %mul3A_161 : i32
            %add3A_163 = vector.broadcast %mul3A_162 : i32 to vector<16xi32>
            %add3A_164 = arith.addi %add3A_163, %iota3A : vector<16xi32>
            %mul3A_165 = arith.constant 2 : i32
            %mul3A_166 = vector.broadcast %mul3A_165 : i32 to vector<16xi32>
            %mul3A_167 = arith.muli %mul3A_166, %add3A_164 : vector<16xi32>
            %add3A_168 = vector.broadcast %mul3A_160 : i32 to vector<16xi32>
            %add3A_169 = arith.addi %add3A_168, %mul3A_167 : vector<16xi32>
            %gather3A_170 = tpu.vector_load_idx %arg8[%add3A_169] : memref<16384xi32, #tpu.memory_space<vmem>>[vector<16xi32>], vector<16xi32>,
            %add3A_171 = arith.constant 1 : i32
            %add3A_172 = vector.broadcast %add3A_171 : i32 to vector<16xi32>
            %add3A_173 = arith.addi %add3A_169, %add3A_172 : vector<16xi32>
            %gather3A_174 = tpu.vector_load_idx %arg8[%add3A_173] : memref<16384xi32, #tpu.memory_space<vmem>>[vector<16xi32>], vector<16xi32>,
            %bitcast3A = vector.bitcast %gather3A_174 : vector<16xi32> to vector<16xf32>
            %mul3A_175 = arith.constant 16 : i32
            %mul3A_176 = arith.muli %scan3A_157, %mul3A_175 : i32
            %add3A_177 = arith.addi %add3A_148, %mul3A_176 : i32
            %add3A_178 = vector.broadcast %add3A_177 : i32 to vector<16xi32>
            %add3A_179 = arith.addi %add3A_178, %iota3A : vector<16xi32>
            %lt3A = vector.broadcast %reduce_max3A_42 : i32 to vector<16xi32>
            %lt3A_180 = arith.cmpi slt, %add3A_179, %lt3A : vector<16xi32>
            %ge3A = arith.constant 0 : i32
            %ge3A_181 = vector.broadcast %ge3A : i32 to vector<16xi32>
            %ge3A_182 = arith.cmpi sge, %gather3A_170, %ge3A_181 : vector<16xi32>
            %and3A_183 = arith.andi %lt3A_180, %ge3A_182 : vector<16xi1>
            %and3A_184 = arith.constant 32767 : i32
            %and3A_185 = vector.broadcast %and3A_184 : i32 to vector<16xi32>
            %and3A_186 = arith.andi %gather3A_170, %and3A_185 : vector<16xi32>
            %jit3A_187 = arith.constant 0 : i32
            %broadcast_in_dim3A_188 = vector.broadcast %jit3A_187 : i32 to vector<16xi32>
            %select_n3A_189 = arith.select %and3A_183, %and3A_186, %broadcast_in_dim3A_188 : vector<16xi1>, vector<16xi32>
            %shift_right_arithmetic3A_190 = arith.constant 8 : i32
            %shift_right_arithmetic3A_191 = vector.broadcast %shift_right_arithmetic3A_190 : i32 to vector<16xi32>
            %shift_right_arithmetic3A_192 = arith.shrsi %select_n3A_189, %shift_right_arithmetic3A_191 : vector<16xi32>
            %and3A_193 = arith.constant 255 : i32
            %and3A_194 = vector.broadcast %and3A_193 : i32 to vector<16xi32>
            %and3A_195 = arith.andi %select_n3A_189, %and3A_194 : vector<16xi32>
            %broadcast_in_dim3A_196 = arith.constant true
            %broadcast_in_dim3A_197 = vector.broadcast %broadcast_in_dim3A_196 : i1 to vector<16xi1>
            %unique3A, %unique3A_198 = tpu.scan_count mask(%broadcast_in_dim3A_197 : vector<16xi1>) value(%select_n3A_189 : vector<16xi32>) : vector<16xi1>, vector<16xi32>
            %jit3A_199 = arith.constant 0 : i32
            %broadcast_in_dim3A_200 = vector.broadcast %jit3A_199 : i32 to vector<16xi32>
            %select_n3A_201 = arith.select %and3A_183, %unique3A_198, %broadcast_in_dim3A_200 : vector<16xi1>, vector<16xi32>
            %reduce_max3A_202 = arith.constant true
            %reduce_max3A_203 = vector.broadcast %reduce_max3A_202 : i1 to vector<16xi1>
            %reduce_max3A_204 = arith.constant -2147483648 : i32
            %reduce_max3A_205 = vector.broadcast %reduce_max3A_204 : i32 to vector<16xi32>
            %reduce_max3A_206 = arith.xori %select_n3A_201, %reduce_max3A_205 : vector<16xi32>
            %reduce_max3A_207 = tpu.scan <max>, %reduce_max3A_206 masked %reduce_max3A_203 : vector<16xi32>, vector<16xi1> -> vector<16xi32>
            %reduce_max3A_208 = arith.xori %reduce_max3A_207, %reduce_max3A_205 : vector<16xi32>
            %reduce_max3A_209 = vector.extract %reduce_max3A_208[15] : i32 from vector<16xi32>
            %while3A_210 = arith.constant 0 : i32
            %while3A_211 = arith.constant 0 : i32
            %while3A_212 = arith.subi %reduce_max3A_209, %while3A_210 : i32
            %while3A_213 = arith.addi %while3A_210, %while3A_212 : i32
            %while3A_214 = arith.constant 1 : i32
            %while3A_215 = arith.divsi %while3A_212, %while3A_214 : i32
            %while3A_216 = arith.muli %while3A_215, %while3A_214 : i32
            %while3A_217 = arith.addi %while3A_210, %while3A_216 : i32
            %while3A_218 = arith.constant 1 : i32
            %while3A_219 = scf.for %while3A_223 = %while3A_210 to %while3A_217 step %while3A_218 iter_args(%while3A_224 = %while3A_211) -> (i32)  : i32 {
              %add3A_225 = arith.constant 1 : i32
              %add3A_226 = arith.addi %while3A_223, %add3A_225 : i32
              %eq3A_227 = vector.broadcast %add3A_226 : i32 to vector<16xi32>
              %eq3A_228 = arith.cmpi eq, %unique3A_198, %eq3A_227 : vector<16xi32>
              %and3A_229 = arith.andi %and3A_183, %eq3A_228 : vector<16xi1>
              %gather3A_230 = tpu.vector_load_idx %arg7[%shift_right_arithmetic3A_192, %and3A_195] : memref<128x256xf32, #tpu.memory_space<vmem>>[vector<16xi32>, vector<16xi32>], vector<16xf32>,
              %max3A_231 = arith.maximumf %gather3A_230, %bitcast3A : vector<16xf32>
              tpu.vector_store_idx %arg7[%shift_right_arithmetic3A_192, %and3A_195], %max3A_231 masked %and3A_229 : memref<128x256xf32, #tpu.memory_space<vmem>>[vector<16xi32>, vector<16xi32>], vector<16xf32>, vector<16xi1>
              %while3A_232 = arith.constant 0 : i32
              scf.yield %while3A_232 : i32
            }
            %while3A_220 = arith.constant 1 : i32
            %while3A_221 = scf.for %while3A_223 = %while3A_217 to %while3A_213 step %while3A_220 iter_args(%while3A_224 = %while3A_219) -> (i32)  : i32 {
              %add3A_225 = arith.constant 1 : i32
              %add3A_226 = arith.addi %while3A_223, %add3A_225 : i32
              %eq3A_227 = vector.broadcast %add3A_226 : i32 to vector<16xi32>
              %eq3A_228 = arith.cmpi eq, %unique3A_198, %eq3A_227 : vector<16xi32>
              %and3A_229 = arith.andi %and3A_183, %eq3A_228 : vector<16xi1>
              %gather3A_230 = tpu.vector_load_idx %arg7[%shift_right_arithmetic3A_192, %and3A_195] : memref<128x256xf32, #tpu.memory_space<vmem>>[vector<16xi32>, vector<16xi32>], vector<16xf32>,
              %max3A_231 = arith.maximumf %gather3A_230, %bitcast3A : vector<16xf32>
              tpu.vector_store_idx %arg7[%shift_right_arithmetic3A_192, %and3A_195], %max3A_231 masked %and3A_229 : memref<128x256xf32, #tpu.memory_space<vmem>>[vector<16xi32>, vector<16xi32>], vector<16xf32>, vector<16xi1>
              %while3A_232 = arith.constant 0 : i32
              scf.yield %while3A_232 : i32
            }
            %scan3A_222 = arith.constant 0 : i32
            scf.yield %scan3A_222 : i32
          }
          %scan3A_155 = arith.constant 32 : i32
          %while3A_156 = arith.constant 0 : i32
          scf.yield %while3A_156 : i32
        }
        %while3A_142 = arith.constant 1 : i32
        %while3A_143 = scf.for %while3A_144 = %while3A_139 to %while3A_135 step %while3A_142 iter_args(%while3A_145 = %while3A_141) -> (i32)  : i32 {
          %mul3A_146 = arith.constant 512 : i32
          %mul3A_147 = arith.muli %while3A_144, %mul3A_146 : i32
          %add3A_148 = arith.addi %reduce_max3A_28, %mul3A_147 : i32
          %scan3A_149 = arith.constant 0 : i32
          %scan3A_150 = arith.constant 0 : i32
          %scan3A_151 = arith.constant 32 : i32
          %scan3A_152 = arith.addi %scan3A_150, %scan3A_151 : i32
          %scan3A_153 = arith.constant 1 : i32
          %scan3A_154 = scf.for %scan3A_157 = %scan3A_150 to %scan3A_152 step %scan3A_153 iter_args(%scan3A_158 = %scan3A_149) -> (i32)  : i32 {
            %mul3A_159 = arith.constant 1024 : i32
            %mul3A_160 = arith.muli %while3A_144, %mul3A_159 : i32
            %mul3A_161 = arith.constant 16 : i32
            %mul3A_162 = arith.muli %scan3A_157, %mul3A_161 : i32
            %add3A_163 = vector.broadcast %mul3A_162 : i32 to vector<16xi32>
            %add3A_164 = arith.addi %add3A_163, %iota3A : vector<16xi32>
            %mul3A_165 = arith.constant 2 : i32
            %mul3A_166 = vector.broadcast %mul3A_165 : i32 to vector<16xi32>
            %mul3A_167 = arith.muli %mul3A_166, %add3A_164 : vector<16xi32>
            %add3A_168 = vector.broadcast %mul3A_160 : i32 to vector<16xi32>
            %add3A_169 = arith.addi %add3A_168, %mul3A_167 : vector<16xi32>
            %gather3A_170 = tpu.vector_load_idx %arg8[%add3A_169] : memref<16384xi32, #tpu.memory_space<vmem>>[vector<16xi32>], vector<16xi32>,
            %add3A_171 = arith.constant 1 : i32
            %add3A_172 = vector.broadcast %add3A_171 : i32 to vector<16xi32>
            %add3A_173 = arith.addi %add3A_169, %add3A_172 : vector<16xi32>
            %gather3A_174 = tpu.vector_load_idx %arg8[%add3A_173] : memref<16384xi32, #tpu.memory_space<vmem>>[vector<16xi32>], vector<16xi32>,
            %bitcast3A = vector.bitcast %gather3A_174 : vector<16xi32> to vector<16xf32>
            %mul3A_175 = arith.constant 16 : i32
            %mul3A_176 = arith.muli %scan3A_157, %mul3A_175 : i32
            %add3A_177 = arith.addi %add3A_148, %mul3A_176 : i32
            %add3A_178 = vector.broadcast %add3A_177 : i32 to vector<16xi32>
            %add3A_179 = arith.addi %add3A_178, %iota3A : vector<16xi32>
            %lt3A = vector.broadcast %reduce_max3A_42 : i32 to vector<16xi32>
            %lt3A_180 = arith.cmpi slt, %add3A_179, %lt3A : vector<16xi32>
            %ge3A = arith.constant 0 : i32
            %ge3A_181 = vector.broadcast %ge3A : i32 to vector<16xi32>
            %ge3A_182 = arith.cmpi sge, %gather3A_170, %ge3A_181 : vector<16xi32>
            %and3A_183 = arith.andi %lt3A_180, %ge3A_182 : vector<16xi1>
            %and3A_184 = arith.constant 32767 : i32
            %and3A_185 = vector.broadcast %and3A_184 : i32 to vector<16xi32>
            %and3A_186 = arith.andi %gather3A_170, %and3A_185 : vector<16xi32>
            %jit3A_187 = arith.constant 0 : i32
            %broadcast_in_dim3A_188 = vector.broadcast %jit3A_187 : i32 to vector<16xi32>
            %select_n3A_189 = arith.select %and3A_183, %and3A_186, %broadcast_in_dim3A_188 : vector<16xi1>, vector<16xi32>
            %shift_right_arithmetic3A_190 = arith.constant 8 : i32
            %shift_right_arithmetic3A_191 = vector.broadcast %shift_right_arithmetic3A_190 : i32 to vector<16xi32>
            %shift_right_arithmetic3A_192 = arith.shrsi %select_n3A_189, %shift_right_arithmetic3A_191 : vector<16xi32>
            %and3A_193 = arith.constant 255 : i32
            %and3A_194 = vector.broadcast %and3A_193 : i32 to vector<16xi32>
            %and3A_195 = arith.andi %select_n3A_189, %and3A_194 : vector<16xi32>
            %broadcast_in_dim3A_196 = arith.constant true
            %broadcast_in_dim3A_197 = vector.broadcast %broadcast_in_dim3A_196 : i1 to vector<16xi1>
            %unique3A, %unique3A_198 = tpu.scan_count mask(%broadcast_in_dim3A_197 : vector<16xi1>) value(%select_n3A_189 : vector<16xi32>) : vector<16xi1>, vector<16xi32>
            %jit3A_199 = arith.constant 0 : i32
            %broadcast_in_dim3A_200 = vector.broadcast %jit3A_199 : i32 to vector<16xi32>
            %select_n3A_201 = arith.select %and3A_183, %unique3A_198, %broadcast_in_dim3A_200 : vector<16xi1>, vector<16xi32>
            %reduce_max3A_202 = arith.constant true
            %reduce_max3A_203 = vector.broadcast %reduce_max3A_202 : i1 to vector<16xi1>
            %reduce_max3A_204 = arith.constant -2147483648 : i32
            %reduce_max3A_205 = vector.broadcast %reduce_max3A_204 : i32 to vector<16xi32>
            %reduce_max3A_206 = arith.xori %select_n3A_201, %reduce_max3A_205 : vector<16xi32>
            %reduce_max3A_207 = tpu.scan <max>, %reduce_max3A_206 masked %reduce_max3A_203 : vector<16xi32>, vector<16xi1> -> vector<16xi32>
            %reduce_max3A_208 = arith.xori %reduce_max3A_207, %reduce_max3A_205 : vector<16xi32>
            %reduce_max3A_209 = vector.extract %reduce_max3A_208[15] : i32 from vector<16xi32>
            %while3A_210 = arith.constant 0 : i32
            %while3A_211 = arith.constant 0 : i32
            %while3A_212 = arith.subi %reduce_max3A_209, %while3A_210 : i32
            %while3A_213 = arith.addi %while3A_210, %while3A_212 : i32
            %while3A_214 = arith.constant 1 : i32
            %while3A_215 = arith.divsi %while3A_212, %while3A_214 : i32
            %while3A_216 = arith.muli %while3A_215, %while3A_214 : i32
            %while3A_217 = arith.addi %while3A_210, %while3A_216 : i32
            %while3A_218 = arith.constant 1 : i32
            %while3A_219 = scf.for %while3A_223 = %while3A_210 to %while3A_217 step %while3A_218 iter_args(%while3A_224 = %while3A_211) -> (i32)  : i32 {
              %add3A_225 = arith.constant 1 : i32
              %add3A_226 = arith.addi %while3A_223, %add3A_225 : i32
              %eq3A_227 = vector.broadcast %add3A_226 : i32 to vector<16xi32>
              %eq3A_228 = arith.cmpi eq, %unique3A_198, %eq3A_227 : vector<16xi32>
              %and3A_229 = arith.andi %and3A_183, %eq3A_228 : vector<16xi1>
              %gather3A_230 = tpu.vector_load_idx %arg7[%shift_right_arithmetic3A_192, %and3A_195] : memref<128x256xf32, #tpu.memory_space<vmem>>[vector<16xi32>, vector<16xi32>], vector<16xf32>,
              %max3A_231 = arith.maximumf %gather3A_230, %bitcast3A : vector<16xf32>
              tpu.vector_store_idx %arg7[%shift_right_arithmetic3A_192, %and3A_195], %max3A_231 masked %and3A_229 : memref<128x256xf32, #tpu.memory_space<vmem>>[vector<16xi32>, vector<16xi32>], vector<16xf32>, vector<16xi1>
              %while3A_232 = arith.constant 0 : i32
              scf.yield %while3A_232 : i32
            }
            %while3A_220 = arith.constant 1 : i32
            %while3A_221 = scf.for %while3A_223 = %while3A_217 to %while3A_213 step %while3A_220 iter_args(%while3A_224 = %while3A_219) -> (i32)  : i32 {
              %add3A_225 = arith.constant 1 : i32
              %add3A_226 = arith.addi %while3A_223, %add3A_225 : i32
              %eq3A_227 = vector.broadcast %add3A_226 : i32 to vector<16xi32>
              %eq3A_228 = arith.cmpi eq, %unique3A_198, %eq3A_227 : vector<16xi32>
              %and3A_229 = arith.andi %and3A_183, %eq3A_228 : vector<16xi1>
              %gather3A_230 = tpu.vector_load_idx %arg7[%shift_right_arithmetic3A_192, %and3A_195] : memref<128x256xf32, #tpu.memory_space<vmem>>[vector<16xi32>, vector<16xi32>], vector<16xf32>,
              %max3A_231 = arith.maximumf %gather3A_230, %bitcast3A : vector<16xf32>
              tpu.vector_store_idx %arg7[%shift_right_arithmetic3A_192, %and3A_195], %max3A_231 masked %and3A_229 : memref<128x256xf32, #tpu.memory_space<vmem>>[vector<16xi32>, vector<16xi32>], vector<16xf32>, vector<16xi1>
              %while3A_232 = arith.constant 0 : i32
              scf.yield %while3A_232 : i32
            }
            %scan3A_222 = arith.constant 0 : i32
            scf.yield %scan3A_222 : i32
          }
          %scan3A_155 = arith.constant 32 : i32
          %while3A_156 = arith.constant 0 : i32
          scf.yield %while3A_156 : i32
        }
      } else {
      }
      %gt3A = arith.constant 16 : i32
      %gt3A_81 = arith.cmpi sgt, %min3A_78, %gt3A : i32
      %convert_element_type3A_82 = arith.extui %gt3A_81 : i1 to i32
      %cond3A_83 = arith.constant 0 : i32
      %cond3A_84 = arith.cmpi ne, %convert_element_type3A_82, %cond3A_83 : i32
      scf.if %cond3A_84 {
        %dma_wait3A = arith.constant 0 : i32
        %dma_wait3A_86 = tpu.memref_slice %arg2[%shift_right_arithmetic3A_12, %mul3A_15, %dma_wait3A] : memref<256x256x256xf32, #tpu.memory_space<hbm>> -> memref<1x128x256xf32, #tpu.memory_space<hbm>>
        %dma_wait3A_87 = tpu.memref_squeeze %dma_wait3A_86 : memref<1x128x256xf32, #tpu.memory_space<hbm>> -> memref<128x256xf32, #tpu.memory_space<hbm>>
        %dma_wait3A_88 = arith.constant 0 : i32
        %dma_wait3A_89 = tpu.memref_slice %arg2[%shift_right_arithmetic3A_12, %mul3A_15, %dma_wait3A_88] : memref<256x256x256xf32, #tpu.memory_space<hbm>> -> memref<1x128x256xf32, #tpu.memory_space<hbm>>
        %dma_wait3A_90 = tpu.memref_squeeze %dma_wait3A_89 : memref<1x128x256xf32, #tpu.memory_space<hbm>> -> memref<128x256xf32, #tpu.memory_space<hbm>>
        tpu.wait_dma2 semaphore(%arg10 : memref<!tpu.dma_semaphore, #tpu.memory_space<semaphore_mem>>) src(%dma_wait3A_90 : memref<128x256xf32, #tpu.memory_space<hbm>>) dst(%arg6 : memref<128x256xf32, #tpu.memory_space<vmem>>)
        %dma_wait3A_91 = arith.constant 0 : i32
        %dma_wait3A_92 = tpu.memref_slice %arg2[%shift_right_arithmetic3A_12, %mul3A_15, %dma_wait3A_91] : memref<256x256x256xf32, #tpu.memory_space<hbm>> -> memref<1x128x256xf32, #tpu.memory_space<hbm>>
        %dma_wait3A_93 = tpu.memref_squeeze %dma_wait3A_92 : memref<1x128x256xf32, #tpu.memory_space<hbm>> -> memref<128x256xf32, #tpu.memory_space<hbm>>
        %dma_wait3A_94 = arith.constant 0 : i32
        %dma_wait3A_95 = tpu.memref_slice %arg2[%shift_right_arithmetic3A_12, %mul3A_15, %dma_wait3A_94] : memref<256x256x256xf32, #tpu.memory_space<hbm>> -> memref<1x128x256xf32, #tpu.memory_space<hbm>>
        %dma_wait3A_96 = tpu.memref_squeeze %dma_wait3A_95 : memref<1x128x256xf32, #tpu.memory_space<hbm>> -> memref<128x256xf32, #tpu.memory_space<hbm>>
        tpu.wait_dma2 semaphore(%arg11 : memref<!tpu.dma_semaphore, #tpu.memory_space<semaphore_mem>>) src(%dma_wait3A_96 : memref<128x256xf32, #tpu.memory_space<hbm>>) dst(%arg7 : memref<128x256xf32, #tpu.memory_space<vmem>>)
        %while3A = arith.constant 0 : i32
        %while3A_97 = arith.constant 0 : i32
        %while3A_98 = arith.subi %min3A_78, %while3A : i32
        %while3A_99 = arith.addi %while3A, %while3A_98 : i32
        %while3A_100 = arith.constant 1 : i32
        %while3A_101 = arith.divsi %while3A_98, %while3A_100 : i32
        %while3A_102 = arith.muli %while3A_101, %while3A_100 : i32
        %while3A_103 = arith.addi %while3A, %while3A_102 : i32
        %while3A_104 = arith.constant 1 : i32
        %while3A_105 = scf.for %while3A_120 = %while3A to %while3A_103 step %while3A_104 iter_args(%while3A_121 = %while3A_97) -> (i32)  : i32 {
          %mul3A_122 = arith.constant 512 : i32
          %mul3A_123 = arith.muli %while3A_120, %mul3A_122 : i32
          %add3A_124 = arith.addi %reduce_max3A_28, %mul3A_123 : i32
          %mul3A_125 = arith.constant 2 : i32
          %mul3A_126 = arith.muli %mul3A_125, %add3A_124 : i32
          %multiple_of3A = tpu.assume_multiple %mul3A_126, 8 : i32
          "tpu.region"() ({
            %run_scoped3A = tpu.sem_alloc : memref<!tpu.dma_semaphore, #tpu.memory_space<semaphore_mem>>
            %dma_start3A_138 = arith.constant 0 : i32
            %dma_start3A_139 = tpu.memref_slice %arg8[%dma_start3A_138] : memref<16384xi32, #tpu.memory_space<vmem>> -> memref<1024xi32, #tpu.memory_space<vmem>>
            %dma_start3A_140 = tpu.memref_slice %arg3[%multiple_of3A] : memref<2629632xi32, #tpu.memory_space<hbm>> -> memref<1024xi32, #tpu.memory_space<hbm>>
            %dma_start3A_141 = arith.constant 0 : i32
            %dma_start3A_142 = tpu.memref_slice %arg8[%dma_start3A_141] : memref<16384xi32, #tpu.memory_space<vmem>> -> memref<1024xi32, #tpu.memory_space<vmem>>
            %dma_start3A_143 = tpu.memref_slice %arg3[%multiple_of3A] : memref<2629632xi32, #tpu.memory_space<hbm>> -> memref<1024xi32, #tpu.memory_space<hbm>>
            tpu.enqueue_dma source(%dma_start3A_143 : memref<1024xi32, #tpu.memory_space<hbm>>) target(%dma_start3A_142 : memref<1024xi32, #tpu.memory_space<vmem>>) target_semaphore(%run_scoped3A : memref<!tpu.dma_semaphore, #tpu.memory_space<semaphore_mem>>)
            %dma_wait3A_144 = arith.constant 0 : i32
            %dma_wait3A_145 = tpu.memref_slice %arg8[%dma_wait3A_144] : memref<16384xi32, #tpu.memory_space<vmem>> -> memref<1024xi32, #tpu.memory_space<vmem>>
            %dma_wait3A_146 = tpu.memref_slice %arg3[%multiple_of3A] : memref<2629632xi32, #tpu.memory_space<hbm>> -> memref<1024xi32, #tpu.memory_space<hbm>>
            %dma_wait3A_147 = arith.constant 0 : i32
            %dma_wait3A_148 = tpu.memref_slice %arg8[%dma_wait3A_147] : memref<16384xi32, #tpu.memory_space<vmem>> -> memref<1024xi32, #tpu.memory_space<vmem>>
            %dma_wait3A_149 = tpu.memref_slice %arg3[%multiple_of3A] : memref<2629632xi32, #tpu.memory_space<hbm>> -> memref<1024xi32, #tpu.memory_space<hbm>>
            tpu.wait_dma2 semaphore(%run_scoped3A : memref<!tpu.dma_semaphore, #tpu.memory_space<semaphore_mem>>) src(%dma_wait3A_149 : memref<1024xi32, #tpu.memory_space<hbm>>) dst(%dma_wait3A_148 : memref<1024xi32, #tpu.memory_space<vmem>>)
            tpu.yield
          }) : () -> ()
          %mul3A_127 = arith.constant 512 : i32
          %mul3A_128 = arith.muli %while3A_120, %mul3A_127 : i32
          %add3A_129 = arith.addi %reduce_max3A_28, %mul3A_128 : i32
          %scan3A_130 = arith.constant 0 : i32
          %scan3A_131 = arith.constant 0 : i32
          %scan3A_132 = arith.constant 32 : i32
          %scan3A_133 = arith.addi %scan3A_131, %scan3A_132 : i32
          %scan3A_134 = arith.constant 1 : i32
          %scan3A_135 = scf.for %scan3A_138 = %scan3A_131 to %scan3A_133 step %scan3A_134 iter_args(%scan3A_139 = %scan3A_130) -> (i32)  : i32 {
            %mul3A_140 = arith.constant 16 : i32
            %mul3A_141 = arith.muli %scan3A_138, %mul3A_140 : i32
            %add3A_142 = vector.broadcast %mul3A_141 : i32 to vector<16xi32>
            %add3A_143 = arith.addi %add3A_142, %iota3A : vector<16xi32>
            %mul3A_144 = arith.constant 2 : i32
            %mul3A_145 = vector.broadcast %mul3A_144 : i32 to vector<16xi32>
            %mul3A_146 = arith.muli %mul3A_145, %add3A_143 : vector<16xi32>
            %add3A_147 = arith.constant 0 : i32
            %add3A_148 = vector.broadcast %add3A_147 : i32 to vector<16xi32>
            %add3A_149 = arith.addi %add3A_148, %mul3A_146 : vector<16xi32>
            %gather3A_150 = tpu.vector_load_idx %arg8[%add3A_149] : memref<16384xi32, #tpu.memory_space<vmem>>[vector<16xi32>], vector<16xi32>,
            %mul3A_151 = arith.constant 16 : i32
            %mul3A_152 = arith.muli %scan3A_138, %mul3A_151 : i32
            %add3A_153 = arith.addi %add3A_129, %mul3A_152 : i32
            %add3A_154 = vector.broadcast %add3A_153 : i32 to vector<16xi32>
            %add3A_155 = arith.addi %add3A_154, %iota3A : vector<16xi32>
            %lt3A = vector.broadcast %reduce_max3A_42 : i32 to vector<16xi32>
            %lt3A_156 = arith.cmpi slt, %add3A_155, %lt3A : vector<16xi32>
            %ge3A = arith.constant 0 : i32
            %ge3A_157 = vector.broadcast %ge3A : i32 to vector<16xi32>
            %ge3A_158 = arith.cmpi sge, %gather3A_150, %ge3A_157 : vector<16xi32>
            %and3A_159 = arith.andi %lt3A_156, %ge3A_158 : vector<16xi1>
            %and3A_160 = arith.constant 32767 : i32
            %and3A_161 = vector.broadcast %and3A_160 : i32 to vector<16xi32>
            %and3A_162 = arith.andi %gather3A_150, %and3A_161 : vector<16xi32>
            %jit3A_163 = arith.constant 0 : i32
            %broadcast_in_dim3A_164 = vector.broadcast %jit3A_163 : i32 to vector<16xi32>
            %select_n3A_165 = arith.select %and3A_159, %and3A_162, %broadcast_in_dim3A_164 : vector<16xi1>, vector<16xi32>
            %shift_right_arithmetic3A_166 = arith.constant 8 : i32
            %shift_right_arithmetic3A_167 = vector.broadcast %shift_right_arithmetic3A_166 : i32 to vector<16xi32>
            %shift_right_arithmetic3A_168 = arith.shrsi %select_n3A_165, %shift_right_arithmetic3A_167 : vector<16xi32>
            %and3A_169 = arith.constant 255 : i32
            %and3A_170 = vector.broadcast %and3A_169 : i32 to vector<16xi32>
            %and3A_171 = arith.andi %select_n3A_165, %and3A_170 : vector<16xi32>
            %gather3A_172 = tpu.vector_load_idx %arg6[%shift_right_arithmetic3A_168, %and3A_171] : memref<128x256xf32, #tpu.memory_space<vmem>>[vector<16xi32>, vector<16xi32>], vector<16xf32>,
            %mul3A_173 = arith.constant 0.949999988 : f32
            %mul3A_174 = vector.broadcast %mul3A_173 : f32 to vector<16xf32>
            %mul3A_175 = arith.mulf %gather3A_172, %mul3A_174 : vector<16xf32>
            tpu.vector_store_idx %arg7[%shift_right_arithmetic3A_168, %and3A_171], %mul3A_175 masked %and3A_159 : memref<128x256xf32, #tpu.memory_space<vmem>>[vector<16xi32>, vector<16xi32>], vector<16xf32>, vector<16xi1>
            %scan3A_176 = arith.constant 0 : i32
            scf.yield %scan3A_176 : i32
          }
          %scan3A_136 = arith.constant 32 : i32
          %while3A_137 = arith.constant 0 : i32
          scf.yield %while3A_137 : i32
        }
        %while3A_106 = arith.constant 1 : i32
        %while3A_107 = scf.for %while3A_120 = %while3A_103 to %while3A_99 step %while3A_106 iter_args(%while3A_121 = %while3A_105) -> (i32)  : i32 {
          %mul3A_122 = arith.constant 512 : i32
          %mul3A_123 = arith.muli %while3A_120, %mul3A_122 : i32
          %add3A_124 = arith.addi %reduce_max3A_28, %mul3A_123 : i32
          %mul3A_125 = arith.constant 2 : i32
          %mul3A_126 = arith.muli %mul3A_125, %add3A_124 : i32
          %multiple_of3A = tpu.assume_multiple %mul3A_126, 8 : i32
          "tpu.region"() ({
            %run_scoped3A = tpu.sem_alloc : memref<!tpu.dma_semaphore, #tpu.memory_space<semaphore_mem>>
            %dma_start3A_138 = arith.constant 0 : i32
            %dma_start3A_139 = tpu.memref_slice %arg8[%dma_start3A_138] : memref<16384xi32, #tpu.memory_space<vmem>> -> memref<1024xi32, #tpu.memory_space<vmem>>
            %dma_start3A_140 = tpu.memref_slice %arg3[%multiple_of3A] : memref<2629632xi32, #tpu.memory_space<hbm>> -> memref<1024xi32, #tpu.memory_space<hbm>>
            %dma_start3A_141 = arith.constant 0 : i32
            %dma_start3A_142 = tpu.memref_slice %arg8[%dma_start3A_141] : memref<16384xi32, #tpu.memory_space<vmem>> -> memref<1024xi32, #tpu.memory_space<vmem>>
            %dma_start3A_143 = tpu.memref_slice %arg3[%multiple_of3A] : memref<2629632xi32, #tpu.memory_space<hbm>> -> memref<1024xi32, #tpu.memory_space<hbm>>
            tpu.enqueue_dma source(%dma_start3A_143 : memref<1024xi32, #tpu.memory_space<hbm>>) target(%dma_start3A_142 : memref<1024xi32, #tpu.memory_space<vmem>>) target_semaphore(%run_scoped3A : memref<!tpu.dma_semaphore, #tpu.memory_space<semaphore_mem>>)
            %dma_wait3A_144 = arith.constant 0 : i32
            %dma_wait3A_145 = tpu.memref_slice %arg8[%dma_wait3A_144] : memref<16384xi32, #tpu.memory_space<vmem>> -> memref<1024xi32, #tpu.memory_space<vmem>>
            %dma_wait3A_146 = tpu.memref_slice %arg3[%multiple_of3A] : memref<2629632xi32, #tpu.memory_space<hbm>> -> memref<1024xi32, #tpu.memory_space<hbm>>
            %dma_wait3A_147 = arith.constant 0 : i32
            %dma_wait3A_148 = tpu.memref_slice %arg8[%dma_wait3A_147] : memref<16384xi32, #tpu.memory_space<vmem>> -> memref<1024xi32, #tpu.memory_space<vmem>>
            %dma_wait3A_149 = tpu.memref_slice %arg3[%multiple_of3A] : memref<2629632xi32, #tpu.memory_space<hbm>> -> memref<1024xi32, #tpu.memory_space<hbm>>
            tpu.wait_dma2 semaphore(%run_scoped3A : memref<!tpu.dma_semaphore, #tpu.memory_space<semaphore_mem>>) src(%dma_wait3A_149 : memref<1024xi32, #tpu.memory_space<hbm>>) dst(%dma_wait3A_148 : memref<1024xi32, #tpu.memory_space<vmem>>)
            tpu.yield
          }) : () -> ()
          %mul3A_127 = arith.constant 512 : i32
          %mul3A_128 = arith.muli %while3A_120, %mul3A_127 : i32
          %add3A_129 = arith.addi %reduce_max3A_28, %mul3A_128 : i32
          %scan3A_130 = arith.constant 0 : i32
          %scan3A_131 = arith.constant 0 : i32
          %scan3A_132 = arith.constant 32 : i32
          %scan3A_133 = arith.addi %scan3A_131, %scan3A_132 : i32
          %scan3A_134 = arith.constant 1 : i32
          %scan3A_135 = scf.for %scan3A_138 = %scan3A_131 to %scan3A_133 step %scan3A_134 iter_args(%scan3A_139 = %scan3A_130) -> (i32)  : i32 {
            %mul3A_140 = arith.constant 16 : i32
            %mul3A_141 = arith.muli %scan3A_138, %mul3A_140 : i32
            %add3A_142 = vector.broadcast %mul3A_141 : i32 to vector<16xi32>
            %add3A_143 = arith.addi %add3A_142, %iota3A : vector<16xi32>
            %mul3A_144 = arith.constant 2 : i32
            %mul3A_145 = vector.broadcast %mul3A_144 : i32 to vector<16xi32>
            %mul3A_146 = arith.muli %mul3A_145, %add3A_143 : vector<16xi32>
            %add3A_147 = arith.constant 0 : i32
            %add3A_148 = vector.broadcast %add3A_147 : i32 to vector<16xi32>
            %add3A_149 = arith.addi %add3A_148, %mul3A_146 : vector<16xi32>
            %gather3A_150 = tpu.vector_load_idx %arg8[%add3A_149] : memref<16384xi32, #tpu.memory_space<vmem>>[vector<16xi32>], vector<16xi32>,
            %mul3A_151 = arith.constant 16 : i32
            %mul3A_152 = arith.muli %scan3A_138, %mul3A_151 : i32
            %add3A_153 = arith.addi %add3A_129, %mul3A_152 : i32
            %add3A_154 = vector.broadcast %add3A_153 : i32 to vector<16xi32>
            %add3A_155 = arith.addi %add3A_154, %iota3A : vector<16xi32>
            %lt3A = vector.broadcast %reduce_max3A_42 : i32 to vector<16xi32>
            %lt3A_156 = arith.cmpi slt, %add3A_155, %lt3A : vector<16xi32>
            %ge3A = arith.constant 0 : i32
            %ge3A_157 = vector.broadcast %ge3A : i32 to vector<16xi32>
            %ge3A_158 = arith.cmpi sge, %gather3A_150, %ge3A_157 : vector<16xi32>
            %and3A_159 = arith.andi %lt3A_156, %ge3A_158 : vector<16xi1>
            %and3A_160 = arith.constant 32767 : i32
            %and3A_161 = vector.broadcast %and3A_160 : i32 to vector<16xi32>
            %and3A_162 = arith.andi %gather3A_150, %and3A_161 : vector<16xi32>
            %jit3A_163 = arith.constant 0 : i32
            %broadcast_in_dim3A_164 = vector.broadcast %jit3A_163 : i32 to vector<16xi32>
            %select_n3A_165 = arith.select %and3A_159, %and3A_162, %broadcast_in_dim3A_164 : vector<16xi1>, vector<16xi32>
            %shift_right_arithmetic3A_166 = arith.constant 8 : i32
            %shift_right_arithmetic3A_167 = vector.broadcast %shift_right_arithmetic3A_166 : i32 to vector<16xi32>
            %shift_right_arithmetic3A_168 = arith.shrsi %select_n3A_165, %shift_right_arithmetic3A_167 : vector<16xi32>
            %and3A_169 = arith.constant 255 : i32
            %and3A_170 = vector.broadcast %and3A_169 : i32 to vector<16xi32>
            %and3A_171 = arith.andi %select_n3A_165, %and3A_170 : vector<16xi32>
            %gather3A_172 = tpu.vector_load_idx %arg6[%shift_right_arithmetic3A_168, %and3A_171] : memref<128x256xf32, #tpu.memory_space<vmem>>[vector<16xi32>, vector<16xi32>], vector<16xf32>,
            %mul3A_173 = arith.constant 0.949999988 : f32
            %mul3A_174 = vector.broadcast %mul3A_173 : f32 to vector<16xf32>
            %mul3A_175 = arith.mulf %gather3A_172, %mul3A_174 : vector<16xf32>
            tpu.vector_store_idx %arg7[%shift_right_arithmetic3A_168, %and3A_171], %mul3A_175 masked %and3A_159 : memref<128x256xf32, #tpu.memory_space<vmem>>[vector<16xi32>, vector<16xi32>], vector<16xf32>, vector<16xi1>
            %scan3A_176 = arith.constant 0 : i32
            scf.yield %scan3A_176 : i32
          }
          %scan3A_136 = arith.constant 32 : i32
          %while3A_137 = arith.constant 0 : i32
          scf.yield %while3A_137 : i32
        }
        %while3A_108 = arith.constant 0 : i32
        %while3A_109 = arith.constant 0 : i32
        %while3A_110 = arith.subi %min3A_78, %while3A_108 : i32
        %while3A_111 = arith.addi %while3A_108, %while3A_110 : i32
        %while3A_112 = arith.constant 1 : i32
        %while3A_113 = arith.divsi %while3A_110, %while3A_112 : i32
        %while3A_114 = arith.muli %while3A_113, %while3A_112 : i32
        %while3A_115 = arith.addi %while3A_108, %while3A_114 : i32
        %while3A_116 = arith.constant 1 : i32
        %while3A_117 = scf.for %while3A_120 = %while3A_108 to %while3A_115 step %while3A_116 iter_args(%while3A_121 = %while3A_109) -> (i32)  : i32 {
          %mul3A_122 = arith.constant 512 : i32
          %mul3A_123 = arith.muli %while3A_120, %mul3A_122 : i32
          %add3A_124 = arith.addi %reduce_max3A_28, %mul3A_123 : i32
          %mul3A_125 = arith.constant 2 : i32
          %mul3A_126 = arith.muli %mul3A_125, %add3A_124 : i32
          %multiple_of3A = tpu.assume_multiple %mul3A_126, 8 : i32
          "tpu.region"() ({
            %run_scoped3A = tpu.sem_alloc : memref<!tpu.dma_semaphore, #tpu.memory_space<semaphore_mem>>
            %dma_start3A_138 = arith.constant 0 : i32
            %dma_start3A_139 = tpu.memref_slice %arg8[%dma_start3A_138] : memref<16384xi32, #tpu.memory_space<vmem>> -> memref<1024xi32, #tpu.memory_space<vmem>>
            %dma_start3A_140 = tpu.memref_slice %arg3[%multiple_of3A] : memref<2629632xi32, #tpu.memory_space<hbm>> -> memref<1024xi32, #tpu.memory_space<hbm>>
            %dma_start3A_141 = arith.constant 0 : i32
            %dma_start3A_142 = tpu.memref_slice %arg8[%dma_start3A_141] : memref<16384xi32, #tpu.memory_space<vmem>> -> memref<1024xi32, #tpu.memory_space<vmem>>
            %dma_start3A_143 = tpu.memref_slice %arg3[%multiple_of3A] : memref<2629632xi32, #tpu.memory_space<hbm>> -> memref<1024xi32, #tpu.memory_space<hbm>>
            tpu.enqueue_dma source(%dma_start3A_143 : memref<1024xi32, #tpu.memory_space<hbm>>) target(%dma_start3A_142 : memref<1024xi32, #tpu.memory_space<vmem>>) target_semaphore(%run_scoped3A : memref<!tpu.dma_semaphore, #tpu.memory_space<semaphore_mem>>)
            %dma_wait3A_144 = arith.constant 0 : i32
            %dma_wait3A_145 = tpu.memref_slice %arg8[%dma_wait3A_144] : memref<16384xi32, #tpu.memory_space<vmem>> -> memref<1024xi32, #tpu.memory_space<vmem>>
            %dma_wait3A_146 = tpu.memref_slice %arg3[%multiple_of3A] : memref<2629632xi32, #tpu.memory_space<hbm>> -> memref<1024xi32, #tpu.memory_space<hbm>>
            %dma_wait3A_147 = arith.constant 0 : i32
            %dma_wait3A_148 = tpu.memref_slice %arg8[%dma_wait3A_147] : memref<16384xi32, #tpu.memory_space<vmem>> -> memref<1024xi32, #tpu.memory_space<vmem>>
            %dma_wait3A_149 = tpu.memref_slice %arg3[%multiple_of3A] : memref<2629632xi32, #tpu.memory_space<hbm>> -> memref<1024xi32, #tpu.memory_space<hbm>>
            tpu.wait_dma2 semaphore(%run_scoped3A : memref<!tpu.dma_semaphore, #tpu.memory_space<semaphore_mem>>) src(%dma_wait3A_149 : memref<1024xi32, #tpu.memory_space<hbm>>) dst(%dma_wait3A_148 : memref<1024xi32, #tpu.memory_space<vmem>>)
            tpu.yield
          }) : () -> ()
          %mul3A_127 = arith.constant 512 : i32
          %mul3A_128 = arith.muli %while3A_120, %mul3A_127 : i32
          %add3A_129 = arith.addi %reduce_max3A_28, %mul3A_128 : i32
          %scan3A_130 = arith.constant 0 : i32
          %scan3A_131 = arith.constant 0 : i32
          %scan3A_132 = arith.constant 32 : i32
          %scan3A_133 = arith.addi %scan3A_131, %scan3A_132 : i32
          %scan3A_134 = arith.constant 1 : i32
          %scan3A_135 = scf.for %scan3A_138 = %scan3A_131 to %scan3A_133 step %scan3A_134 iter_args(%scan3A_139 = %scan3A_130) -> (i32)  : i32 {
            %mul3A_140 = arith.constant 16 : i32
            %mul3A_141 = arith.muli %scan3A_138, %mul3A_140 : i32
            %add3A_142 = vector.broadcast %mul3A_141 : i32 to vector<16xi32>
            %add3A_143 = arith.addi %add3A_142, %iota3A : vector<16xi32>
            %mul3A_144 = arith.constant 2 : i32
            %mul3A_145 = vector.broadcast %mul3A_144 : i32 to vector<16xi32>
            %mul3A_146 = arith.muli %mul3A_145, %add3A_143 : vector<16xi32>
            %add3A_147 = arith.constant 0 : i32
            %add3A_148 = vector.broadcast %add3A_147 : i32 to vector<16xi32>
            %add3A_149 = arith.addi %add3A_148, %mul3A_146 : vector<16xi32>
            %gather3A_150 = tpu.vector_load_idx %arg8[%add3A_149] : memref<16384xi32, #tpu.memory_space<vmem>>[vector<16xi32>], vector<16xi32>,
            %add3A_151 = arith.constant 1 : i32
            %add3A_152 = vector.broadcast %add3A_151 : i32 to vector<16xi32>
            %add3A_153 = arith.addi %add3A_149, %add3A_152 : vector<16xi32>
            %gather3A_154 = tpu.vector_load_idx %arg8[%add3A_153] : memref<16384xi32, #tpu.memory_space<vmem>>[vector<16xi32>], vector<16xi32>,
            %bitcast3A = vector.bitcast %gather3A_154 : vector<16xi32> to vector<16xf32>
            %mul3A_155 = arith.constant 16 : i32
            %mul3A_156 = arith.muli %scan3A_138, %mul3A_155 : i32
            %add3A_157 = arith.addi %add3A_129, %mul3A_156 : i32
            %add3A_158 = vector.broadcast %add3A_157 : i32 to vector<16xi32>
            %add3A_159 = arith.addi %add3A_158, %iota3A : vector<16xi32>
            %lt3A = vector.broadcast %reduce_max3A_42 : i32 to vector<16xi32>
            %lt3A_160 = arith.cmpi slt, %add3A_159, %lt3A : vector<16xi32>
            %ge3A = arith.constant 0 : i32
            %ge3A_161 = vector.broadcast %ge3A : i32 to vector<16xi32>
            %ge3A_162 = arith.cmpi sge, %gather3A_150, %ge3A_161 : vector<16xi32>
            %and3A_163 = arith.andi %lt3A_160, %ge3A_162 : vector<16xi1>
            %and3A_164 = arith.constant 32767 : i32
            %and3A_165 = vector.broadcast %and3A_164 : i32 to vector<16xi32>
            %and3A_166 = arith.andi %gather3A_150, %and3A_165 : vector<16xi32>
            %jit3A_167 = arith.constant 0 : i32
            %broadcast_in_dim3A_168 = vector.broadcast %jit3A_167 : i32 to vector<16xi32>
            %select_n3A_169 = arith.select %and3A_163, %and3A_166, %broadcast_in_dim3A_168 : vector<16xi1>, vector<16xi32>
            %shift_right_arithmetic3A_170 = arith.constant 8 : i32
            %shift_right_arithmetic3A_171 = vector.broadcast %shift_right_arithmetic3A_170 : i32 to vector<16xi32>
            %shift_right_arithmetic3A_172 = arith.shrsi %select_n3A_169, %shift_right_arithmetic3A_171 : vector<16xi32>
            %and3A_173 = arith.constant 255 : i32
            %and3A_174 = vector.broadcast %and3A_173 : i32 to vector<16xi32>
            %and3A_175 = arith.andi %select_n3A_169, %and3A_174 : vector<16xi32>
            %broadcast_in_dim3A_176 = arith.constant true
            %broadcast_in_dim3A_177 = vector.broadcast %broadcast_in_dim3A_176 : i1 to vector<16xi1>
            %unique3A, %unique3A_178 = tpu.scan_count mask(%broadcast_in_dim3A_177 : vector<16xi1>) value(%select_n3A_169 : vector<16xi32>) : vector<16xi1>, vector<16xi32>
            %jit3A_179 = arith.constant 0 : i32
            %broadcast_in_dim3A_180 = vector.broadcast %jit3A_179 : i32 to vector<16xi32>
            %select_n3A_181 = arith.select %and3A_163, %unique3A_178, %broadcast_in_dim3A_180 : vector<16xi1>, vector<16xi32>
            %reduce_max3A_182 = arith.constant true
            %reduce_max3A_183 = vector.broadcast %reduce_max3A_182 : i1 to vector<16xi1>
            %reduce_max3A_184 = arith.constant -2147483648 : i32
            %reduce_max3A_185 = vector.broadcast %reduce_max3A_184 : i32 to vector<16xi32>
            %reduce_max3A_186 = arith.xori %select_n3A_181, %reduce_max3A_185 : vector<16xi32>
            %reduce_max3A_187 = tpu.scan <max>, %reduce_max3A_186 masked %reduce_max3A_183 : vector<16xi32>, vector<16xi1> -> vector<16xi32>
            %reduce_max3A_188 = arith.xori %reduce_max3A_187, %reduce_max3A_185 : vector<16xi32>
            %reduce_max3A_189 = vector.extract %reduce_max3A_188[15] : i32 from vector<16xi32>
            %while3A_190 = arith.constant 0 : i32
            %while3A_191 = arith.constant 0 : i32
            %while3A_192 = arith.subi %reduce_max3A_189, %while3A_190 : i32
            %while3A_193 = arith.addi %while3A_190, %while3A_192 : i32
            %while3A_194 = arith.constant 1 : i32
            %while3A_195 = arith.divsi %while3A_192, %while3A_194 : i32
            %while3A_196 = arith.muli %while3A_195, %while3A_194 : i32
            %while3A_197 = arith.addi %while3A_190, %while3A_196 : i32
            %while3A_198 = arith.constant 1 : i32
            %while3A_199 = scf.for %while3A_203 = %while3A_190 to %while3A_197 step %while3A_198 iter_args(%while3A_204 = %while3A_191) -> (i32)  : i32 {
              %add3A_205 = arith.constant 1 : i32
              %add3A_206 = arith.addi %while3A_203, %add3A_205 : i32
              %eq3A_207 = vector.broadcast %add3A_206 : i32 to vector<16xi32>
              %eq3A_208 = arith.cmpi eq, %unique3A_178, %eq3A_207 : vector<16xi32>
              %and3A_209 = arith.andi %and3A_163, %eq3A_208 : vector<16xi1>
              %gather3A_210 = tpu.vector_load_idx %arg7[%shift_right_arithmetic3A_172, %and3A_175] : memref<128x256xf32, #tpu.memory_space<vmem>>[vector<16xi32>, vector<16xi32>], vector<16xf32>,
              %max3A_211 = arith.maximumf %gather3A_210, %bitcast3A : vector<16xf32>
              tpu.vector_store_idx %arg7[%shift_right_arithmetic3A_172, %and3A_175], %max3A_211 masked %and3A_209 : memref<128x256xf32, #tpu.memory_space<vmem>>[vector<16xi32>, vector<16xi32>], vector<16xf32>, vector<16xi1>
              %while3A_212 = arith.constant 0 : i32
              scf.yield %while3A_212 : i32
            }
            %while3A_200 = arith.constant 1 : i32
            %while3A_201 = scf.for %while3A_203 = %while3A_197 to %while3A_193 step %while3A_200 iter_args(%while3A_204 = %while3A_199) -> (i32)  : i32 {
              %add3A_205 = arith.constant 1 : i32
              %add3A_206 = arith.addi %while3A_203, %add3A_205 : i32
              %eq3A_207 = vector.broadcast %add3A_206 : i32 to vector<16xi32>
              %eq3A_208 = arith.cmpi eq, %unique3A_178, %eq3A_207 : vector<16xi32>
              %and3A_209 = arith.andi %and3A_163, %eq3A_208 : vector<16xi1>
              %gather3A_210 = tpu.vector_load_idx %arg7[%shift_right_arithmetic3A_172, %and3A_175] : memref<128x256xf32, #tpu.memory_space<vmem>>[vector<16xi32>, vector<16xi32>], vector<16xf32>,
              %max3A_211 = arith.maximumf %gather3A_210, %bitcast3A : vector<16xf32>
              tpu.vector_store_idx %arg7[%shift_right_arithmetic3A_172, %and3A_175], %max3A_211 masked %and3A_209 : memref<128x256xf32, #tpu.memory_space<vmem>>[vector<16xi32>, vector<16xi32>], vector<16xf32>, vector<16xi1>
              %while3A_212 = arith.constant 0 : i32
              scf.yield %while3A_212 : i32
            }
            %scan3A_202 = arith.constant 0 : i32
            scf.yield %scan3A_202 : i32
          }
          %scan3A_136 = arith.constant 32 : i32
          %while3A_137 = arith.constant 0 : i32
          scf.yield %while3A_137 : i32
        }
        %while3A_118 = arith.constant 1 : i32
        %while3A_119 = scf.for %while3A_120 = %while3A_115 to %while3A_111 step %while3A_118 iter_args(%while3A_121 = %while3A_117) -> (i32)  : i32 {
          %mul3A_122 = arith.constant 512 : i32
          %mul3A_123 = arith.muli %while3A_120, %mul3A_122 : i32
          %add3A_124 = arith.addi %reduce_max3A_28, %mul3A_123 : i32
          %mul3A_125 = arith.constant 2 : i32
          %mul3A_126 = arith.muli %mul3A_125, %add3A_124 : i32
          %multiple_of3A = tpu.assume_multiple %mul3A_126, 8 : i32
          "tpu.region"() ({
            %run_scoped3A = tpu.sem_alloc : memref<!tpu.dma_semaphore, #tpu.memory_space<semaphore_mem>>
            %dma_start3A_138 = arith.constant 0 : i32
            %dma_start3A_139 = tpu.memref_slice %arg8[%dma_start3A_138] : memref<16384xi32, #tpu.memory_space<vmem>> -> memref<1024xi32, #tpu.memory_space<vmem>>
            %dma_start3A_140 = tpu.memref_slice %arg3[%multiple_of3A] : memref<2629632xi32, #tpu.memory_space<hbm>> -> memref<1024xi32, #tpu.memory_space<hbm>>
            %dma_start3A_141 = arith.constant 0 : i32
            %dma_start3A_142 = tpu.memref_slice %arg8[%dma_start3A_141] : memref<16384xi32, #tpu.memory_space<vmem>> -> memref<1024xi32, #tpu.memory_space<vmem>>
            %dma_start3A_143 = tpu.memref_slice %arg3[%multiple_of3A] : memref<2629632xi32, #tpu.memory_space<hbm>> -> memref<1024xi32, #tpu.memory_space<hbm>>
            tpu.enqueue_dma source(%dma_start3A_143 : memref<1024xi32, #tpu.memory_space<hbm>>) target(%dma_start3A_142 : memref<1024xi32, #tpu.memory_space<vmem>>) target_semaphore(%run_scoped3A : memref<!tpu.dma_semaphore, #tpu.memory_space<semaphore_mem>>)
            %dma_wait3A_144 = arith.constant 0 : i32
            %dma_wait3A_145 = tpu.memref_slice %arg8[%dma_wait3A_144] : memref<16384xi32, #tpu.memory_space<vmem>> -> memref<1024xi32, #tpu.memory_space<vmem>>
            %dma_wait3A_146 = tpu.memref_slice %arg3[%multiple_of3A] : memref<2629632xi32, #tpu.memory_space<hbm>> -> memref<1024xi32, #tpu.memory_space<hbm>>
            %dma_wait3A_147 = arith.constant 0 : i32
            %dma_wait3A_148 = tpu.memref_slice %arg8[%dma_wait3A_147] : memref<16384xi32, #tpu.memory_space<vmem>> -> memref<1024xi32, #tpu.memory_space<vmem>>
            %dma_wait3A_149 = tpu.memref_slice %arg3[%multiple_of3A] : memref<2629632xi32, #tpu.memory_space<hbm>> -> memref<1024xi32, #tpu.memory_space<hbm>>
            tpu.wait_dma2 semaphore(%run_scoped3A : memref<!tpu.dma_semaphore, #tpu.memory_space<semaphore_mem>>) src(%dma_wait3A_149 : memref<1024xi32, #tpu.memory_space<hbm>>) dst(%dma_wait3A_148 : memref<1024xi32, #tpu.memory_space<vmem>>)
            tpu.yield
          }) : () -> ()
          %mul3A_127 = arith.constant 512 : i32
          %mul3A_128 = arith.muli %while3A_120, %mul3A_127 : i32
          %add3A_129 = arith.addi %reduce_max3A_28, %mul3A_128 : i32
          %scan3A_130 = arith.constant 0 : i32
          %scan3A_131 = arith.constant 0 : i32
          %scan3A_132 = arith.constant 32 : i32
          %scan3A_133 = arith.addi %scan3A_131, %scan3A_132 : i32
          %scan3A_134 = arith.constant 1 : i32
          %scan3A_135 = scf.for %scan3A_138 = %scan3A_131 to %scan3A_133 step %scan3A_134 iter_args(%scan3A_139 = %scan3A_130) -> (i32)  : i32 {
            %mul3A_140 = arith.constant 16 : i32
            %mul3A_141 = arith.muli %scan3A_138, %mul3A_140 : i32
            %add3A_142 = vector.broadcast %mul3A_141 : i32 to vector<16xi32>
            %add3A_143 = arith.addi %add3A_142, %iota3A : vector<16xi32>
            %mul3A_144 = arith.constant 2 : i32
            %mul3A_145 = vector.broadcast %mul3A_144 : i32 to vector<16xi32>
            %mul3A_146 = arith.muli %mul3A_145, %add3A_143 : vector<16xi32>
            %add3A_147 = arith.constant 0 : i32
            %add3A_148 = vector.broadcast %add3A_147 : i32 to vector<16xi32>
            %add3A_149 = arith.addi %add3A_148, %mul3A_146 : vector<16xi32>
            %gather3A_150 = tpu.vector_load_idx %arg8[%add3A_149] : memref<16384xi32, #tpu.memory_space<vmem>>[vector<16xi32>], vector<16xi32>,
            %add3A_151 = arith.constant 1 : i32
            %add3A_152 = vector.broadcast %add3A_151 : i32 to vector<16xi32>
            %add3A_153 = arith.addi %add3A_149, %add3A_152 : vector<16xi32>
            %gather3A_154 = tpu.vector_load_idx %arg8[%add3A_153] : memref<16384xi32, #tpu.memory_space<vmem>>[vector<16xi32>], vector<16xi32>,
            %bitcast3A = vector.bitcast %gather3A_154 : vector<16xi32> to vector<16xf32>
            %mul3A_155 = arith.constant 16 : i32
            %mul3A_156 = arith.muli %scan3A_138, %mul3A_155 : i32
            %add3A_157 = arith.addi %add3A_129, %mul3A_156 : i32
            %add3A_158 = vector.broadcast %add3A_157 : i32 to vector<16xi32>
            %add3A_159 = arith.addi %add3A_158, %iota3A : vector<16xi32>
            %lt3A = vector.broadcast %reduce_max3A_42 : i32 to vector<16xi32>
            %lt3A_160 = arith.cmpi slt, %add3A_159, %lt3A : vector<16xi32>
            %ge3A = arith.constant 0 : i32
            %ge3A_161 = vector.broadcast %ge3A : i32 to vector<16xi32>
            %ge3A_162 = arith.cmpi sge, %gather3A_150, %ge3A_161 : vector<16xi32>
            %and3A_163 = arith.andi %lt3A_160, %ge3A_162 : vector<16xi1>
            %and3A_164 = arith.constant 32767 : i32
            %and3A_165 = vector.broadcast %and3A_164 : i32 to vector<16xi32>
            %and3A_166 = arith.andi %gather3A_150, %and3A_165 : vector<16xi32>
            %jit3A_167 = arith.constant 0 : i32
            %broadcast_in_dim3A_168 = vector.broadcast %jit3A_167 : i32 to vector<16xi32>
            %select_n3A_169 = arith.select %and3A_163, %and3A_166, %broadcast_in_dim3A_168 : vector<16xi1>, vector<16xi32>
            %shift_right_arithmetic3A_170 = arith.constant 8 : i32
            %shift_right_arithmetic3A_171 = vector.broadcast %shift_right_arithmetic3A_170 : i32 to vector<16xi32>
            %shift_right_arithmetic3A_172 = arith.shrsi %select_n3A_169, %shift_right_arithmetic3A_171 : vector<16xi32>
            %and3A_173 = arith.constant 255 : i32
            %and3A_174 = vector.broadcast %and3A_173 : i32 to vector<16xi32>
            %and3A_175 = arith.andi %select_n3A_169, %and3A_174 : vector<16xi32>
            %broadcast_in_dim3A_176 = arith.constant true
            %broadcast_in_dim3A_177 = vector.broadcast %broadcast_in_dim3A_176 : i1 to vector<16xi1>
            %unique3A, %unique3A_178 = tpu.scan_count mask(%broadcast_in_dim3A_177 : vector<16xi1>) value(%select_n3A_169 : vector<16xi32>) : vector<16xi1>, vector<16xi32>
            %jit3A_179 = arith.constant 0 : i32
            %broadcast_in_dim3A_180 = vector.broadcast %jit3A_179 : i32 to vector<16xi32>
            %select_n3A_181 = arith.select %and3A_163, %unique3A_178, %broadcast_in_dim3A_180 : vector<16xi1>, vector<16xi32>
            %reduce_max3A_182 = arith.constant true
            %reduce_max3A_183 = vector.broadcast %reduce_max3A_182 : i1 to vector<16xi1>
            %reduce_max3A_184 = arith.constant -2147483648 : i32
            %reduce_max3A_185 = vector.broadcast %reduce_max3A_184 : i32 to vector<16xi32>
            %reduce_max3A_186 = arith.xori %select_n3A_181, %reduce_max3A_185 : vector<16xi32>
            %reduce_max3A_187 = tpu.scan <max>, %reduce_max3A_186 masked %reduce_max3A_183 : vector<16xi32>, vector<16xi1> -> vector<16xi32>
            %reduce_max3A_188 = arith.xori %reduce_max3A_187, %reduce_max3A_185 : vector<16xi32>
            %reduce_max3A_189 = vector.extract %reduce_max3A_188[15] : i32 from vector<16xi32>
            %while3A_190 = arith.constant 0 : i32
            %while3A_191 = arith.constant 0 : i32
            %while3A_192 = arith.subi %reduce_max3A_189, %while3A_190 : i32
            %while3A_193 = arith.addi %while3A_190, %while3A_192 : i32
            %while3A_194 = arith.constant 1 : i32
            %while3A_195 = arith.divsi %while3A_192, %while3A_194 : i32
            %while3A_196 = arith.muli %while3A_195, %while3A_194 : i32
            %while3A_197 = arith.addi %while3A_190, %while3A_196 : i32
            %while3A_198 = arith.constant 1 : i32
            %while3A_199 = scf.for %while3A_203 = %while3A_190 to %while3A_197 step %while3A_198 iter_args(%while3A_204 = %while3A_191) -> (i32)  : i32 {
              %add3A_205 = arith.constant 1 : i32
              %add3A_206 = arith.addi %while3A_203, %add3A_205 : i32
              %eq3A_207 = vector.broadcast %add3A_206 : i32 to vector<16xi32>
              %eq3A_208 = arith.cmpi eq, %unique3A_178, %eq3A_207 : vector<16xi32>
              %and3A_209 = arith.andi %and3A_163, %eq3A_208 : vector<16xi1>
              %gather3A_210 = tpu.vector_load_idx %arg7[%shift_right_arithmetic3A_172, %and3A_175] : memref<128x256xf32, #tpu.memory_space<vmem>>[vector<16xi32>, vector<16xi32>], vector<16xf32>,
              %max3A_211 = arith.maximumf %gather3A_210, %bitcast3A : vector<16xf32>
              tpu.vector_store_idx %arg7[%shift_right_arithmetic3A_172, %and3A_175], %max3A_211 masked %and3A_209 : memref<128x256xf32, #tpu.memory_space<vmem>>[vector<16xi32>, vector<16xi32>], vector<16xf32>, vector<16xi1>
              %while3A_212 = arith.constant 0 : i32
              scf.yield %while3A_212 : i32
            }
            %while3A_200 = arith.constant 1 : i32
            %while3A_201 = scf.for %while3A_203 = %while3A_197 to %while3A_193 step %while3A_200 iter_args(%while3A_204 = %while3A_199) -> (i32)  : i32 {
              %add3A_205 = arith.constant 1 : i32
              %add3A_206 = arith.addi %while3A_203, %add3A_205 : i32
              %eq3A_207 = vector.broadcast %add3A_206 : i32 to vector<16xi32>
              %eq3A_208 = arith.cmpi eq, %unique3A_178, %eq3A_207 : vector<16xi32>
              %and3A_209 = arith.andi %and3A_163, %eq3A_208 : vector<16xi1>
              %gather3A_210 = tpu.vector_load_idx %arg7[%shift_right_arithmetic3A_172, %and3A_175] : memref<128x256xf32, #tpu.memory_space<vmem>>[vector<16xi32>, vector<16xi32>], vector<16xf32>,
              %max3A_211 = arith.maximumf %gather3A_210, %bitcast3A : vector<16xf32>
              tpu.vector_store_idx %arg7[%shift_right_arithmetic3A_172, %and3A_175], %max3A_211 masked %and3A_209 : memref<128x256xf32, #tpu.memory_space<vmem>>[vector<16xi32>, vector<16xi32>], vector<16xf32>, vector<16xi1>
              %while3A_212 = arith.constant 0 : i32
              scf.yield %while3A_212 : i32
            }
            %scan3A_202 = arith.constant 0 : i32
            scf.yield %scan3A_202 : i32
          }
          %scan3A_136 = arith.constant 32 : i32
          %while3A_137 = arith.constant 0 : i32
          scf.yield %while3A_137 : i32
        }
      } else {
      }
      "tpu.region"() ({
        %run_scoped3A = tpu.sem_alloc : memref<!tpu.dma_semaphore, #tpu.memory_space<semaphore_mem>>
        %dma_start3A_86 = arith.constant 0 : i32
        %dma_start3A_87 = tpu.memref_slice %arg5[%shift_right_arithmetic3A_12, %mul3A_15, %dma_start3A_86] : memref<256x256x256xf32, #tpu.memory_space<hbm>> -> memref<1x128x256xf32, #tpu.memory_space<hbm>>
        %dma_start3A_88 = tpu.memref_squeeze %dma_start3A_87 : memref<1x128x256xf32, #tpu.memory_space<hbm>> -> memref<128x256xf32, #tpu.memory_space<hbm>>
        %dma_start3A_89 = arith.constant 0 : i32
        %dma_start3A_90 = tpu.memref_slice %arg5[%shift_right_arithmetic3A_12, %mul3A_15, %dma_start3A_89] : memref<256x256x256xf32, #tpu.memory_space<hbm>> -> memref<1x128x256xf32, #tpu.memory_space<hbm>>
        %dma_start3A_91 = tpu.memref_squeeze %dma_start3A_90 : memref<1x128x256xf32, #tpu.memory_space<hbm>> -> memref<128x256xf32, #tpu.memory_space<hbm>>
        tpu.enqueue_dma source(%arg7 : memref<128x256xf32, #tpu.memory_space<vmem>>) target(%dma_start3A_91 : memref<128x256xf32, #tpu.memory_space<hbm>>) target_semaphore(%run_scoped3A : memref<!tpu.dma_semaphore, #tpu.memory_space<semaphore_mem>>)
        %dma_wait3A = arith.constant 0 : i32
        %dma_wait3A_92 = tpu.memref_slice %arg5[%shift_right_arithmetic3A_12, %mul3A_15, %dma_wait3A] : memref<256x256x256xf32, #tpu.memory_space<hbm>> -> memref<1x128x256xf32, #tpu.memory_space<hbm>>
        %dma_wait3A_93 = tpu.memref_squeeze %dma_wait3A_92 : memref<1x128x256xf32, #tpu.memory_space<hbm>> -> memref<128x256xf32, #tpu.memory_space<hbm>>
        %dma_wait3A_94 = arith.constant 0 : i32
        %dma_wait3A_95 = tpu.memref_slice %arg5[%shift_right_arithmetic3A_12, %mul3A_15, %dma_wait3A_94] : memref<256x256x256xf32, #tpu.memory_space<hbm>> -> memref<1x128x256xf32, #tpu.memory_space<hbm>>
        %dma_wait3A_96 = tpu.memref_squeeze %dma_wait3A_95 : memref<1x128x256xf32, #tpu.memory_space<hbm>> -> memref<128x256xf32, #tpu.memory_space<hbm>>
        tpu.wait_dma2 semaphore(%run_scoped3A : memref<!tpu.dma_semaphore, #tpu.memory_space<semaphore_mem>>) src(%arg7 : memref<128x256xf32, #tpu.memory_space<vmem>>) dst(%dma_wait3A_96 : memref<128x256xf32, #tpu.memory_space<hbm>>)
        tpu.yield
      }) : () -> ()
      %scan3A_85 = arith.constant 0 : i32
      scf.yield %scan3A_85 : i32
    }
    %scan3A_6 = arith.constant 16 : i32
    return
  }
}

</mosaic_0001>

<sc_bundles>
// kernel: occ_k1_keys_hist.3.cloned.1.call-start
scs
__scs_entry_jumppad:
0x0: {  	(pc) =	sbr.rel $0x88, $3  }
0x1: {  	(tag) =	ssettag $0x0;
	lr =	simm.s32 $0x1  }
0x2: {  	[smem:$0x3F9E] =	sst lr;
	_ =	strace $0xD0000000  }
0x3: {  	_ = 	snop  }
0x4: {  	_ = 	snop  }
0x5: {  	_ = 	snop  }
0x6: {  	_ = 	snop  }
0x7: {  	_ = 	snop  }
__scs_overlays_trampoline_lowered:
0x8: {  	[smem:$0x3FAD] =	sst s0  }
0x9: {  	[smem:$0x3FAE] =	sst s1  }
0xa: {  	[smem:$0x3FAF] =	sst s2  }
0xb: {  	[smem:$0x3FB0] =	sst s3  }
0xc: {  	[smem:$0x3FB1] =	sst s4  }
0xd: {  	[smem:$0x3FB2] =	sst s5  }
0xe: {  	[smem:$0x3FB3] =	sst s6  }
0xf: {  	[smem:$0x3FB4] =	sst s7  }
0x10: {  	[smem:$0x3FB5] =	sst s8  }
0x11: {  	[smem:$0x3FB6] =	sst s9;
	s0 =	simm.s32 @!p0 $0x0  }
0x12: {  	s1 =	sld [smem:$0x3F9C];
	s0 =	simm.s32 @p0 $0x1  }
0x13: {  	[smem:$0x3FB7] =	sst s0;
	s0 =	simm.s32 @!p1 $0x0  }
0x14: {  	s2 =	sld [smem:$0x3F9B];
	s0 =	simm.s32 @p1 $0x1  }
0x15: {  	[smem:$0x3FB8] =	sst s0;
	s0 =	simm.s32 @!p2 $0x0  }
0x16: {  	s3 =	sld [smem:$0x3FDB];
	s0 =	simm.s32 @p2 $0x1  }
0x17: {  	s4 =	simm.s32 $0x1BF5;
	[smem:$0x3FBA] =	sst s0  }
0x18: {  	s0 =	sld [smem:$0x3F9D];
	_ =	swait.ge [sflag:s4], $0x0  }
0x19: {  	s7 =	sld [smem:$0x3F9E]  }
0x1a: {  	s8 =	sadd.s32 $0xFFFFE003, lr  }
0x1b: {  	s9 =	sadd.s32 $0xFFFFFEF7, lr;
	s5 =	simm.s32 $0xFFFFFFFF;
	p2 =	slt.u32 s8, $0xFFFFF086  }
0x1c: {  	p1 =	slt.u32 s9, $0xF7A;
	s5 =	simm.s32 @!p2 $0x0  }
0x1d: {  	s5 =	simm.s32 @p1 $0x1;
	p0 =	seq.s32 s7, s2  }
0x1e: {  	s7 =	smul.u32 @!p0 $0xF7A, s2;
	p2 =	seq.s32 @!p0 s5, $0x0  }
0x1f: {  	s9 =	smul.u32 $0xF7A, s1;
	s8 =	simm.s32 @!p0 $0x1BF5;
	p2 =	por !p2, p0  }
0x20: {  	[sflag:s8] =	ssyncset.s32 @!p0 $0xFFFFF086;
	s6 =	sadd.s32 @!p0 s3, s7;
	s7 =	simm.s32 @!p0 $0x108  }
0x21: {  	s3 =	sadd.s32 s3, s9;
	s6 =	sadd.s32 @!p0 $0x88, s6;
	s7 =	simm.s32 @p2 $0x1082  }
0x22: {  	[simem:s7], [sflag:s8] =	dma.local @!p0 [hbm:s6], $0xF7A  }
0x23: {  	s9 =	sor.u32 $0xD0000000, s2;
	s6 =	simm.s32 $0x108;
	_ =	swait.ge @!p0 [sflag:s8], $0x0  }
0x24: {  	s3 =	sadd.s32 $0x88, s3;
	s6 =	simm.s32 @!p1 $0x1082;
	[sflag:s4] =	ssyncset.s32 $0xFFFFF086  }
0x25: {  	[simem:s6], [sflag:s4] =	dma.local [hbm:s3], $0xF7A  }
0x26: {  	[smem:$0x3F9E] =	sst s1;
	(tag) =	ssettag s2;
	_ =	strace s9  }
0x27: {  	s1 =	sld [smem:$0x3FAE]  }
0x28: {  	s2 =	sld [smem:$0x3FAF]  }
0x29: {  	s4 =	sld [smem:$0x3FB1]  }
0x2a: {  	p0 =	seq.s32 s5, $0x0;
	s5 =	sld [smem:$0x3FB2]  }
0x2b: {  	s6 =	sld [smem:$0x3FB3]  }
0x2c: {  	s7 =	sld [smem:$0x3FB4]  }
0x2d: {  	s3 =	simm.s32 $0x108;
	s8 =	sld [smem:$0x3FB5]  }
0x2e: {  	s3 =	simm.s32 @!p0 $0x1082;
	s9 =	sld [smem:$0x3FB6]  }
0x2f: {  	lr =	sadd.s32 s0, s3;
	s0 =	sld [smem:$0x3FAD]  }
0x30: {  	s3 =	sld [smem:$0x3FB0]  }
0x31: {  	[smem:$0x3FB9] =	sst s10  }
0x32: {  	s10 =	sld [smem:$0x3FB7];
	_ =	sdelay $0x3  }
0x33: {  	p0 =	seq.s32 s10, $0x1;
	s10 =	sld [smem:$0x3FB9];
	_ =	sdelay $0x3  }
0x34: {  	[smem:$0x3FB9] =	sst s10  }
0x35: {  	s10 =	sld [smem:$0x3FB8];
	_ =	sdelay $0x3  }
0x36: {  	p1 =	seq.s32 s10, $0x1;
	s10 =	sld [smem:$0x3FB9];
	_ =	sdelay $0x3  }
0x37: {  	[smem:$0x3FB9] =	sst s10  }
0x38: {  	s10 =	sld [smem:$0x3FBA]  }
0x39: {  	_ = 	snop;
	(pc) =	sbr.ind lr, $3  }
0x3a: {  	_ = 	snop  }
0x3b: {  	_ = 	snop  }
0x3c: {  	p2 =	seq.s32 s10, $0x1;
	s10 =	sld [smem:$0x3FB9]  }
0x3d: {  	_ =	shalt  }
0x3e: {  	_ =	shalt  }
0x3f: {  	_ =	shalt  }
0x40: {  	_ =	shalt  }
0x41: {  	_ =	shalt  }
0x42: {  	_ =	shalt  }
0x43: {  	_ =	shalt  }
0x44: {  	_ =	shalt  }
0x45: {  	_ =	shalt  }
0x46: {  	_ =	shalt  }
0x47: {  	_ =	shalt  }
0x48: {  	_ =	shalt  }
0x49: {  	_ =	shalt  }
0x4a: {  	_ =	shalt  }
0x4b: {  	_ =	shalt  }
0x4c: {  	_ =	shalt  }
0x4d: {  	_ =	shalt  }
0x4e: {  	_ =	shalt  }
0x4f: {  	_ =	shalt  }
0x50: {  	_ =	shalt  }
0x51: {  	_ =	shalt  }
0x52: {  	_ =	shalt  }
0x53: {  	_ =	shalt  }
0x54: {  	_ =	shalt  }
0x55: {  	_ =	shalt  }
0x56: {  	_ =	shalt  }
0x57: {  	_ =	shalt  }
0x58: {  	_ =	shalt  }
0x59: {  	_ =	shalt  }
0x5a: {  	_ =	shalt  }
0x5b: {  	_ =	shalt  }
0x5c: {  	_ =	shalt  }
0x5d: {  	_ =	shalt  }
0x5e: {  	_ =	shalt  }
0x5f: {  	_ =	shalt  }
0x60: {  	_ =	shalt  }
0x61: {  	_ =	shalt  }
0x62: {  	_ =	shalt  }
0x63: {  	_ =	shalt  }
0x64: {  	_ =	shalt  }
0x65: {  	_ =	shalt  }
0x66: {  	_ =	shalt  }
0x67: {  	_ =	shalt  }
0x68: {  	_ =	shalt  }
0x69: {  	_ =	shalt  }
0x6a: {  	_ =	shalt  }
0x6b: {  	_ =	shalt  }
0x6c: {  	_ =	shalt  }
0x6d: {  	_ =	shalt  }
0x6e: {  	_ =	shalt  }
0x6f: {  	_ =	shalt  }
0x70: {  	_ =	shalt  }
0x71: {  	_ =	shalt  }
0x72: {  	_ =	shalt  }
0x73: {  	_ =	shalt  }
0x74: {  	_ =	shalt  }
0x75: {  	_ =	shalt  }
0x76: {  	_ =	shalt  }
0x77: {  	_ =	shalt  }
0x78: {  	_ =	shalt  }
0x79: {  	_ =	shalt  }
0x7a: {  	_ =	shalt  }
0x7b: {  	_ =	shalt  }
0x7c: {  	_ =	shalt  }
0x7d: {  	_ =	shalt  }
0x7e: {  	_ =	shalt  }
0x7f: {  	_ =	shalt  }
0x80: {  	_ =	shalt  }
0x81: {  	_ =	shalt  }
0x82: {  	_ =	shalt  }
0x83: {  	_ =	shalt  }
0x84: {  	_ =	shalt  }
0x85: {  	_ =	shalt  }
0x86: {  	_ =	shalt  }
0x87: {  	_ =	shalt  }
.Lfunc_end0:
.L_simem_size_0:
called_computation_lowered:
.L_overlay_start_0:
0x88: {  	s2 =	sld [smem:$0x3FD9]  }
0x89: {  	s3 =	sld [smem:$0x3FFE];
	_ =	sdelay $0x1  }
0x8a: {  	s1 =	srdreg.scid  }
0x8b: {  	s0 =	sand.u32 $0x1, s1  }
0x8c: {  	s17 =	sshll.u32 s0, $0xA;
	s2 =	sadd.s32 s3, s2  }
0x8d: {  	s2 =	sadd.s32 s2, s17  }
0x8e: {  	[smem:$0x3FC5] =	sst s2  }
0x8f: {  	_ = 	snop  }
0x90: {  	s2 =	sld [smem:$0x3FD0];
	(tm) =	ssettm $0x1  }
0x91: {  	s18 =	sld [smem:$0x3FFB];
	_ =	sdelay $0x3  }
0x92: {  	_ =	strace s18  }
0x93: {  	s3 =	sld [smem:$0x3FFC];
	_ =	sdelay $0x3  }
0x94: {  	_ =	strace s3  }
0x95: {  	s3 =	sld [smem:$0x3FFD];
	_ =	sdelay $0x3  }
0x96: {  	_ =	strace s3  }
0x97: {  	_ =	strace $0x8FFFFFFF  }
0x98: {  	s19 =	sld [smem:$0x3FDB];
	_ =	sdelay $0x1  }
0x99: {  	s4 =	simm.s32 $_scs_section_size  }
0x9a: {  	s5 =	simm.s32 $_size__tile_overlayer_lowered;
	s6 =	simm.s32 $_tile_overlayer_lowered  }
0x9b: {  	s22 =	simm.s32 $0x1BFF;
	s21 =	sshll.u32 s6, $0x1;
	s3 =	sadd.s32 s4, s19  }
0x9c: {  	s7 =	simm.s32 $0x0;
	s20 =	sshll.u32 s5, $0x1;
	s5 =	sadd.s32 s21, s3  }
0x9d: {  	[timem:s7], [sflag:s22] =	dma.local [hbm:s5], s20  }
0x9e: {  	_ =	swait.ge [sflag:s22], s20  }
0x9f: {  	s4 =	ssub.s32 $0x0, s20;
	[sflag:s22] =	ssyncset.done $0x0  }
0xa0: {  	[sflag:s22] =	ssyncadd.s32 s4;
	_ =	sdelay $0x1  }
0xa1: {  	s23 =	simm.s32 $0x1B8B  }
0xa2: {  	_ =	swait.ge [sflag:s23], $0x1  }
0xa3: {  	[sflag:s23] =	ssyncset.done $0x0  }
0xa4: {  	s25 =	simm.s32 $0x1B8E;
	s24 =	sld [smem:$0x3FFE];
	[sflag:s23] =	ssyncadd.s32 $0xFFFFFFFF  }
0xa5: {  	s26 =	simm.s32 $execute0_lowered;
	[smem:$0x3FD2] =	sst s25  }
0xa6: {  	s5 =	sshll.u32 s26, $0x1;
	_ =	strace $0x80000046;
	[dreg:$0x1] =	wrdreg $0xFFFFFFFF  }
0xa7: {  	s28 =	simm.s32 $_size_execute0_lowered;
	s3 =	sadd.s32 s3, s5;
	[dreg:$0x0] =	wrdreg $0x0  }
0xa8: {  	s5 =	sshll.u32 s28, $0x1;
	[dreg:$0x2] =	wrdreg s3  }
0xa9: {  	[dreg:$0x3] =	wrdreg s5  }
0xaa: {  	[dreg:$0x4] =	wrdreg $0xC0  }
0xab: {  	_ =	task [dreg:s7], $0x5FFFF  }
0xac: {  	[dreg:$0x1] =	wrdreg $0xFFFFFFFF  }
0xad: {  	[dreg:$0x0] =	wrdreg $0x60  }
0xae: {  	[dreg:$0x2] =	wrdreg s24  }
0xaf: {  	[dreg:$0x3] =	wrdreg s2  }
0xb0: {  	[dreg:$0x4] =	wrdreg $0x9  }
0xb1: {  	_ =	task.clear_ibuf [dreg:s7], $0x5FFFF;
	_ =	strace $0x90000046  }
0xb2: {  	s29 =	simm.s32 $0x9;
	_ =	strace $0x80000048  }
0xb3: {  	_ =	swait.ge [sflag:s29], $0x1  }
0xb4: {  	[sflag:s29] =	ssyncadd.s32 $0xFFFFFFFF  }
0xb5: {  	_ =	strace $0x90000048  }
0xb6: {  	_ =	sfence  }
0xb7: {  	s30 =	sld [smem:$0x0];
	_ =	sdelay $0x2  }
0xb8: {  	s31 =	sshll.u32 s1, $0xD;
	s1 =	sshrl.u32 s1, $0x2  }
0xb9: {  	s3 =	sand.u32 $0x4000, s31;
	s1 =	sadd.s32 s1, s30  }
0xba: {  	s0 =	sor.u32 s3, s0;
	s1 =	sshll.u32 s1, $0x11  }
0xbb: {  	s0 =	sor.u32 s1, s0  }
0xbc: {  	s0 =	sadd.s32 $0x8F2B, s0  }
0xbd: {  	[sflag:s0] =	ssyncadd.remote.s32 $0x1  }
0xbe: {  	_ =	sfence.sel $0xFFFF  }
0xbf: {  	[dreg:$0x0] =	wrdreg $0xFFFFFFFF;
	(pc) =	sbr.abs _section_cstart, $3  }
0xc0: {  	[dreg:$0x1] =	wrdreg $0xFFFFFFFF  }
0xc1: {  	_ =	task.clear_ibuf [dreg:s7], $0x2FFFF;
	_ =	strace $0x9FFFFFFF  }
0xc2: {  	(tm) =	ssettm $0x7FFFFFFF  }
0xc3: {  	_ =	shalt  }
tec
execute0_lowered:
.L_overlay_start_1:
0x0: {  	(tag) =	ssettag $0x1  }
0x1: {  	s5 =	rddreg [dreg:$0x0]  }
0x2: {  	s2 =	rddreg [dreg:$0x1]  }
0x3: {  	s0 =	rddreg [dreg:$0x2];
	s4 =	srdreg.scid  }
0x4: {  	s1 =	stileid.u32;
	s3 =	simm.s32 $0x0;
	s9 =	simm.s32 $0x10200  }
0x5: {  	s10 =	simm.s32 $0x10000;
	s11 =	simm.s32 $0x12200;
	s12 =	simm.s32 $0x0  }
0x6: {  	s4 =	sand.u32 $0x1, s4;
	s6 =	sshll.u32 s1, $0x1;
	[smem:$0x7FF] =	sst s3  }
0x7: {  	s6 =	sor.u32 s4, s6;
	_ =	strace $0x80000047;
	s8 =	ssub.s32 $0x2, s4  }
0x8: {  	s4 =	sadd.s32 $0x1400, s5;
	s7 =	sshll.u32 s6, $0x6;
	s31 =	sshrl.u32 s8, $0x1  }
0x9: {  	v0 =	vimm.s32 $0x0;
	v2 =	vlaneseq.u32;
	s7 =	sadd.s32 s7, s5;
	s8 =	ssub.s32 s8, s31;
	s5 =	sshll.u32 s6, $0xF  }
0xa: {  	v3 =	vimm.s32 $0x1;
	v1 =	vmul.u32 $0x80, v2;
	v2 =	vmul.u32 $0x200, v2;
	s6 =	sadd.s32 $0x1001400, s7;
	s7 =	smax.u32 s8, $0x1;
	s8 =	simm.s32 $0x1  }
.LBB2_1:
0xb: {  	s13 =	simm.s32 $0x40;
	s14 =	simm.s32 $0x0  }
.LBB2_2:
0xc: {  	p0 =	sne.s32 s13, $0x7FC0;
	[tilespmem:s14+$0x10200] =	vst v0;
	s14 =	smov.u32 s13;
	s13 =	sadd.s32 $0x40, s13  }
.Ltmp0:
0xd: {  	(pc) =	sbr.rel @p0 .LBB2_2-.Ltmp0, $2  }
0xe: {  	_ =	sdelay $0x2  }
0xf: {  	s14 =	sshra.s32 s14, $0x2  }
0x10: {  	[tilespmem:s14+$0x10200] =	vst v0;
	s13 =	simm.s32 $0x0;
	s14 =	simm.s32 $0x0  }
.LBB2_4:
0x11: {  	s15 =	sshll.u32 s14, $0x9  }
0x12: {  	v4 =	vmov s13;
	s15 =	sadd.s32 s5, s15  }
0x13: {  	v4 =	vshll.u32 v4, $0x7;
	s16 =	sshll.u32 s15, $0x4  }
0x14: {  	v4 =	vor.u32 v1, v4;
	s16 =	sadd.s32 s4, s16  }
0x15: {  	v5 =	vor.u32 $0x1, v4;
	[tilespmem:s13], [sflag:$0x1] =	stream.linear.gather [hbm4b:s16+s13], $0x10000, $0x38;
	[tilespmem:$0x12400] =	vst v63  }
0x16: {  	v6 =	vor.u32 $0x2, v4;
	_ =	swait.ge [sflag:s8], $0x10000  }
0x17: {  	[sflag:s8] =	ssyncset.done $0x0  }
0x18: {  	[sflag:s8] =	ssyncadd.s32 $0xFFFF0000  }
0x19: {  	v4 =	vld.idx.msk [tilespmem:v4+s3+$0x0], $0xffff  }
0x1a: {  	v5 =	vld.idx.msk [tilespmem:v5+s3+$0x0], $0xffff  }
0x1b: {  	v6 =	vld.idx.msk [tilespmem:v6+s3+$0x0], $0xffff;
	_ =	sdelay $0x3  }
0x1c: {  	v4 =	vmul.f32 $5.000000000e-01, v4  }
0x1d: {  	v5 =	vmul.f32 $5.000000000e-01, v5;
	v6 =	vmul.f32 $5.000000000e-01, v6  }
0x1e: {  	v4 =	vadd.f32 $5.000000000e-01, v4  }
0x1f: {  	v5 =	vadd.f32 $5.000000000e-01, v5;
	v6 =	vadd.f32 $5.000000000e-01, v6  }
0x20: {  	v4 =	vmul.f32 $2.560000000e+02, v4  }
0x21: {  	v5 =	vmul.f32 $2.560000000e+02, v5;
	v6 =	vmul.f32 $2.560000000e+02, v6  }
0x22: {  	v4 =	vtrunc.f32 v4  }
0x23: {  	v5 =	vtrunc.f32 v5;
	v6 =	vtrunc.f32 v6  }
0x24: {  	v4 =	vcvt.f32.s32 v4;
	v5 =	vcvt.f32.s32 v5  }
0x25: {  	v6 =	vcvt.f32.s32 v6  }
0x26: {  	vm0 =	vgt.s32 v4, $0x0;
	vm14 =	vgt.s32 v5, $0x0  }
0x27: {  	vm15 =	vgt.s32 v6, $0x0;
	v4 =	vnsel vm0, $0x0, v4;
	v5 =	vnsel vm14, $0x0, v5  }
0x28: {  	v6 =	vnsel vm15, $0x0, v6;
	v4 =	vmin.u32 v4, $0xFF;
	v5 =	vmin.u32 v5, $0xFF  }
0x29: {  	v7 =	vshll.u32 v4, $0x1;
	v4 =	vshll.u32 v4, $0x10;
	v5 =	vshll.u32 v5, $0x8  }
0x2a: {  	v4 =	vor.u32 v4, v5;
	v5 =	vmin.u32 v6, $0xFF  }
0x2b: {  	s31 =	simm.s32 $0x10;
	v7 =	vand.u32 $0xFFFFFF80, v7;
	v5 =	vor.u32 v5, v4;
	v4 =	vshrl.u32 v4, $0xF  }
0x2c: {  	v6 =	vmov s31;
	v7 =	vor.u32 v2, v7;
	v8 =	vand.u32 $0x7F, v4  }
0x2d: {  	v6 =	vshll.u32 v6, $0x7;
	v7 =	vor.u32 v7, v8  }
0x2e: {  	s16 =	simm.s32 $0x10000;
	v4 =	vor.u32 v1, v6  }
0x2f: {  	s17 =	simm.s32 $0x20;
	[tilespmem:s16+$0x0] =	vst v5;
	v6 =	vor.u32 $0x1, v4;
	v5 =	vor.u32 $0x2, v4  }
.LBB2_5:
0x30: {  	_ = 	snop  }
0x31: {  	p0 =	sne.s32 s17, $0x1F0  }
0x32: {  	[tilespmem:v7+s9+$0x0] =	vst.idx.add.s32.msk $0xffff, v3;
	s16 =	sadd.s32 $0x10, s16;
	s18 =	smov.u32 s17;
	s17 =	sadd.s32 $0x10, s17  }
0x33: {  	v4 =	vld.idx.msk [tilespmem:v4+s3+$0x0], $0xffff  }
0x34: {  	v6 =	vld.idx.msk [tilespmem:v6+s3+$0x0], $0xffff  }
0x35: {  	v5 =	vld.idx.msk [tilespmem:v5+s3+$0x0], $0xffff;
	_ =	sdelay $0x3  }
0x36: {  	v4 =	vmul.f32 $5.000000000e-01, v4  }
0x37: {  	v6 =	vmul.f32 $5.000000000e-01, v6  }
0x38: {  	v4 =	vadd.f32 $5.000000000e-01, v4;
	v5 =	vmul.f32 $5.000000000e-01, v5  }
0x39: {  	v6 =	vadd.f32 $5.000000000e-01, v6  }
0x3a: {  	v4 =	vmul.f32 $2.560000000e+02, v4;
	v5 =	vadd.f32 $5.000000000e-01, v5  }
0x3b: {  	v6 =	vmul.f32 $2.560000000e+02, v6  }
0x3c: {  	v4 =	vtrunc.f32 v4;
	v5 =	vmul.f32 $2.560000000e+02, v5  }
0x3d: {  	v4 =	vcvt.f32.s32 v4;
	v6 =	vtrunc.f32 v6  }
0x3e: {  	v6 =	vcvt.f32.s32 v6;
	v5 =	vtrunc.f32 v5  }
0x3f: {  	vm0 =	vgt.s32 v4, $0x0;
	v5 =	vcvt.f32.s32 v5  }
0x40: {  	v4 =	vnsel vm0, $0x0, v4;
	vm0 =	vgt.s32 v6, $0x0  }
0x41: {  	v4 =	vmin.u32 v4, $0xFF;
	v6 =	vnsel vm0, $0x0, v6;
	vm0 =	vgt.s32 v5, $0x0  }
0x42: {  	v6 =	vmin.u32 v6, $0xFF;
	v5 =	vnsel vm0, $0x0, v5;
	v7 =	vshll.u32 v4, $0x1  }
0x43: {  	v4 =	vshll.u32 v4, $0x10;
	v6 =	vshll.u32 v6, $0x8;
	v7 =	vand.u32 $0xFFFFFF80, v7  }
0x44: {  	v5 =	vmin.u32 v5, $0xFF;
	v4 =	vor.u32 v4, v6  }
.Ltmp1:
0x45: {  	v5 =	vor.u32 v5, v4;
	v4 =	vshrl.u32 v4, $0xF;
	(pc) =	sbr.rel @p0 .LBB2_5-.Ltmp1, $4  }
0x46: {  	v6 =	vmov s18;
	v4 =	vand.u32 $0x7F, v4;
	[tilespmem:s16+$0x0] =	vst v5;
	v5 =	vor.u32 v2, v7  }
0x47: {  	v6 =	vshll.u32 v6, $0x7;
	v7 =	vor.u32 v5, v4  }
0x48: {  	v4 =	vor.u32 v1, v6  }
0x49: {  	v6 =	vor.u32 $0x1, v4;
	v5 =	vor.u32 $0x2, v4  }
0x4a: {  	_ =	sdelay $0x3  }
0x4b: {  	[tilespmem:v7+s9+$0x0] =	vst.idx.add.s32.msk $0xffff, v3  }
0x4c: {  	v4 =	vld.idx.msk [tilespmem:v4+s3+$0x0], $0xffff  }
0x4d: {  	v6 =	vld.idx.msk [tilespmem:v6+s3+$0x0], $0xffff;
	_ =	sdelay $0x4  }
0x4e: {  	v5 =	vld.idx.msk [tilespmem:v5+s3+$0x0], $0xffff;
	v4 =	vmul.f32 $5.000000000e-01, v4;
	v6 =	vmul.f32 $5.000000000e-01, v6;
	_ =	sdelay $0x1  }
0x4f: {  	v4 =	vadd.f32 $5.000000000e-01, v4;
	v6 =	vadd.f32 $5.000000000e-01, v6;
	_ =	sdelay $0x1  }
0x50: {  	v4 =	vmul.f32 $2.560000000e+02, v4;
	v6 =	vmul.f32 $2.560000000e+02, v6  }
0x51: {  	v5 =	vmul.f32 $5.000000000e-01, v5  }
0x52: {  	v4 =	vtrunc.f32 v4;
	v6 =	vtrunc.f32 v6  }
0x53: {  	v4 =	vcvt.f32.s32 v4;
	v6 =	vcvt.f32.s32 v6;
	_ =	sdelay $0x1  }
0x54: {  	v5 =	vadd.f32 $5.000000000e-01, v5;
	vm0 =	vgt.s32 v4, $0x0;
	vm1 =	vgt.s32 v6, $0x0  }
0x55: {  	v4 =	vnsel vm0, $0x0, v4;
	v6 =	vnsel vm1, $0x0, v6  }
0x56: {  	v5 =	vmul.f32 $2.560000000e+02, v5;
	v4 =	vmin.u32 v4, $0xFF;
	v6 =	vmin.u32 v6, $0xFF  }
0x57: {  	v63 =	vshll.u32 v4, $0x10;
	v6 =	vshll.u32 v6, $0x8  }
0x58: {  	v5 =	vtrunc.f32 v5;
	v4 =	vshll.u32 v4, $0x1;
	v6 =	vor.u32 v63, v6  }
0x59: {  	v5 =	vcvt.f32.s32 v5;
	v4 =	vand.u32 $0xFFFFFF80, v4;
	v7 =	vshrl.u32 v6, $0xF  }
0x5a: {  	v4 =	vor.u32 v2, v4;
	v7 =	vand.u32 $0x7F, v7  }
0x5b: {  	vm15 =	vgt.s32 v5, $0x0;
	v4 =	vor.u32 v4, v7  }
0x5c: {  	v5 =	vnsel vm15, $0x0, v5  }
0x5d: {  	v5 =	vmin.u32 v5, $0xFF  }
0x5e: {  	s16 =	sadd.s32 $0x10, s16;
	s14 =	sadd.s32 $0x1, s14;
	v5 =	vor.u32 v5, v6  }
0x5f: {  	s15 =	sshrl.u32 s15, $0x3;
	p0 =	sne.s32 s14, $0x40;
	[tilespmem:s16+$0x0] =	vst v5  }
.Ltmp2:
0x60: {  	s31 =	sadd.s32 s2, s15;
	s15 =	simm.s32 $0x0;
	[tilespmem:v4+s9+$0x0] =	vst.idx.add.s32.msk $0xffff, v3;
	(pc) =	sbr.rel @p0 .LBB2_4-.Ltmp2, $4  }
0x61: {  	[hbm4b:s31+s15] =	stream.linear.scatter [tilespmem:s10], [sflag:$0x1], $0x200, $0x38;
	[tilespmem:$0x12400] =	vst v63  }
0x62: {  	_ =	swait.ge [sflag:s8], $0x200  }
0x63: {  	[sflag:s8] =	ssyncset.done $0x0  }
0x64: {  	[sflag:s8] =	ssyncadd.s32 $0xFFFFFE00  }
0x65: {  	s13 =	sand.u32 $0x1F0, s15  }
0x66: {  	v4 =	vld [tilespmem:s13+$0x10400]  }
0x67: {  	v5 =	vld [tilespmem:s13+$0x10200]  }
0x68: {  	v6 =	vld [tilespmem:s13+$0x10600]  }
0x69: {  	v7 =	vld [tilespmem:s13+$0x10800]  }
0x6a: {  	v8 =	vld [tilespmem:s13+$0x10A00]  }
0x6b: {  	v9 =	vld [tilespmem:s13+$0x10C00]  }
0x6c: {  	v4 =	vadd.s32 v5, v4;
	v5 =	vld [tilespmem:s13+$0x10E00]  }
0x6d: {  	v4 =	vadd.s32 v4, v6;
	v6 =	vld [tilespmem:s13+$0x11000]  }
0x6e: {  	v4 =	vadd.s32 v4, v7;
	v7 =	vld [tilespmem:s13+$0x11200]  }
0x6f: {  	v60 =	vld [tilespmem:s13+$0x11400];
	v4 =	vadd.s32 v4, v8  }
0x70: {  	v61 =	vld [tilespmem:s13+$0x11600];
	v4 =	vadd.s32 v4, v9  }
0x71: {  	v4 =	vadd.s32 v4, v5;
	v5 =	vld [tilespmem:s13+$0x11800]  }
0x72: {  	v4 =	vadd.s32 v4, v6;
	v6 =	vld [tilespmem:s13+$0x11A00]  }
0x73: {  	v4 =	vadd.s32 v4, v7;
	v7 =	vld [tilespmem:s13+$0x11C00]  }
0x74: {  	v62 =	vld [tilespmem:s13+$0x11E00];
	v4 =	vadd.s32 v4, v60  }
0x75: {  	v63 =	vld [tilespmem:s13+$0x12000];
	v4 =	vadd.s32 v4, v61  }
0x76: {  	v4 =	vadd.s32 v4, v5  }
0x77: {  	v4 =	vadd.s32 v4, v6  }
0x78: {  	v4 =	vadd.s32 v4, v7  }
0x79: {  	v4 =	vadd.s32 v4, v62  }
0x7a: {  	s14 =	simm.s32 $0x10;
	s13 =	simm.s32 $0x12200;
	v4 =	vadd.s32 v4, v63  }
0x7b: {  	s14 =	sand.u32 $0x1F0, s14;
	[tilespmem:s13+$0x0] =	vst v4  }
0x7c: {  	s15 =	simm.s32 $0x20;
	v4 =	vld [tilespmem:s14+$0x10400]  }
.LBB2_8:
0x7d: {  	p0 =	sne.s32 s15, $0x1F0;
	v5 =	vld [tilespmem:s14+$0x10200]  }
0x7e: {  	v6 =	vld [tilespmem:s14+$0x10600]  }
0x7f: {  	v7 =	vld [tilespmem:s14+$0x10800]  }
0x80: {  	v8 =	vld [tilespmem:s14+$0x10A00]  }
0x81: {  	v9 =	vld [tilespmem:s14+$0x10C00]  }
0x82: {  	v4 =	vadd.s32 v5, v4;
	v5 =	vld [tilespmem:s14+$0x10E00]  }
0x83: {  	v4 =	vadd.s32 v4, v6;
	v6 =	vld [tilespmem:s14+$0x11000]  }
0x84: {  	v4 =	vadd.s32 v4, v7;
	v7 =	vld [tilespmem:s14+$0x11200]  }
0x85: {  	v4 =	vadd.s32 v4, v8;
	v8 =	vld [tilespmem:s14+$0x11400]  }
0x86: {  	v4 =	vadd.s32 v4, v9;
	v9 =	vld [tilespmem:s14+$0x11600]  }
0x87: {  	v4 =	vadd.s32 v4, v5;
	v5 =	vld [tilespmem:s14+$0x11800]  }
0x88: {  	v4 =	vadd.s32 v4, v6;
	v6 =	vld [tilespmem:s14+$0x11A00]  }
0x89: {  	v4 =	vadd.s32 v4, v7;
	v7 =	vld [tilespmem:s14+$0x11C00]  }
0x8a: {  	v4 =	vadd.s32 v4, v8;
	v8 =	vld [tilespmem:s14+$0x11E00]  }
0x8b: {  	v4 =	vadd.s32 v4, v9;
	v9 =	vld [tilespmem:s14+$0x12000]  }
0x8c: {  	v4 =	vadd.s32 v4, v5  }
0x8d: {  	v4 =	vadd.s32 v4, v6  }
.Ltmp3:
0x8e: {  	v4 =	vadd.s32 v4, v7;
	(pc) =	sbr.rel @p0 .LBB2_8-.Ltmp3, $4  }
0x8f: {  	v4 =	vadd.s32 v4, v8  }
0x90: {  	s13 =	sadd.s32 $0x10, s13;
	v4 =	vadd.s32 v4, v9  }
0x91: {  	s14 =	sand.u32 $0x1F0, s15;
	[tilespmem:s13+$0x0] =	vst v4  }
0x92: {  	s15 =	sadd.s32 $0x10, s15;
	v4 =	vld [tilespmem:s14+$0x10400]  }
0x93: {  	v5 =	vld [tilespmem:s14+$0x10200]  }
0x94: {  	v6 =	vld [tilespmem:s14+$0x10600]  }
0x95: {  	v7 =	vld [tilespmem:s14+$0x10800]  }
0x96: {  	v8 =	vld [tilespmem:s14+$0x10A00]  }
0x97: {  	v9 =	vld [tilespmem:s14+$0x10C00]  }
0x98: {  	v4 =	vadd.s32 v5, v4;
	v5 =	vld [tilespmem:s14+$0x10E00]  }
0x99: {  	v56 =	vld [tilespmem:s14+$0x11000];
	v4 =	vadd.s32 v4, v6  }
0x9a: {  	v57 =	vld [tilespmem:s14+$0x11200];
	v4 =	vadd.s32 v4, v7  }
0x9b: {  	v58 =	vld [tilespmem:s14+$0x11400];
	v4 =	vadd.s32 v4, v8  }
0x9c: {  	v59 =	vld [tilespmem:s14+$0x11600];
	v4 =	vadd.s32 v4, v9  }
0x9d: {  	v4 =	vadd.s32 v4, v5;
	v5 =	vld [tilespmem:s14+$0x11800]  }
0x9e: {  	v60 =	vld [tilespmem:s14+$0x11A00];
	v4 =	vadd.s32 v4, v56  }
0x9f: {  	v61 =	vld [tilespmem:s14+$0x11C00];
	v4 =	vadd.s32 v4, v57  }
0xa0: {  	v62 =	vld [tilespmem:s14+$0x11E00];
	v4 =	vadd.s32 v4, v58  }
0xa1: {  	v63 =	vld [tilespmem:s14+$0x12000];
	v4 =	vadd.s32 v4, v59  }
0xa2: {  	v4 =	vadd.s32 v4, v5  }
0xa3: {  	v4 =	vadd.s32 v4, v60  }
0xa4: {  	v4 =	vadd.s32 v4, v61  }
0xa5: {  	s12 =	sadd.s32 $0x1, s12;
	v4 =	vadd.s32 v4, v62  }
0xa6: {  	s13 =	sadd.s32 $0x10, s13;
	p0 =	sne.s32 s12, s7;
	v4 =	vadd.s32 v4, v63  }
.Ltmp4:
0xa7: {  	[tilespmem:s13+$0x0] =	vst v4;
	(pc) =	sbr.rel @p0 .LBB2_1-.Ltmp4, $4  }
0xa8: {  	[hbm4b:s6+s3] =	stream.linear.scatter [tilespmem:s11], [sflag:$0x1], $0x200, $0x38;
	[tilespmem:$0x12400] =	vst v63  }
0xa9: {  	_ =	swait.ge [sflag:s8], $0x200  }
0xaa: {  	[sflag:s8] =	ssyncset.done $0x0  }
0xab: {  	[sflag:s8] =	ssyncadd.s32 $0xFFFFFE00  }
0xac: {  	_ =	sfence.sel $0x180000  }
0xad: {  	[bflag:$0x0] =	sbarrier.arrive $0xFFFF  }
0xae: {  	p0 =	sne.s32 s1, $0x0;
	_ =	strace $0x90000047  }
0xaf: {  	s0 =	sadd.s32 @!p0 $0x100000, s0;
	[bflag:$0x2] =	sbarrier.arrive $0xFFFF  }
0xb0: {  	[sflag:s0] =	ssyncadd.tile.s32 @!p0 $0x1;
	_ =	shalt  }
.Lfunc_end2:
_tile_overlayer_lowered:
.L_overlay_start_2:
0xb1: {  	(tag) =	ssettag $0x2  }
0xb2: {  	s0 =	rddreg [dreg:$0x0];
	s2 =	stileid.u32  }
0xb3: {  	s1 =	rddreg [dreg:$0x1];
	p0 =	sne.s32 s2, $0x0  }
0xb4: {  	s3 =	rddreg [dreg:$0x2];
	[bflag:$0x3] =	sbarrier.arrive $0xFFFF;
	s2 =	simm.s32 @!p0 $0x1C01  }
0xb5: {  	[timem:s3], [sflag:s2] =	dma.local @!p0 [hbm:s0], s1  }
0xb6: {  	s0 =	simm.s32 @!p0 $0x1  }
0xb7: {  	_ =	swait.ge @!p0 [sflag:s0], s1  }
0xb8: {  	s1 =	ssub.s32 @!p0 $0x0, s1;
	[sflag:s0] =	ssyncset.done @!p0 $0x0  }
0xb9: {  	[sflag:s0] =	ssyncadd.s32 @!p0 s1  }
0xba: {  	[bflag:$0x3] =	sbarrier.arrive $0xFFFF  }
0xbb: {  	_ =	shalt  }

// kernel: occ_k2_route.3.cloned.1.call-start
scs
__scs_entry_jumppad:
0x0: {  	(pc) =	sbr.rel $0x88, $3  }
0x1: {  	(tag) =	ssettag $0x0;
	lr =	simm.s32 $0x1  }
0x2: {  	[smem:$0x3F9E] =	sst lr;
	_ =	strace $0xD0000000  }
0x3: {  	_ = 	snop  }
0x4: {  	_ = 	snop  }
0x5: {  	_ = 	snop  }
0x6: {  	_ = 	snop  }
0x7: {  	_ = 	snop  }
__scs_overlays_trampoline_lowered:
0x8: {  	[smem:$0x3FAD] =	sst s0  }
0x9: {  	[smem:$0x3FAE] =	sst s1  }
0xa: {  	[smem:$0x3FAF] =	sst s2  }
0xb: {  	[smem:$0x3FB0] =	sst s3  }
0xc: {  	[smem:$0x3FB1] =	sst s4  }
0xd: {  	[smem:$0x3FB2] =	sst s5  }
0xe: {  	[smem:$0x3FB3] =	sst s6  }
0xf: {  	[smem:$0x3FB4] =	sst s7  }
0x10: {  	[smem:$0x3FB5] =	sst s8  }
0x11: {  	[smem:$0x3FB6] =	sst s9;
	s0 =	simm.s32 @!p0 $0x0  }
0x12: {  	s1 =	sld [smem:$0x3F9C];
	s0 =	simm.s32 @p0 $0x1  }
0x13: {  	[smem:$0x3FB7] =	sst s0;
	s0 =	simm.s32 @!p1 $0x0  }
0x14: {  	s2 =	sld [smem:$0x3F9B];
	s0 =	simm.s32 @p1 $0x1  }
0x15: {  	[smem:$0x3FB8] =	sst s0;
	s0 =	simm.s32 @!p2 $0x0  }
0x16: {  	s3 =	sld [smem:$0x3FDB];
	s0 =	simm.s32 @p2 $0x1  }
0x17: {  	s4 =	simm.s32 $0x1BF5;
	[smem:$0x3FBA] =	sst s0  }
0x18: {  	s0 =	sld [smem:$0x3F9D];
	_ =	swait.ge [sflag:s4], $0x0  }
0x19: {  	s7 =	sld [smem:$0x3F9E]  }
0x1a: {  	s8 =	sadd.s32 $0xFFFFE003, lr  }
0x1b: {  	s9 =	sadd.s32 $0xFFFFFEF7, lr;
	s5 =	simm.s32 $0xFFFFFFFF;
	p2 =	slt.u32 s8, $0xFFFFF086  }
0x1c: {  	p1 =	slt.u32 s9, $0xF7A;
	s5 =	simm.s32 @!p2 $0x0  }
0x1d: {  	s5 =	simm.s32 @p1 $0x1;
	p0 =	seq.s32 s7, s2  }
0x1e: {  	s7 =	smul.u32 @!p0 $0xF7A, s2;
	p2 =	seq.s32 @!p0 s5, $0x0  }
0x1f: {  	s9 =	smul.u32 $0xF7A, s1;
	s8 =	simm.s32 @!p0 $0x1BF5;
	p2 =	por !p2, p0  }
0x20: {  	[sflag:s8] =	ssyncset.s32 @!p0 $0xFFFFF086;
	s6 =	sadd.s32 @!p0 s3, s7;
	s7 =	simm.s32 @!p0 $0x108  }
0x21: {  	s3 =	sadd.s32 s3, s9;
	s6 =	sadd.s32 @!p0 $0x88, s6;
	s7 =	simm.s32 @p2 $0x1082  }
0x22: {  	[simem:s7], [sflag:s8] =	dma.local @!p0 [hbm:s6], $0xF7A  }
0x23: {  	s9 =	sor.u32 $0xD0000000, s2;
	s6 =	simm.s32 $0x108;
	_ =	swait.ge @!p0 [sflag:s8], $0x0  }
0x24: {  	s3 =	sadd.s32 $0x88, s3;
	s6 =	simm.s32 @!p1 $0x1082;
	[sflag:s4] =	ssyncset.s32 $0xFFFFF086  }
0x25: {  	[simem:s6], [sflag:s4] =	dma.local [hbm:s3], $0xF7A  }
0x26: {  	[smem:$0x3F9E] =	sst s1;
	(tag) =	ssettag s2;
	_ =	strace s9  }
0x27: {  	s1 =	sld [smem:$0x3FAE]  }
0x28: {  	s2 =	sld [smem:$0x3FAF]  }
0x29: {  	s4 =	sld [smem:$0x3FB1]  }
0x2a: {  	p0 =	seq.s32 s5, $0x0;
	s5 =	sld [smem:$0x3FB2]  }
0x2b: {  	s6 =	sld [smem:$0x3FB3]  }
0x2c: {  	s7 =	sld [smem:$0x3FB4]  }
0x2d: {  	s3 =	simm.s32 $0x108;
	s8 =	sld [smem:$0x3FB5]  }
0x2e: {  	s3 =	simm.s32 @!p0 $0x1082;
	s9 =	sld [smem:$0x3FB6]  }
0x2f: {  	lr =	sadd.s32 s0, s3;
	s0 =	sld [smem:$0x3FAD]  }
0x30: {  	s3 =	sld [smem:$0x3FB0]  }
0x31: {  	[smem:$0x3FB9] =	sst s10  }
0x32: {  	s10 =	sld [smem:$0x3FB7];
	_ =	sdelay $0x3  }
0x33: {  	p0 =	seq.s32 s10, $0x1;
	s10 =	sld [smem:$0x3FB9];
	_ =	sdelay $0x3  }
0x34: {  	[smem:$0x3FB9] =	sst s10  }
0x35: {  	s10 =	sld [smem:$0x3FB8];
	_ =	sdelay $0x3  }
0x36: {  	p1 =	seq.s32 s10, $0x1;
	s10 =	sld [smem:$0x3FB9];
	_ =	sdelay $0x3  }
0x37: {  	[smem:$0x3FB9] =	sst s10  }
0x38: {  	s10 =	sld [smem:$0x3FBA]  }
0x39: {  	_ = 	snop;
	(pc) =	sbr.ind lr, $3  }
0x3a: {  	_ = 	snop  }
0x3b: {  	_ = 	snop  }
0x3c: {  	p2 =	seq.s32 s10, $0x1;
	s10 =	sld [smem:$0x3FB9]  }
0x3d: {  	_ =	shalt  }
0x3e: {  	_ =	shalt  }
0x3f: {  	_ =	shalt  }
0x40: {  	_ =	shalt  }
0x41: {  	_ =	shalt  }
0x42: {  	_ =	shalt  }
0x43: {  	_ =	shalt  }
0x44: {  	_ =	shalt  }
0x45: {  	_ =	shalt  }
0x46: {  	_ =	shalt  }
0x47: {  	_ =	shalt  }
0x48: {  	_ =	shalt  }
0x49: {  	_ =	shalt  }
0x4a: {  	_ =	shalt  }
0x4b: {  	_ =	shalt  }
0x4c: {  	_ =	shalt  }
0x4d: {  	_ =	shalt  }
0x4e: {  	_ =	shalt  }
0x4f: {  	_ =	shalt  }
0x50: {  	_ =	shalt  }
0x51: {  	_ =	shalt  }
0x52: {  	_ =	shalt  }
0x53: {  	_ =	shalt  }
0x54: {  	_ =	shalt  }
0x55: {  	_ =	shalt  }
0x56: {  	_ =	shalt  }
0x57: {  	_ =	shalt  }
0x58: {  	_ =	shalt  }
0x59: {  	_ =	shalt  }
0x5a: {  	_ =	shalt  }
0x5b: {  	_ =	shalt  }
0x5c: {  	_ =	shalt  }
0x5d: {  	_ =	shalt  }
0x5e: {  	_ =	shalt  }
0x5f: {  	_ =	shalt  }
0x60: {  	_ =	shalt  }
0x61: {  	_ =	shalt  }
0x62: {  	_ =	shalt  }
0x63: {  	_ =	shalt  }
0x64: {  	_ =	shalt  }
0x65: {  	_ =	shalt  }
0x66: {  	_ =	shalt  }
0x67: {  	_ =	shalt  }
0x68: {  	_ =	shalt  }
0x69: {  	_ =	shalt  }
0x6a: {  	_ =	shalt  }
0x6b: {  	_ =	shalt  }
0x6c: {  	_ =	shalt  }
0x6d: {  	_ =	shalt  }
0x6e: {  	_ =	shalt  }
0x6f: {  	_ =	shalt  }
0x70: {  	_ =	shalt  }
0x71: {  	_ =	shalt  }
0x72: {  	_ =	shalt  }
0x73: {  	_ =	shalt  }
0x74: {  	_ =	shalt  }
0x75: {  	_ =	shalt  }
0x76: {  	_ =	shalt  }
0x77: {  	_ =	shalt  }
0x78: {  	_ =	shalt  }
0x79: {  	_ =	shalt  }
0x7a: {  	_ =	shalt  }
0x7b: {  	_ =	shalt  }
0x7c: {  	_ =	shalt  }
0x7d: {  	_ =	shalt  }
0x7e: {  	_ =	shalt  }
0x7f: {  	_ =	shalt  }
0x80: {  	_ =	shalt  }
0x81: {  	_ =	shalt  }
0x82: {  	_ =	shalt  }
0x83: {  	_ =	shalt  }
0x84: {  	_ =	shalt  }
0x85: {  	_ =	shalt  }
0x86: {  	_ =	shalt  }
0x87: {  	_ =	shalt  }
.Lfunc_end0:
.L_simem_size_0:
called_computation.1_lowered:
.L_overlay_start_0:
0x88: {  	s2 =	sld [smem:$0x3FD9]  }
0x89: {  	s3 =	sld [smem:$0x3FFE];
	_ =	sdelay $0x1  }
0x8a: {  	s1 =	srdreg.scid  }
0x8b: {  	s0 =	sand.u32 $0x1, s1  }
0x8c: {  	s17 =	sshll.u32 s0, $0xA;
	s2 =	sadd.s32 s3, s2  }
0x8d: {  	s2 =	sadd.s32 s2, s17  }
0x8e: {  	[smem:$0x3FC5] =	sst s2  }
0x8f: {  	_ = 	snop  }
0x90: {  	s2 =	sld [smem:$0x3FC7]  }
0x91: {  	s18 =	sld [smem:$0x3FD0];
	(tm) =	ssettm $0x1  }
0x92: {  	s4 =	sld [smem:$0x3FFB];
	_ =	sdelay $0x3  }
0x93: {  	_ =	strace s4  }
0x94: {  	s4 =	sld [smem:$0x3FFC];
	_ =	sdelay $0x3  }
0x95: {  	_ =	strace s4  }
0x96: {  	s4 =	sld [smem:$0x3FFD];
	_ =	sdelay $0x3  }
0x97: {  	_ =	strace s4  }
0x98: {  	_ =	strace $0x8FFFFFFF  }
0x99: {  	s19 =	sld [smem:$0x3FDB];
	_ =	sdelay $0x1  }
0x9a: {  	s5 =	simm.s32 $_scs_section_size  }
0x9b: {  	s6 =	simm.s32 $_size__tile_overlayer_lowered;
	s7 =	simm.s32 $_tile_overlayer_lowered  }
0x9c: {  	s22 =	simm.s32 $0x1BFF;
	s21 =	sshll.u32 s7, $0x1;
	s4 =	sadd.s32 s5, s19  }
0x9d: {  	s8 =	simm.s32 $0x0;
	s20 =	sshll.u32 s6, $0x1;
	s6 =	sadd.s32 s21, s4  }
0x9e: {  	[timem:s8], [sflag:s22] =	dma.local [hbm:s6], s20  }
0x9f: {  	_ =	swait.ge [sflag:s22], s20  }
0xa0: {  	s5 =	ssub.s32 $0x0, s20;
	[sflag:s22] =	ssyncset.done $0x0  }
0xa1: {  	[sflag:s22] =	ssyncadd.s32 s5;
	_ =	sdelay $0x1  }
0xa2: {  	s23 =	simm.s32 $0x1B8B  }
0xa3: {  	_ =	swait.ge [sflag:s23], $0x1  }
0xa4: {  	[sflag:s23] =	ssyncset.done $0x0  }
0xa5: {  	s25 =	simm.s32 $0x1B8E;
	s24 =	sld [smem:$0x3FFE];
	[sflag:s23] =	ssyncadd.s32 $0xFFFFFFFF  }
0xa6: {  	s26 =	simm.s32 $execute0_lowered;
	[smem:$0x3FD2] =	sst s25  }
0xa7: {  	s6 =	sshll.u32 s26, $0x1;
	_ =	strace $0x80000049;
	[dreg:$0x1] =	wrdreg $0xFFFFFFFF  }
0xa8: {  	s28 =	simm.s32 $_size_execute0_lowered;
	s4 =	sadd.s32 s4, s6;
	[dreg:$0x0] =	wrdreg $0x0  }
0xa9: {  	s6 =	sshll.u32 s28, $0x1;
	[dreg:$0x2] =	wrdreg s4  }
0xaa: {  	[dreg:$0x3] =	wrdreg s6  }
0xab: {  	[dreg:$0x4] =	wrdreg $0xC0  }
0xac: {  	_ =	task [dreg:s8], $0x5FFFF  }
0xad: {  	[dreg:$0x1] =	wrdreg $0xFFFFFFFF  }
0xae: {  	[dreg:$0x0] =	wrdreg $0x60  }
0xaf: {  	[dreg:$0x2] =	wrdreg s18  }
0xb0: {  	[dreg:$0x3] =	wrdreg s2  }
0xb1: {  	[dreg:$0x4] =	wrdreg s24  }
0xb2: {  	[dreg:$0x5] =	wrdreg $0x9  }
0xb3: {  	_ =	task.clear_ibuf [dreg:s8], $0x6FFFF;
	_ =	strace $0x90000049  }
0xb4: {  	s29 =	simm.s32 $0x9;
	_ =	strace $0x8000004B  }
0xb5: {  	_ =	swait.ge [sflag:s29], $0x1  }
0xb6: {  	[sflag:s29] =	ssyncadd.s32 $0xFFFFFFFF  }
0xb7: {  	_ =	strace $0x9000004B  }
0xb8: {  	_ =	sfence  }
0xb9: {  	s30 =	sld [smem:$0x0];
	_ =	sdelay $0x2  }
0xba: {  	s31 =	sshll.u32 s1, $0xD;
	s1 =	sshrl.u32 s1, $0x2  }
0xbb: {  	s3 =	sand.u32 $0x4000, s31;
	s1 =	sadd.s32 s1, s30  }
0xbc: {  	s0 =	sor.u32 s3, s0;
	s1 =	sshll.u32 s1, $0x11  }
0xbd: {  	s0 =	sor.u32 s1, s0  }
0xbe: {  	s0 =	sadd.s32 $0x8F2B, s0  }
0xbf: {  	[sflag:s0] =	ssyncadd.remote.s32 $0x1  }
0xc0: {  	_ =	sfence.sel $0xFFFF  }
0xc1: {  	[dreg:$0x0] =	wrdreg $0xFFFFFFFF;
	(pc) =	sbr.abs _section_cstart, $3  }
0xc2: {  	[dreg:$0x1] =	wrdreg $0xFFFFFFFF  }
0xc3: {  	_ =	task.clear_ibuf [dreg:s8], $0x2FFFF;
	_ =	strace $0x9FFFFFFF  }
0xc4: {  	(tm) =	ssettm $0x7FFFFFFF  }
0xc5: {  	_ =	shalt  }
tec
execute0_lowered:
.L_overlay_start_1:
0x0: {  	(tag) =	ssettag $0x1  }
0x1: {  	s1 =	rddreg [dreg:$0x0]  }
0x2: {  	s2 =	rddreg [dreg:$0x1]  }
0x3: {  	s7 =	rddreg [dreg:$0x2]  }
0x4: {  	s0 =	rddreg [dreg:$0x3]  }
0x5: {  	s3 =	simm.s32 $0x0;
	s4 =	srdreg.scid;
	s12 =	simm.s32 $0x4900  }
0x6: {  	s13 =	simm.s32 $0x5100;
	s14 =	simm.s32 $0x4480;
	s15 =	simm.s32 $0x5900  }
0x7: {  	s16 =	simm.s32 $0x4200;
	s17 =	simm.s32 $0x4000;
	s18 =	simm.s32 $0x1  }
0x8: {  	s19 =	simm.s32 $0x0;
	[smem:$0x7FF] =	sst s3;
	s8 =	sand.u32 $0x1, s4  }
.Ltmp0:
0x9: {  	s5 =	sadd.s32 $0x1001400, s7;
	s4 =	stileid.u32;
	(pc) =	sbr.rel .LBB2_1-.Ltmp0, $4  }
0xa: {  	s6 =	sadd.s32 $0x1400, s7;
	s7 =	sadd.s32 $0x51800, s7;
	s9 =	ssub.s32 $0x2, s8  }
0xb: {  	vm0 =	vcmask $0x300;
	_ =	strace $0x8000004A;
	s11 =	sshll.u32 s4, $0x1;
	s10 =	sshrl.u32 s9, $0x1  }
0xc: {  	v0 =	vimm.s32 $0x0;
	v1 =	vimm.s32 $0xFFFFFFFF;
	v2 =	vimm.s32 $0x1;
	s8 =	sor.u32 s8, s11;
	s11 =	simm.s32 $0x2;
	s10 =	ssub.s32 s9, s10  }
0xd: {  	vm1 =	vmmov $0x1;
	vm2 =	vcmask $0x308;
	v2 =	vsel vm0, $0x0, v2;
	s9 =	sshll.u32 s8, $0xC;
	p0 =	sne.s32 s8, $0x0;
	s10 =	smax.u32 s10, $0x1  }
.LBB2_22:
0xe: {  	s19 =	sadd.s32 $0x1, s19  }
0xf: {  	p1 =	sne.s32 s19, s10  }
.Ltmp1:
0x10: {  	_ = 	snop;
	(pc) =	sbr.rel @!p1 .LBB2_23-.Ltmp1, $1  }
0x11: {  	_ =	sdelay $0x3  }
.LBB2_1:
0x12: {  	[tilespmem:s3], [sflag:$0x2] =	stream.linear.gather [hbm4b:s5+s3], $0x4000, $0x38;
	[tilespmem:$0x19900] =	vst v63  }
0x13: {  	s21 =	simm.s32 $0x0;
	_ =	swait.ge [sflag:s11], $0x4000  }
0x14: {  	s22 =	simm.s32 $0x0;
	s20 =	simm.s32 $0x0;
	[sflag:s11] =	ssyncset.done $0x0  }
0x15: {  	s23 =	simm.s32 $0x0;
	s24 =	simm.s32 $0x0;
	[sflag:s11] =	ssyncadd.s32 $0xFFFFC000  }
.LBB2_2:
0x16: {  	s25 =	sshll.u32 s22, $0x2;
	s26 =	sand.u32 $0x7, s21  }
0x17: {  	s25 =	sand.u32 $0xFFFFFE00, s25;
	s26 =	sshll.u32 s26, $0x6  }
0x18: {  	s25 =	sor.u32 s26, s25  }
0x19: {  	s29 =	sshrl.u32 s25, $0x2  }
0x1a: {  	v3 =	vld [tilespmem:s29+$0x0];
	_ =	sdelay $0x3  }
0x1b: {  	v4 =	vimm.s32 $0x0;
	s28 =	simm.s32 $0x1;
	p1 =	sgt.u32 s8, $0x0  }
0x1c: {  	v5 =	vimm.s32 $0x0;
	s26 =	simm.s32 $0x0;
	s25 =	sshll.u32 s24, $0x4;
	s29 =	sadd.s32 $0x200, s29;
	v6 =	vadd.s32 $0xF, v3;
	v3 =	vimm.s32 $0x0  }
.LBB2_3:
0x1d: {  	p2 =	sne.s32 s28, $0x1F  }
0x1e: {  	v7 =	vld [tilespmem:s29+$0x0];
	v6 =	vand.u32 $0xFFFFFFF0, v6;
	p3 =	seq.s32 s8, s26;
	s26 =	smov.u32 s28;
	s28 =	sadd.s32 $0x1, s28  }
.Ltmp2:
0x1f: {  	v8 =	vpsel !p1, $0x0, v6;
	v9 =	vpsel !p3, $0x0, v6;
	v4 =	vadd.s32 v4, v6;
	(pc) =	sbr.rel @p2 .LBB2_3-.Ltmp2, $2  }
0x20: {  	v3 =	vadd.s32 v3, v8;
	v5 =	vadd.s32 v5, v9;
	_ =	sdelay $0x2  }
0x21: {  	s29 =	sadd.s32 $0x200, s29;
	p1 =	slt.u32 s26, s8;
	v6 =	vadd.s32 $0xF, v7  }
0x22: {  	v6 =	vand.u32 $0xFFFFFFF0, v6;
	p2 =	seq.s32 s8, s26  }
0x23: {  	v7 =	vpsel !p2, $0x0, v6;
	v4 =	vadd.s32 v4, v6  }
0x24: {  	v5 =	vadd.s32 v5, v7;
	(xrf0) =	vadd.scan.msk.s32 $0xffff, v4  }
0x25: {  	(xrf0) =	vadd.scan.msk.s32 $0xffff, v5;
	_ =	sdelay $0x4  }
0x26: {  	v63, _, _ =	vpop (xrf0)  }
0x27: {  	v8, _, _ =	vpop (xrf0);
	(v2sf) =	vpush v63, $0xF  }
0x28: {  	(v2sf) =	vpush v8, $0xF;
	_ =	sdelay $0x9  }
0x29: {  	s24 =	sadd.s32 $0x1, s24;
	v6 =	vpsel !p1, $0x0, v6;
	v4 =	vsub.s32 v63, v4  }
0x2a: {  	p1 =	sne.s32 s24, $0x20;
	v3 =	vadd.s32 v3, v6;
	v4 =	vadd.s32 s23, v4  }
.Ltmp3:
0x2b: {  	v3 =	vadd.s32 v3, v4;
	(pc) =	sbr.rel @p1 .LBB2_2-.Ltmp3, $4  }
0x2c: {  	[tilespmem:s25+$0x4000] =	vst v3;
	v3 =	vsub.s32 v8, v5  }
0x2d: {  	[tilespmem:s25+$0x4680] =	vst v4;
	v3 =	vadd.s32 s20, v3;
	s30 =	spop (v2sf)  }
0x2e: {  	s22 =	sadd.s32 $0x10, s22;
	[tilespmem:s25+$0x4200] =	vst v3;
	s31 =	spop (v2sf)  }
0x2f: {  	s21 =	sadd.s32 $0x1, s21;
	[tilespmem:s25+$0x4480] =	vst v3;
	s23 =	sadd.s32 s23, s30;
	s20 =	sadd.s32 s20, s31  }
0x30: {  	v3 =	vmov s23  }
0x31: {  	v3 =	vnsel vm0, $0x0, v3  }
0x32: {  	[tilespmem:$0x4880] =	vst v3;
	v3 =	vmov s20  }
0x33: {  	[tilespmem:$0x4890] =	vst v0;
	v3 =	vnsel vm0, $0x0, v3  }
0x34: {  	s21 =	simm.s32 @!p0 $0x4680;
	s20 =	simm.s32 @!p0 $0x0;
	[tilespmem:$0x4400] =	vst v3  }
0x35: {  	[hbm4b:s7+s20] =	stream.linear.scatter @!p0 [tilespmem:s21], [sflag:$0x2], $0x280, $0x38;
	[tilespmem:$0x19900] =	vst v63  }
0x36: {  	s20 =	simm.s32 @!p0 $0x2  }
0x37: {  	_ =	swait.ge @!p0 [sflag:s20], $0x280  }
0x38: {  	s22 =	simm.s32 $0x0;
	[sflag:s20] =	ssyncset.done @!p0 $0x0  }
0x39: {  	s21 =	simm.s32 $0x40;
	[sflag:s20] =	ssyncadd.s32 @!p0 $0xFFFFFD80;
	s20 =	simm.s32 $0x0  }
.LBB2_6:
0x3a: {  	p1 =	sne.s32 s21, $0x4FFC0;
	[tilespmem:s22+$0x5900] =	vst v1;
	s22 =	smov.u32 s21;
	s21 =	sadd.s32 $0x40, s21  }
.Ltmp4:
0x3b: {  	(pc) =	sbr.rel @p1 .LBB2_6-.Ltmp4, $2  }
0x3c: {  	_ =	sdelay $0x2  }
0x3d: {  	s22 =	sshra.s32 s22, $0x2  }
0x3e: {  	[tilespmem:s22+$0x5900] =	vst v1  }
.LBB2_8:
0x3f: {  	s21 =	sshll.u32 s20, $0x8  }
0x40: {  	s22 =	sadd.s32 s9, s21  }
0x41: {  	s21 =	simm.s32 $0x0;
	s23 =	sadd.s32 s1, s22  }
0x42: {  	[tilespmem:s12], [sflag:$0x2] =	stream.linear.gather [hbm4b:s23+s21], $0x800, $0x38;
	[tilespmem:$0x19900] =	vst v63  }
0x43: {  	_ =	swait.ge [sflag:s11], $0x800  }
0x44: {  	[sflag:s11] =	ssyncset.done $0x0  }
0x45: {  	s22 =	sadd.s32 s2, s22;
	[sflag:s11] =	ssyncadd.s32 $0xFFFFF800  }
0x46: {  	[tilespmem:s13], [sflag:$0x2] =	stream.linear.gather [hbm4b:s22+s21], $0x800, $0x38;
	[tilespmem:$0x19900] =	vst v63  }
0x47: {  	_ =	swait.ge [sflag:s11], $0x800  }
0x48: {  	[sflag:s11] =	ssyncset.done $0x0  }
0x49: {  	[sflag:s11] =	ssyncadd.s32 $0xFFFFF800  }
.LBB2_9:
0x4a: {  	s22 =	sshra.s32 s21, $0x2  }
0x4b: {  	v3 =	vld [tilespmem:s22+$0x4900];
	_ =	sdelay $0x4  }
0x4c: {  	v4 =	vshra.s32 v3, $0xF  }
0x4d: {  	(xrf1) =	vunique.msk.u32 $0xffff, v4;
	_ =	sdelay $0x9  }
0x4e: {  	v5 =	vld.idx.msk [tilespmem:v4+s14+$0x0], $0xffff;
	_ =	sdelay $0x3  }
0x4f: {  	_, v6, vm3 =	vpop (xrf1)  }
0x50: {  	v5 =	vadd.s32 v5, v6  }
0x51: {  	v6 =	vadd.s32 $0xFFFFFFFF, v5  }
0x52: {  	vm4 =	vgt.s32 v6, $0x0  }
0x53: {  	v6 =	vnsel vm4, $0x0, v6  }
0x54: {  	v6 =	vmin.u32 v6, $0x9FFF  }
0x55: {  	v6 =	vshll.u32 v6, $0x1  }
0x56: {  	v7 =	vld [tilespmem:s22+$0x5100];
	v8 =	vor.u32 $0x1, v6;
	_ =	sdelay $0x2  }
0x57: {  	[tilespmem:v4+s14+$0x0] =	vst.idx.msk vm3, v5  }
0x58: {  	[tilespmem:v6+s15+$0x0] =	vst.idx.msk $0xffff, v3  }
0x59: {  	[tilespmem:v8+s15+$0x0] =	vst.idx.msk $0xffff, v7  }
0x5a: {  	v3 =	vld [tilespmem:s22+$0x4910];
	_ =	sdelay $0x4  }
0x5b: {  	v43 =	vshra.s32 v3, $0xF  }
0x5c: {  	(xrf1) =	vunique.msk.u32 $0xffff, v43;
	_ =	sdelay $0x9  }
0x5d: {  	v5 =	vld.idx.msk [tilespmem:v43+s14+$0x0], $0xffff;
	_ =	sdelay $0x3  }
0x5e: {  	_, v44, vm3 =	vpop (xrf1)  }
0x5f: {  	v5 =	vadd.s32 v5, v44  }
0x60: {  	v6 =	vadd.s32 $0xFFFFFFFF, v5  }
0x61: {  	vm9 =	vgt.s32 v6, $0x0  }
0x62: {  	v6 =	vnsel vm9, $0x0, v6  }
0x63: {  	v6 =	vmin.u32 v6, $0x9FFF  }
0x64: {  	v6 =	vshll.u32 v6, $0x1  }
0x65: {  	v7 =	vld [tilespmem:s22+$0x5110];
	v45 =	vor.u32 $0x1, v6;
	_ =	sdelay $0x2  }
0x66: {  	[tilespmem:v43+s14+$0x0] =	vst.idx.msk vm3, v5  }
0x67: {  	[tilespmem:v6+s15+$0x0] =	vst.idx.msk $0xffff, v3  }
0x68: {  	[tilespmem:v45+s15+$0x0] =	vst.idx.msk $0xffff, v7  }
0x69: {  	v3 =	vld [tilespmem:s22+$0x4920];
	_ =	sdelay $0x4  }
0x6a: {  	v46 =	vshra.s32 v3, $0xF  }
0x6b: {  	(xrf1) =	vunique.msk.u32 $0xffff, v46;
	_ =	sdelay $0x9  }
0x6c: {  	v5 =	vld.idx.msk [tilespmem:v46+s14+$0x0], $0xffff;
	_ =	sdelay $0x3  }
0x6d: {  	_, v47, vm3 =	vpop (xrf1)  }
0x6e: {  	v5 =	vadd.s32 v5, v47  }
0x6f: {  	v6 =	vadd.s32 $0xFFFFFFFF, v5  }
0x70: {  	vm10 =	vgt.s32 v6, $0x0  }
0x71: {  	v6 =	vnsel vm10, $0x0, v6  }
0x72: {  	v6 =	vmin.u32 v6, $0x9FFF  }
0x73: {  	v6 =	vshll.u32 v6, $0x1  }
0x74: {  	v7 =	vld [tilespmem:s22+$0x5120];
	v48 =	vor.u32 $0x1, v6;
	_ =	sdelay $0x2  }
0x75: {  	[tilespmem:v46+s14+$0x0] =	vst.idx.msk vm3, v5  }
0x76: {  	[tilespmem:v6+s15+$0x0] =	vst.idx.msk $0xffff, v3  }
0x77: {  	[tilespmem:v48+s15+$0x0] =	vst.idx.msk $0xffff, v7  }
0x78: {  	v3 =	vld [tilespmem:s22+$0x4930];
	_ =	sdelay $0x4  }
0x79: {  	v49 =	vshra.s32 v3, $0xF  }
0x7a: {  	(xrf1) =	vunique.msk.u32 $0xffff, v49;
	_ =	sdelay $0x9  }
0x7b: {  	v5 =	vld.idx.msk [tilespmem:v49+s14+$0x0], $0xffff;
	_ =	sdelay $0x3  }
0x7c: {  	_, v50, vm3 =	vpop (xrf1)  }
0x7d: {  	v5 =	vadd.s32 v5, v50  }
0x7e: {  	v6 =	vadd.s32 $0xFFFFFFFF, v5  }
0x7f: {  	vm11 =	vgt.s32 v6, $0x0  }
0x80: {  	v6 =	vnsel vm11, $0x0, v6  }
0x81: {  	v6 =	vmin.u32 v6, $0x9FFF  }
0x82: {  	v6 =	vshll.u32 v6, $0x1  }
0x83: {  	v7 =	vld [tilespmem:s22+$0x5130];
	v51 =	vor.u32 $0x1, v6;
	_ =	sdelay $0x2  }
0x84: {  	[tilespmem:v49+s14+$0x0] =	vst.idx.msk vm3, v5  }
0x85: {  	[tilespmem:v6+s15+$0x0] =	vst.idx.msk $0xffff, v3  }
0x86: {  	[tilespmem:v51+s15+$0x0] =	vst.idx.msk $0xffff, v7  }
0x87: {  	v3 =	vld [tilespmem:s22+$0x4940];
	_ =	sdelay $0x4  }
0x88: {  	v52 =	vshra.s32 v3, $0xF  }
0x89: {  	(xrf1) =	vunique.msk.u32 $0xffff, v52;
	_ =	sdelay $0x9  }
0x8a: {  	v5 =	vld.idx.msk [tilespmem:v52+s14+$0x0], $0xffff;
	_ =	sdelay $0x3  }
0x8b: {  	_, v53, vm3 =	vpop (xrf1)  }
0x8c: {  	v5 =	vadd.s32 v5, v53  }
0x8d: {  	v6 =	vadd.s32 $0xFFFFFFFF, v5  }
0x8e: {  	vm12 =	vgt.s32 v6, $0x0  }
0x8f: {  	v6 =	vnsel vm12, $0x0, v6  }
0x90: {  	v6 =	vmin.u32 v6, $0x9FFF  }
0x91: {  	v6 =	vshll.u32 v6, $0x1  }
0x92: {  	v7 =	vld [tilespmem:s22+$0x5140];
	v54 =	vor.u32 $0x1, v6;
	_ =	sdelay $0x2  }
0x93: {  	[tilespmem:v52+s14+$0x0] =	vst.idx.msk vm3, v5  }
0x94: {  	[tilespmem:v6+s15+$0x0] =	vst.idx.msk $0xffff, v3  }
0x95: {  	[tilespmem:v54+s15+$0x0] =	vst.idx.msk $0xffff, v7  }
0x96: {  	v3 =	vld [tilespmem:s22+$0x4950];
	_ =	sdelay $0x4  }
0x97: {  	v55 =	vshra.s32 v3, $0xF  }
0x98: {  	(xrf1) =	vunique.msk.u32 $0xffff, v55;
	_ =	sdelay $0x9  }
0x99: {  	v5 =	vld.idx.msk [tilespmem:v55+s14+$0x0], $0xffff;
	_ =	sdelay $0x3  }
0x9a: {  	_, v56, vm3 =	vpop (xrf1)  }
0x9b: {  	v5 =	vadd.s32 v5, v56  }
0x9c: {  	v6 =	vadd.s32 $0xFFFFFFFF, v5  }
0x9d: {  	vm13 =	vgt.s32 v6, $0x0  }
0x9e: {  	v6 =	vnsel vm13, $0x0, v6  }
0x9f: {  	v6 =	vmin.u32 v6, $0x9FFF  }
0xa0: {  	v6 =	vshll.u32 v6, $0x1  }
0xa1: {  	v7 =	vld [tilespmem:s22+$0x5150];
	v57 =	vor.u32 $0x1, v6;
	_ =	sdelay $0x2  }
0xa2: {  	[tilespmem:v55+s14+$0x0] =	vst.idx.msk vm3, v5  }
0xa3: {  	[tilespmem:v6+s15+$0x0] =	vst.idx.msk $0xffff, v3  }
0xa4: {  	[tilespmem:v57+s15+$0x0] =	vst.idx.msk $0xffff, v7  }
0xa5: {  	v3 =	vld [tilespmem:s22+$0x4960];
	_ =	sdelay $0x4  }
0xa6: {  	v58 =	vshra.s32 v3, $0xF  }
0xa7: {  	(xrf1) =	vunique.msk.u32 $0xffff, v58;
	_ =	sdelay $0x9  }
0xa8: {  	v5 =	vld.idx.msk [tilespmem:v58+s14+$0x0], $0xffff;
	_ =	sdelay $0x3  }
0xa9: {  	_, v59, vm3 =	vpop (xrf1)  }
0xaa: {  	v5 =	vadd.s32 v5, v59  }
0xab: {  	v6 =	vadd.s32 $0xFFFFFFFF, v5  }
0xac: {  	vm14 =	vgt.s32 v6, $0x0  }
0xad: {  	v6 =	vnsel vm14, $0x0, v6  }
0xae: {  	v6 =	vmin.u32 v6, $0x9FFF  }
0xaf: {  	v6 =	vshll.u32 v6, $0x1  }
0xb0: {  	v7 =	vld [tilespmem:s22+$0x5160];
	v60 =	vor.u32 $0x1, v6;
	_ =	sdelay $0x2  }
0xb1: {  	[tilespmem:v58+s14+$0x0] =	vst.idx.msk vm3, v5  }
0xb2: {  	[tilespmem:v6+s15+$0x0] =	vst.idx.msk $0xffff, v3  }
0xb3: {  	[tilespmem:v60+s15+$0x0] =	vst.idx.msk $0xffff, v7  }
0xb4: {  	v3 =	vld [tilespmem:s22+$0x4970];
	_ =	sdelay $0x4  }
0xb5: {  	v61 =	vshra.s32 v3, $0xF  }
0xb6: {  	(xrf1) =	vunique.msk.u32 $0xffff, v61;
	_ =	sdelay $0x9  }
0xb7: {  	v5 =	vld.idx.msk [tilespmem:v61+s14+$0x0], $0xffff;
	_ =	sdelay $0x3  }
0xb8: {  	_, v62, vm3 =	vpop (xrf1)  }
0xb9: {  	v5 =	vadd.s32 v5, v62  }
0xba: {  	v6 =	vadd.s32 $0xFFFFFFFF, v5  }
0xbb: {  	vm15 =	vgt.s32 v6, $0x0  }
0xbc: {  	v6 =	vnsel vm15, $0x0, v6  }
0xbd: {  	v6 =	vmin.u32 v6, $0x9FFF  }
0xbe: {  	v6 =	vshll.u32 v6, $0x1  }
0xbf: {  	p1 =	sne.s32 s21, $0x1E00;
	v7 =	vld [tilespmem:s22+$0x5170];
	v63 =	vor.u32 $0x1, v6  }
.Ltmp5:
0xc0: {  	_ = 	snop;
	(pc) =	sbr.rel @p1 .LBB2_9-.Ltmp5, $4  }
0xc1: {  	_ = 	snop  }
0xc2: {  	[tilespmem:v61+s14+$0x0] =	vst.idx.msk vm3, v5  }
0xc3: {  	[tilespmem:v6+s15+$0x0] =	vst.idx.msk $0xffff, v3  }
0xc4: {  	s21 =	sadd.s32 $0x200, s21;
	[tilespmem:v63+s15+$0x0] =	vst.idx.msk $0xffff, v7  }
0xc5: {  	s20 =	sadd.s32 $0x1, s20  }
0xc6: {  	p1 =	sne.s32 s20, $0x10  }
.Ltmp6:
0xc7: {  	_ = 	snop;
	(pc) =	sbr.rel @p1 .LBB2_8-.Ltmp6, $1  }
0xc8: {  	_ =	sdelay $0x3  }
.Ltmp7:
0xc9: {  	(pc) =	sbr.rel .LBB2_12-.Ltmp7, $2  }
0xca: {  	_ =	sdelay $0x2  }
0xcb: {  	s20 =	simm.s32 $0x0  }
.LBB2_15:
0xcc: {  	s20 =	sadd.s32 $0x1, s20  }
0xcd: {  	p1 =	sne.s32 s20, $0x200  }
.Ltmp8:
0xce: {  	_ = 	snop;
	(pc) =	sbr.rel @!p1 .LBB2_16-.Ltmp8, $1  }
0xcf: {  	_ =	sdelay $0x3  }
.LBB2_12:
0xd0: {  	v3 =	vadd.s32 s20, v2;
	_ =	sdelay $0x4  }
0xd1: {  	v3 =	vld.idx.msk [tilespmem:v3+s16+$0x0], $0xffff;
	_ =	sdelay $0x4  }
0xd2: {  	v4 =	vnsel vm1, $0x0, v3  }
0xd3: {  	v3 =	vsel vm2, $0x0, v3;
	v4 =	vxor.u32 $0x80000000, v4  }
0xd4: {  	v3 =	vxor.u32 $0x80000000, v3;
	(xrf0) =	vmax.scan.msk.u32 $0xffff, v4  }
0xd5: {  	(xrf0) =	vmax.scan.msk.u32 $0xffff, v3;
	_ =	sdelay $0x2  }
0xd6: {  	v5 =	vmov s20;
	_ =	sdelay $0x1  }
0xd7: {  	v4, _, _ =	vpop (xrf0)  }
0xd8: {  	(v2sf) =	vpush v4, $0xF;
	v63, _, _ =	vpop (xrf0)  }
0xd9: {  	(v2sf) =	vpush v63, $0xF  }
0xda: {  	v3 =	vld.idx.msk [tilespmem:v5+s17+$0x0], $0xffff;
	_ =	sdelay $0x4  }
0xdb: {  	v3 =	vnsel vm1, $0x0, v3  }
0xdc: {  	v3 =	vxor.u32 $0x80000000, v3  }
0xdd: {  	(xrf0) =	vmax.scan.msk.u32 $0xffff, v3;
	_ =	sdelay $0x5  }
0xde: {  	v3, _, _ =	vpop (xrf0);
	s21 =	spop (v2sf)  }
0xdf: {  	(v2sf) =	vpush v3, $0xF;
	s22 =	spop (v2sf)  }
0xe0: {  	s23 =	sxor.u32 $0x80000000, s21;
	s24 =	sxor.u32 $0x80000000, s22  }
0xe1: {  	p1 =	sne.s32 s22, s21;
	s22 =	simm.s32 $0x1;
	s23 =	ssub.s32 s24, s23  }
0xe2: {  	s22 =	simm.s32 @!p1 $0x0;
	s24 =	sshra.s32 s23, $0x1F  }
0xe3: {  	s25 =	sand.u32 $0xF, s23;
	s22 =	sor.u32 s22, s24  }
0xe4: {  	p2 =	sne.s32 s25, $0x0;
	p6 =	sne.s32 s22, $0x1  }
0xe5: {  	s31 =	sshrl.u32 s24, $0x1C;
	p1 =	por !p2, !p6  }
0xe6: {  	s22 =	sadd.s32 s31, s23;
	s23 =	simm.s32 $0x1;
	p1 =	por !p1, !p1  }
0xe7: {  	s22 =	sshra.s32 s22, $0x4;
	s23 =	simm.s32 @!p1 $0x0  }
0xe8: {  	s22 =	ssub.s32 s22, s23  }
0xe9: {  	p1 =	slt.s32 s22, $0x1  }
.Ltmp9:
0xea: {  	_ = 	snop;
	(pc) =	sbr.rel @p1 .LBB2_15-.Ltmp9, $2  }
0xeb: {  	_ =	sdelay $0x2  }
0xec: {  	s23 =	spop (v2sf)  }
0xed: {  	p1 =	sne.s32 s22, $0x1  }
.Ltmp10:
0xee: {  	_ = 	snop;
	(pc) =	sbr.rel @!p1 .LBB2_15-.Ltmp10, $4  }
0xef: {  	s21 =	sshll.u32 s21, $0x3;
	s24 =	sshrl.u32 s23, $0x2  }
0xf0: {  	s22 =	sadd.s32 $0xFFFFFFFF, s22;
	s21 =	sshra.s32 s21, $0x2;
	s24 =	sand.u32 $0x1FFFFFFF, s24  }
0xf1: {  	s23 =	sadd.s32 $0x10, s23;
	s21 =	sadd.s32 $0x5900, s21;
	s24 =	sadd.s32 s6, s24  }
0xf2: {  	[hbm4b:s24+s3] =	stream.linear.scatter [tilespmem:s21], [sflag:$0x1], $0x20, $0x38;
	[tilespmem:$0x19900] =	vst v63  }
.LBB2_14:
0xf3: {  	s24 =	sshrl.u32 s23, $0x2;
	p1 =	sne.s32 s22, $0x1;
	s22 =	sadd.s32 $0xFFFFFFFF, s22  }
.Ltmp11:
0xf4: {  	s24 =	sand.u32 $0x1FFFFFFF, s24;
	(pc) =	sbr.rel @p1 .LBB2_14-.Ltmp11, $4  }
0xf5: {  	s21 =	sadd.s32 $0x20, s21;
	s24 =	sadd.s32 s6, s24  }
0xf6: {  	[hbm4b:s24+s3] =	stream.linear.scatter [tilespmem:s21], [sflag:$0x1], $0x20, $0x38;
	[tilespmem:$0x19900] =	vst v63  }
0xf7: {  	_ = 	snop  }
0xf8: {  	s23 =	sadd.s32 $0x10, s23  }
.Ltmp12:
0xf9: {  	_ = 	snop;
	(pc) =	sbr.rel .LBB2_15-.Ltmp12, $1  }
0xfa: {  	_ =	sdelay $0x3  }
.LBB2_16:
.Ltmp13:
0xfb: {  	(pc) =	sbr.rel .LBB2_17-.Ltmp13, $2  }
0xfc: {  	_ =	sdelay $0x2  }
0xfd: {  	s20 =	simm.s32 $0x0  }
.LBB2_20:
0xfe: {  	[sflag:s18] =	ssyncadd.s32 $0xFFFFFFE0  }
.LBB2_21:
0xff: {  	s20 =	sadd.s32 $0x1, s20  }
0x100: {  	p1 =	sne.s32 s20, $0x200  }
.Ltmp14:
0x101: {  	_ = 	snop;
	(pc) =	sbr.rel @!p1 .LBB2_22-.Ltmp14, $1  }
0x102: {  	_ =	sdelay $0x3  }
.LBB2_17:
0x103: {  	v3 =	vadd.s32 s20, v2;
	_ =	sdelay $0x4  }
0x104: {  	v3 =	vld.idx.msk [tilespmem:v3+s16+$0x0], $0xffff;
	_ =	sdelay $0x4  }
0x105: {  	v4 =	vnsel vm1, $0x0, v3  }
0x106: {  	v3 =	vsel vm2, $0x0, v3;
	v4 =	vxor.u32 $0x80000000, v4  }
0x107: {  	v3 =	vxor.u32 $0x80000000, v3;
	(xrf0) =	vmax.scan.msk.u32 $0xffff, v4  }
0x108: {  	(xrf0) =	vmax.scan.msk.u32 $0xffff, v3;
	_ =	sdelay $0x4  }
0x109: {  	v3, _, _ =	vpop (xrf0)  }
0x10a: {  	(v2sf) =	vpush v3, $0xF;
	v3, _, _ =	vpop (xrf0)  }
0x10b: {  	(v2sf) =	vpush v3, $0xF;
	_ =	sdelay $0xd  }
0x10c: {  	s21 =	spop (v2sf)  }
0x10d: {  	s22 =	spop (v2sf)  }
0x10e: {  	s23 =	sxor.u32 $0x80000000, s21;
	s24 =	sxor.u32 $0x80000000, s22  }
0x10f: {  	p1 =	sne.s32 s22, s21;
	s21 =	simm.s32 $0x1;
	s23 =	ssub.s32 s24, s23  }
0x110: {  	s21 =	simm.s32 @!p1 $0x0;
	s30 =	sshra.s32 s23, $0x1F  }
0x111: {  	s24 =	sand.u32 $0xF, s23;
	s21 =	sor.u32 s21, s30  }
0x112: {  	p2 =	sne.s32 s24, $0x0;
	p6 =	sne.s32 s21, $0x1  }
0x113: {  	s31 =	sshrl.u32 s30, $0x1C;
	p1 =	por !p2, !p6  }
0x114: {  	s22 =	simm.s32 $0x1;
	s21 =	sadd.s32 s31, s23;
	p1 =	por !p1, !p1  }
0x115: {  	s21 =	sshra.s32 s21, $0x4;
	s22 =	simm.s32 @!p1 $0x0  }
0x116: {  	s21 =	ssub.s32 s21, s22  }
0x117: {  	p1 =	slt.s32 s21, $0x1  }
.Ltmp15:
0x118: {  	_ = 	snop;
	(pc) =	sbr.rel @p1 .LBB2_21-.Ltmp15, $1  }
0x119: {  	_ =	sdelay $0x3  }
0x11a: {  	p1 =	sne.s32 s21, $0x1  }
.Ltmp16:
0x11b: {  	_ = 	snop;
	(pc) =	sbr.rel @!p1 .LBB2_20-.Ltmp16, $3  }
0x11c: {  	_ =	sdelay $0x1  }
0x11d: {  	_ =	swait.ge [sflag:s18], $0x20  }
0x11e: {  	s21 =	sadd.s32 $0xFFFFFFFF, s21;
	[sflag:s18] =	ssyncset.done $0x0  }
.LBB2_19:
0x11f: {  	p1 =	sne.s32 s21, $0x1;
	s21 =	sadd.s32 $0xFFFFFFFF, s21;
	[sflag:s18] =	ssyncadd.s32 $0xFFFFFFE0  }
.Ltmp17:
0x120: {  	(pc) =	sbr.rel @p1 .LBB2_19-.Ltmp17, $3  }
0x121: {  	_ =	sdelay $0x1  }
0x122: {  	_ =	swait.ge [sflag:s18], $0x20  }
0x123: {  	[sflag:s18] =	ssyncset.done $0x0  }
.Ltmp18:
0x124: {  	_ = 	snop;
	(pc) =	sbr.rel .LBB2_20-.Ltmp18, $1  }
0x125: {  	_ =	sdelay $0x3  }
.LBB2_23:
0x126: {  	_ =	sfence.sel $0x180000  }
0x127: {  	[bflag:$0x0] =	sbarrier.arrive $0xFFFF  }
0x128: {  	p0 =	sne.s32 s4, $0x0;
	_ =	strace $0x9000004A  }
0x129: {  	s0 =	sadd.s32 @!p0 $0x100000, s0;
	[bflag:$0x2] =	sbarrier.arrive $0xFFFF  }
0x12a: {  	[sflag:s0] =	ssyncadd.tile.s32 @!p0 $0x1;
	_ =	shalt  }
.Lfunc_end2:
_tile_overlayer_lowered:
.L_overlay_start_2:
0x12b: {  	(tag) =	ssettag $0x2  }
0x12c: {  	s0 =	rddreg [dreg:$0x0];
	s2 =	stileid.u32  }
0x12d: {  	s1 =	rddreg [dreg:$0x1];
	p0 =	sne.s32 s2, $0x0  }
0x12e: {  	s3 =	rddreg [dreg:$0x2];
	[bflag:$0x3] =	sbarrier.arrive $0xFFFF;
	s2 =	simm.s32 @!p0 $0x1C02  }
0x12f: {  	[timem:s3], [sflag:s2] =	dma.local @!p0 [hbm:s0], s1  }
0x130: {  	s0 =	simm.s32 @!p0 $0x2  }
0x131: {  	_ =	swait.ge @!p0 [sflag:s0], s1  }
0x132: {  	s1 =	ssub.s32 @!p0 $0x0, s1;
	[sflag:s0] =	ssyncset.done @!p0 $0x0  }
0x133: {  	[sflag:s0] =	ssyncadd.s32 @!p0 s1  }
0x134: {  	[bflag:$0x3] =	sbarrier.arrive $0xFFFF  }
0x135: {  	_ =	shalt  }

// kernel: occ_k3_slab_update.3.cloned.1.call-start
scs
__scs_entry_jumppad:
0x0: {  	(pc) =	sbr.rel $0x88, $3  }
0x1: {  	(tag) =	ssettag $0x0;
	lr =	simm.s32 $0x1  }
0x2: {  	[smem:$0x3F9E] =	sst lr;
	_ =	strace $0xD0000000  }
0x3: {  	_ = 	snop  }
0x4: {  	_ = 	snop  }
0x5: {  	_ = 	snop  }
0x6: {  	_ = 	snop  }
0x7: {  	_ = 	snop  }
__scs_overlays_trampoline_lowered:
0x8: {  	[smem:$0x3FAD] =	sst s0  }
0x9: {  	[smem:$0x3FAE] =	sst s1  }
0xa: {  	[smem:$0x3FAF] =	sst s2  }
0xb: {  	[smem:$0x3FB0] =	sst s3  }
0xc: {  	[smem:$0x3FB1] =	sst s4  }
0xd: {  	[smem:$0x3FB2] =	sst s5  }
0xe: {  	[smem:$0x3FB3] =	sst s6  }
0xf: {  	[smem:$0x3FB4] =	sst s7  }
0x10: {  	[smem:$0x3FB5] =	sst s8  }
0x11: {  	[smem:$0x3FB6] =	sst s9;
	s0 =	simm.s32 @!p0 $0x0  }
0x12: {  	s1 =	sld [smem:$0x3F9C];
	s0 =	simm.s32 @p0 $0x1  }
0x13: {  	[smem:$0x3FB7] =	sst s0;
	s0 =	simm.s32 @!p1 $0x0  }
0x14: {  	s2 =	sld [smem:$0x3F9B];
	s0 =	simm.s32 @p1 $0x1  }
0x15: {  	[smem:$0x3FB8] =	sst s0;
	s0 =	simm.s32 @!p2 $0x0  }
0x16: {  	s3 =	sld [smem:$0x3FDB];
	s0 =	simm.s32 @p2 $0x1  }
0x17: {  	s4 =	simm.s32 $0x1BF5;
	[smem:$0x3FBA] =	sst s0  }
0x18: {  	s0 =	sld [smem:$0x3F9D];
	_ =	swait.ge [sflag:s4], $0x0  }
0x19: {  	s7 =	sld [smem:$0x3F9E]  }
0x1a: {  	s8 =	sadd.s32 $0xFFFFE003, lr  }
0x1b: {  	s9 =	sadd.s32 $0xFFFFFEF7, lr;
	s5 =	simm.s32 $0xFFFFFFFF;
	p2 =	slt.u32 s8, $0xFFFFF086  }
0x1c: {  	p1 =	slt.u32 s9, $0xF7A;
	s5 =	simm.s32 @!p2 $0x0  }
0x1d: {  	s5 =	simm.s32 @p1 $0x1;
	p0 =	seq.s32 s7, s2  }
0x1e: {  	s7 =	smul.u32 @!p0 $0xF7A, s2;
	p2 =	seq.s32 @!p0 s5, $0x0  }
0x1f: {  	s9 =	smul.u32 $0xF7A, s1;
	s8 =	simm.s32 @!p0 $0x1BF5;
	p2 =	por !p2, p0  }
0x20: {  	[sflag:s8] =	ssyncset.s32 @!p0 $0xFFFFF086;
	s6 =	sadd.s32 @!p0 s3, s7;
	s7 =	simm.s32 @!p0 $0x108  }
0x21: {  	s3 =	sadd.s32 s3, s9;
	s6 =	sadd.s32 @!p0 $0x88, s6;
	s7 =	simm.s32 @p2 $0x1082  }
0x22: {  	[simem:s7], [sflag:s8] =	dma.local @!p0 [hbm:s6], $0xF7A  }
0x23: {  	s9 =	sor.u32 $0xD0000000, s2;
	s6 =	simm.s32 $0x108;
	_ =	swait.ge @!p0 [sflag:s8], $0x0  }
0x24: {  	s3 =	sadd.s32 $0x88, s3;
	s6 =	simm.s32 @!p1 $0x1082;
	[sflag:s4] =	ssyncset.s32 $0xFFFFF086  }
0x25: {  	[simem:s6], [sflag:s4] =	dma.local [hbm:s3], $0xF7A  }
0x26: {  	[smem:$0x3F9E] =	sst s1;
	(tag) =	ssettag s2;
	_ =	strace s9  }
0x27: {  	s1 =	sld [smem:$0x3FAE]  }
0x28: {  	s2 =	sld [smem:$0x3FAF]  }
0x29: {  	s4 =	sld [smem:$0x3FB1]  }
0x2a: {  	p0 =	seq.s32 s5, $0x0;
	s5 =	sld [smem:$0x3FB2]  }
0x2b: {  	s6 =	sld [smem:$0x3FB3]  }
0x2c: {  	s7 =	sld [smem:$0x3FB4]  }
0x2d: {  	s3 =	simm.s32 $0x108;
	s8 =	sld [smem:$0x3FB5]  }
0x2e: {  	s3 =	simm.s32 @!p0 $0x1082;
	s9 =	sld [smem:$0x3FB6]  }
0x2f: {  	lr =	sadd.s32 s0, s3;
	s0 =	sld [smem:$0x3FAD]  }
0x30: {  	s3 =	sld [smem:$0x3FB0]  }
0x31: {  	[smem:$0x3FB9] =	sst s10  }
0x32: {  	s10 =	sld [smem:$0x3FB7];
	_ =	sdelay $0x3  }
0x33: {  	p0 =	seq.s32 s10, $0x1;
	s10 =	sld [smem:$0x3FB9];
	_ =	sdelay $0x3  }
0x34: {  	[smem:$0x3FB9] =	sst s10  }
0x35: {  	s10 =	sld [smem:$0x3FB8];
	_ =	sdelay $0x3  }
0x36: {  	p1 =	seq.s32 s10, $0x1;
	s10 =	sld [smem:$0x3FB9];
	_ =	sdelay $0x3  }
0x37: {  	[smem:$0x3FB9] =	sst s10  }
0x38: {  	s10 =	sld [smem:$0x3FBA]  }
0x39: {  	_ = 	snop;
	(pc) =	sbr.ind lr, $3  }
0x3a: {  	_ = 	snop  }
0x3b: {  	_ = 	snop  }
0x3c: {  	p2 =	seq.s32 s10, $0x1;
	s10 =	sld [smem:$0x3FB9]  }
0x3d: {  	_ =	shalt  }
0x3e: {  	_ =	shalt  }
0x3f: {  	_ =	shalt  }
0x40: {  	_ =	shalt  }
0x41: {  	_ =	shalt  }
0x42: {  	_ =	shalt  }
0x43: {  	_ =	shalt  }
0x44: {  	_ =	shalt  }
0x45: {  	_ =	shalt  }
0x46: {  	_ =	shalt  }
0x47: {  	_ =	shalt  }
0x48: {  	_ =	shalt  }
0x49: {  	_ =	shalt  }
0x4a: {  	_ =	shalt  }
0x4b: {  	_ =	shalt  }
0x4c: {  	_ =	shalt  }
0x4d: {  	_ =	shalt  }
0x4e: {  	_ =	shalt  }
0x4f: {  	_ =	shalt  }
0x50: {  	_ =	shalt  }
0x51: {  	_ =	shalt  }
0x52: {  	_ =	shalt  }
0x53: {  	_ =	shalt  }
0x54: {  	_ =	shalt  }
0x55: {  	_ =	shalt  }
0x56: {  	_ =	shalt  }
0x57: {  	_ =	shalt  }
0x58: {  	_ =	shalt  }
0x59: {  	_ =	shalt  }
0x5a: {  	_ =	shalt  }
0x5b: {  	_ =	shalt  }
0x5c: {  	_ =	shalt  }
0x5d: {  	_ =	shalt  }
0x5e: {  	_ =	shalt  }
0x5f: {  	_ =	shalt  }
0x60: {  	_ =	shalt  }
0x61: {  	_ =	shalt  }
0x62: {  	_ =	shalt  }
0x63: {  	_ =	shalt  }
0x64: {  	_ =	shalt  }
0x65: {  	_ =	shalt  }
0x66: {  	_ =	shalt  }
0x67: {  	_ =	shalt  }
0x68: {  	_ =	shalt  }
0x69: {  	_ =	shalt  }
0x6a: {  	_ =	shalt  }
0x6b: {  	_ =	shalt  }
0x6c: {  	_ =	shalt  }
0x6d: {  	_ =	shalt  }
0x6e: {  	_ =	shalt  }
0x6f: {  	_ =	shalt  }
0x70: {  	_ =	shalt  }
0x71: {  	_ =	shalt  }
0x72: {  	_ =	shalt  }
0x73: {  	_ =	shalt  }
0x74: {  	_ =	shalt  }
0x75: {  	_ =	shalt  }
0x76: {  	_ =	shalt  }
0x77: {  	_ =	shalt  }
0x78: {  	_ =	shalt  }
0x79: {  	_ =	shalt  }
0x7a: {  	_ =	shalt  }
0x7b: {  	_ =	shalt  }
0x7c: {  	_ =	shalt  }
0x7d: {  	_ =	shalt  }
0x7e: {  	_ =	shalt  }
0x7f: {  	_ =	shalt  }
0x80: {  	_ =	shalt  }
0x81: {  	_ =	shalt  }
0x82: {  	_ =	shalt  }
0x83: {  	_ =	shalt  }
0x84: {  	_ =	shalt  }
0x85: {  	_ =	shalt  }
0x86: {  	_ =	shalt  }
0x87: {  	_ =	shalt  }
.Lfunc_end0:
.L_simem_size_0:
called_computation.2_lowered:
.L_overlay_start_0:
0x88: {  	s2 =	sld [smem:$0x3FD9]  }
0x89: {  	s3 =	sld [smem:$0x3FFE];
	_ =	sdelay $0x1  }
0x8a: {  	s1 =	srdreg.scid  }
0x8b: {  	s0 =	sand.u32 $0x1, s1  }
0x8c: {  	s17 =	sshll.u32 s0, $0xA;
	s2 =	sadd.s32 s3, s2  }
0x8d: {  	s2 =	sadd.s32 s2, s17  }
0x8e: {  	[smem:$0x3FC5] =	sst s2  }
0x8f: {  	_ = 	snop  }
0x90: {  	s2 =	sld [smem:$0x3FC9]  }
0x91: {  	s18 =	sld [smem:$0x3FD0];
	(tm) =	ssettm $0x1  }
0x92: {  	s4 =	sld [smem:$0x3FFB];
	_ =	sdelay $0x3  }
0x93: {  	_ =	strace s4  }
0x94: {  	s4 =	sld [smem:$0x3FFC];
	_ =	sdelay $0x3  }
0x95: {  	_ =	strace s4  }
0x96: {  	s4 =	sld [smem:$0x3FFD];
	_ =	sdelay $0x3  }
0x97: {  	_ =	strace s4  }
0x98: {  	_ =	strace $0x8FFFFFFF  }
0x99: {  	s19 =	sld [smem:$0x3FDB];
	_ =	sdelay $0x1  }
0x9a: {  	s5 =	simm.s32 $_scs_section_size  }
0x9b: {  	s6 =	simm.s32 $_size__tile_overlayer_lowered;
	s7 =	simm.s32 $_tile_overlayer_lowered  }
0x9c: {  	s22 =	simm.s32 $0x1BFF;
	s21 =	sshll.u32 s7, $0x1;
	s4 =	sadd.s32 s5, s19  }
0x9d: {  	s8 =	simm.s32 $0x0;
	s20 =	sshll.u32 s6, $0x1;
	s6 =	sadd.s32 s21, s4  }
0x9e: {  	[timem:s8], [sflag:s22] =	dma.local [hbm:s6], s20  }
0x9f: {  	_ =	swait.ge [sflag:s22], s20  }
0xa0: {  	s5 =	ssub.s32 $0x0, s20;
	[sflag:s22] =	ssyncset.done $0x0  }
0xa1: {  	[sflag:s22] =	ssyncadd.s32 s5;
	_ =	sdelay $0x1  }
0xa2: {  	s23 =	simm.s32 $0x1B8B  }
0xa3: {  	_ =	swait.ge [sflag:s23], $0x1  }
0xa4: {  	[sflag:s23] =	ssyncset.done $0x0  }
0xa5: {  	s25 =	simm.s32 $0x1B8E;
	s24 =	sld [smem:$0x3FFE];
	[sflag:s23] =	ssyncadd.s32 $0xFFFFFFFF  }
0xa6: {  	s26 =	simm.s32 $execute0_lowered;
	[smem:$0x3FD2] =	sst s25  }
0xa7: {  	s6 =	sshll.u32 s26, $0x1;
	_ =	strace $0x8000004C;
	[dreg:$0x1] =	wrdreg $0xFFFFFFFF  }
0xa8: {  	s28 =	simm.s32 $_size_execute0_lowered;
	s4 =	sadd.s32 s4, s6;
	[dreg:$0x0] =	wrdreg $0x0  }
0xa9: {  	s6 =	sshll.u32 s28, $0x1;
	[dreg:$0x2] =	wrdreg s4  }
0xaa: {  	[dreg:$0x3] =	wrdreg s6  }
0xab: {  	[dreg:$0x4] =	wrdreg $0xC0  }
0xac: {  	_ =	task [dreg:s8], $0x5FFFF  }
0xad: {  	[dreg:$0x1] =	wrdreg $0xFFFFFFFF  }
0xae: {  	[dreg:$0x0] =	wrdreg $0x60  }
0xaf: {  	[dreg:$0x2] =	wrdreg s2  }
0xb0: {  	[dreg:$0x3] =	wrdreg s24  }
0xb1: {  	[dreg:$0x4] =	wrdreg s18  }
0xb2: {  	[dreg:$0x5] =	wrdreg $0x9  }
0xb3: {  	_ =	task.clear_ibuf [dreg:s8], $0x6FFFF;
	_ =	strace $0x9000004C  }
0xb4: {  	s29 =	simm.s32 $0x9;
	_ =	strace $0x8000004E  }
0xb5: {  	_ =	swait.ge [sflag:s29], $0x1  }
0xb6: {  	[sflag:s29] =	ssyncadd.s32 $0xFFFFFFFF  }
0xb7: {  	_ =	strace $0x9000004E  }
0xb8: {  	_ =	sfence  }
0xb9: {  	s30 =	sld [smem:$0x0];
	_ =	sdelay $0x2  }
0xba: {  	s31 =	sshll.u32 s1, $0xD;
	s1 =	sshrl.u32 s1, $0x2  }
0xbb: {  	s3 =	sand.u32 $0x4000, s31;
	s1 =	sadd.s32 s1, s30  }
0xbc: {  	s0 =	sor.u32 s3, s0;
	s1 =	sshll.u32 s1, $0x11  }
0xbd: {  	s0 =	sor.u32 s1, s0  }
0xbe: {  	s0 =	sadd.s32 $0x8F2B, s0  }
0xbf: {  	[sflag:s0] =	ssyncadd.remote.s32 $0x1  }
0xc0: {  	_ =	sfence.sel $0xFFFF  }
0xc1: {  	[dreg:$0x0] =	wrdreg $0xFFFFFFFF;
	(pc) =	sbr.abs _section_cstart, $3  }
0xc2: {  	[dreg:$0x1] =	wrdreg $0xFFFFFFFF  }
0xc3: {  	_ =	task.clear_ibuf [dreg:s8], $0x2FFFF;
	_ =	strace $0x9FFFFFFF  }
0xc4: {  	(tm) =	ssettm $0x7FFFFFFF  }
0xc5: {  	_ =	shalt  }
tec
execute0_lowered:
.L_overlay_start_1:
0x0: {  	(tag) =	ssettag $0x1  }
0x1: {  	s1 =	rddreg [dreg:$0x0]  }
0x2: {  	s7 =	rddreg [dreg:$0x1]  }
0x3: {  	s2 =	rddreg [dreg:$0x2]  }
0x4: {  	s0 =	rddreg [dreg:$0x3];
	s3 =	simm.s32 $0x0  }
0x5: {  	s4 =	srdreg.scid;
	s10 =	simm.s32 $0x14000;
	s11 =	simm.s32 $0x4  }
0x6: {  	s12 =	simm.s32 $0x8000;
	s13 =	simm.s32 $0x1;
	s14 =	simm.s32 $0x2  }
.Ltmp0:
0x7: {  	s15 =	simm.s32 $0x3;
	s5 =	sand.u32 $0x1, s4;
	(pc) =	sbr.rel .LBB2_1-.Ltmp0, $4  }
0x8: {  	s16 =	simm.s32 $0x10000;
	s17 =	simm.s32 $0x0;
	s8 =	ssub.s32 $0x2, s5  }
0x9: {  	v0 =	vimm.s32 $0x1;
	[smem:$0x7FF] =	sst s3;
	s6 =	sadd.s32 $0x1400, s7;
	s9 =	sshrl.u32 s8, $0x1  }
0xa: {  	vm0 =	vcmask $0x300;
	v1 =	vlaneseq.u32;
	vm1 =	vcmask $0x308;
	s4 =	stileid.u32;
	s7 =	sadd.s32 $0x51800, s7;
	s9 =	ssub.s32 s8, s9  }
0xb: {  	v0 =	vsel vm0, $0x0, v0;
	vm0 =	vmmov $0x1;
	v2 =	vmul.u32 $0x2, v1;
	_ =	strace $0x8000004D;
	s8 =	sshll.u32 s4, $0x1;
	s9 =	smax.u32 s9, $0x1  }
.LBB2_33:
0xc: {  	s17 =	sadd.s32 $0x1, s17  }
0xd: {  	p0 =	sne.s32 s17, s9  }
.Ltmp1:
0xe: {  	_ = 	snop;
	(pc) =	sbr.rel @!p0 .LBB2_34-.Ltmp1, $1  }
0xf: {  	_ =	sdelay $0x3  }
.LBB2_1:
.Ltmp2:
0x10: {  	(pc) =	sbr.rel .LBB2_2-.Ltmp2, $4  }
0x11: {  	[tilespmem:s10], [sflag:$0x4] =	stream.linear.gather [hbm4b:s7+s3], $0x280, $0x38;
	[tilespmem:$0x14280] =	vst v63  }
0x12: {  	_ =	swait.ge [sflag:s11], $0x280  }
0x13: {  	[sflag:s11] =	ssyncset.done $0x0  }
0x14: {  	s18 =	simm.s32 $0x0;
	[sflag:s11] =	ssyncadd.s32 $0xFFFFFD80  }
.LBB2_31:
0x15: {  	_ =	swait.ge [sflag:s13], $0x8000  }
0x16: {  	[sflag:s13] =	ssyncset.done $0x0  }
0x17: {  	[sflag:s13] =	ssyncadd.s32 $0xFFFF8000  }
0x18: {  	_ =	swait.ge [sflag:s14], $0x8000  }
0x19: {  	[sflag:s14] =	ssyncset.done $0x0  }
0x1a: {  	[sflag:s14] =	ssyncadd.s32 $0xFFFF8000  }
.LBB2_32:
0x1b: {  	s18 =	sadd.s32 $0x1, s18  }
0x1c: {  	p0 =	sne.s32 s18, $0x10  }
.Ltmp3:
0x1d: {  	s19 =	sadd.s32 s2, s19;
	(pc) =	sbr.rel @!p0 .LBB2_33-.Ltmp3, $4  }
0x1e: {  	[hbm4b:s19+s3] =	stream.linear.scatter [tilespmem:s12], [sflag:$0x4], $0x8000, $0x38;
	[tilespmem:$0x14280] =	vst v63  }
0x1f: {  	_ =	swait.ge [sflag:s11], $0x8000  }
0x20: {  	[sflag:s11] =	ssyncset.done $0x0  }
0x21: {  	[sflag:s11] =	ssyncadd.s32 $0xFFFF8000  }
.LBB2_2:
0x22: {  	s19 =	sshll.u32 s18, $0x5  }
0x23: {  	s19 =	sor.u32 s19, s8  }
0x24: {  	s19 =	sor.u32 s5, s19  }
0x25: {  	v3 =	vadd.s32 s19, v0;
	_ =	sdelay $0x4  }
0x26: {  	v3 =	vld.idx.msk [tilespmem:v3+s10+$0x0], $0xffff;
	_ =	sdelay $0x4  }
0x27: {  	v4 =	vnsel vm0, $0x0, v3  }
0x28: {  	v3 =	vsel vm1, $0x0, v3;
	v4 =	vxor.u32 $0x80000000, v4  }
0x29: {  	v3 =	vxor.u32 $0x80000000, v3;
	(xrf0) =	vmax.scan.msk.u32 $0xffff, v4  }
0x2a: {  	(xrf0) =	vmax.scan.msk.u32 $0xffff, v3;
	_ =	sdelay $0x4  }
0x2b: {  	v3, _, _ =	vpop (xrf0)  }
0x2c: {  	(v2sf) =	vpush v3, $0xF;
	v3, _, _ =	vpop (xrf0)  }
0x2d: {  	(v2sf) =	vpush v3, $0xF;
	_ =	sdelay $0x8  }
0x2e: {  	s19 =	sshll.u32 s19, $0xC  }
0x2f: {  	s24 =	sadd.s32 s1, s19  }
0x30: {  	[tilespmem:s3], [sflag:$0x1] =	stream.linear.gather [hbm4b:s24+s3], $0x8000, $0x38;
	[tilespmem:$0x14280] =	vst v63  }
0x31: {  	_ = 	snop  }
0x32: {  	[tilespmem:s12], [sflag:$0x2] =	stream.linear.gather [hbm4b:s24+s3], $0x8000, $0x38;
	[tilespmem:$0x14280] =	vst v63  }
0x33: {  	s23 =	spop (v2sf)  }
0x34: {  	s21 =	spop (v2sf)  }
0x35: {  	s20 =	sxor.u32 $0x80000000, s23;
	s22 =	sxor.u32 $0x80000000, s21  }
0x36: {  	s21 =	ssub.s32 s22, s20  }
0x37: {  	s21 =	sadd.s32 $0x1FF, s21  }
0x38: {  	s30 =	sand.u32 $0x1FF, s21  }
0x39: {  	s31 =	sshra.s32 s21, $0x1F;
	p1 =	slt.s32 s21, $0x1;
	p0 =	sne.s32 s30, $0x0  }
0x3a: {  	s24 =	sshrl.u32 s31, $0x17;
	p0 =	por !p1, !p0  }
0x3b: {  	s21 =	sadd.s32 s24, s21;
	s24 =	simm.s32 $0x1;
	p0 =	por !p0, !p0  }
0x3c: {  	s21 =	sshra.s32 s21, $0x9;
	s24 =	simm.s32 @!p0 $0x0  }
0x3d: {  	s24 =	ssub.s32 s21, s24  }
0x3e: {  	p0 =	sgt.s32 s24, $0x0;
	s21 =	smov.u32 s24  }
0x3f: {  	s21 =	simm.s32 @!p0 $0x0;
	p0 =	sgt.s32 s24, $0x10  }
.Ltmp4:
0x40: {  	_ = 	snop;
	(pc) =	sbr.rel @p0 .LBB2_19-.Ltmp4, $2  }
0x41: {  	_ =	sdelay $0x2  }
0x42: {  	s21 =	smin.u32 s21, $0xA08  }
0x43: {  	p0 =	slt.s32 s24, $0x1  }
.Ltmp5:
0x44: {  	_ = 	snop;
	(pc) =	sbr.rel @p0 .LBB2_31-.Ltmp5, $1  }
0x45: {  	_ =	sdelay $0x3  }
0x46: {  	p0 =	sne.s32 s21, $0x1  }
.Ltmp6:
0x47: {  	s25 =	sshll.u32 s23, $0x1;
	(pc) =	sbr.rel @!p0 .LBB2_6-.Ltmp6, $4  }
0x48: {  	s24 =	sshrl.u32 s25, $0x3  }
0x49: {  	s23 =	simm.s32 $0x10000;
	s24 =	sadd.s32 s6, s24  }
0x4a: {  	[tilespmem:s23], [sflag:$0x3] =	stream.linear.gather [hbm4b:s24+s3], $0x400, $0x38;
	[tilespmem:$0x14280] =	vst v63  }
0x4b: {  	s25 =	sadd.s32 $0x400, s25;
	s24 =	sadd.s32 $0xFFFFFFFF, s21  }
.LBB2_5:
0x4c: {  	s26 =	sshrl.u32 s25, $0x3;
	p1 =	sne.s32 s24, $0x1;
	s24 =	sadd.s32 $0xFFFFFFFF, s24  }
.Ltmp7:
0x4d: {  	s23 =	sadd.s32 $0x400, s23;
	s26 =	sadd.s32 s6, s26;
	(pc) =	sbr.rel @p1 .LBB2_5-.Ltmp7, $3  }
0x4e: {  	[tilespmem:s23], [sflag:$0x3] =	stream.linear.gather [hbm4b:s26+s3], $0x400, $0x38;
	[tilespmem:$0x14280] =	vst v63  }
0x4f: {  	_ =	sdelay $0x1  }
0x50: {  	s25 =	sadd.s32 $0x400, s25  }
.LBB2_6:
.Ltmp8:
0x51: {  	(pc) =	sbr.rel @!p0 .LBB2_8-.Ltmp8, $3  }
0x52: {  	_ =	sdelay $0x1  }
0x53: {  	_ =	swait.ge [sflag:s15], $0x400  }
0x54: {  	s23 =	sadd.s32 $0xFFFFFFFF, s21;
	[sflag:s15] =	ssyncset.done $0x0  }
.LBB2_7:
0x55: {  	p0 =	sne.s32 s23, $0x1;
	s23 =	sadd.s32 $0xFFFFFFFF, s23;
	[sflag:s15] =	ssyncadd.s32 $0xFFFFFC00  }
.Ltmp9:
0x56: {  	(pc) =	sbr.rel @p0 .LBB2_7-.Ltmp9, $3  }
0x57: {  	_ =	sdelay $0x1  }
0x58: {  	_ =	swait.ge [sflag:s15], $0x400  }
0x59: {  	[sflag:s15] =	ssyncset.done $0x0  }
.LBB2_8:
0x5a: {  	[sflag:s15] =	ssyncadd.s32 $0xFFFFFC00  }
0x5b: {  	_ =	swait.ge [sflag:s13], $0x8000  }
0x5c: {  	[sflag:s13] =	ssyncset.done $0x0  }
0x5d: {  	[sflag:s13] =	ssyncadd.s32 $0xFFFF8000  }
0x5e: {  	_ =	swait.ge [sflag:s14], $0x8000  }
0x5f: {  	v3 =	vmov s22;
	s22 =	simm.s32 $0x0;
	[sflag:s14] =	ssyncset.done $0x0  }
0x60: {  	s23 =	smov.u32 s20;
	s24 =	simm.s32 $0x0;
	[sflag:s14] =	ssyncadd.s32 $0xFFFF8000  }
.LBB2_9:
0x61: {  	v4 =	vmov s22  }
0x62: {  	s25 =	sshll.u32 s24, $0xA;
	v5 =	vshll.u32 v4, $0x1  }
0x63: {  	v4 =	vmov s25;
	v5 =	vor.u32 v2, v5  }
0x64: {  	v5 =	vadd.s32 v4, v5;
	_ =	sdelay $0x4  }
0x65: {  	v5 =	vld.idx.msk [tilespmem:v5+s16+$0x0], $0xffff;
	_ =	sdelay $0x2  }
0x66: {  	s31 =	sadd.s32 $0x0, s23  }
0x67: {  	v6 =	vadd.s32 s31, v1  }
0x68: {  	vm2 =	vlt.s32 v6, v3;
	vm3 =	vgt.s32 v5, $0xFFFFFFFF  }
0x69: {  	v5 =	vand.u32 $0x7FFF, v5;
	vm2 =	vmand vm2, vm3  }
0x6a: {  	v5 =	vnsel vm2, $0x0, v5  }
0x6b: {  	v6 =	vshll.u32 v5, $0x3  }
0x6c: {  	v7 =	vshrl.u32 v5, $0x1;
	v5 =	vand.u32 $0x787F, v5;
	v6 =	vand.u32 $0x400, v6  }
0x6d: {  	v7 =	vand.u32 $0x380, v7;
	v5 =	vor.u32 v6, v5  }
0x6e: {  	v5 =	vor.u32 v7, v5;
	_ =	sdelay $0x3  }
0x6f: {  	s25 =	simm.s32 $0x10  }
0x70: {  	s26 =	simm.s32 $0x20;
	v7 =	vmov s25;
	v6 =	vld.idx.msk [tilespmem:v5+s3+$0x0], $0xffff  }
.LBB2_10:
0x71: {  	p0 =	sne.s32 s26, $0x1F0;
	v7 =	vshll.u32 v7, $0x1  }
0x72: {  	v7 =	vor.u32 v2, v7  }
0x73: {  	v7 =	vadd.s32 v4, v7;
	_ =	sdelay $0x1  }
0x74: {  	v6 =	vmul.f32 $9.499999880e-01, v6;
	_ =	sdelay $0x1  }
0x75: {  	[tilespmem:v5+s12+$0x0] =	vst.idx.msk vm2, v6  }
0x76: {  	v5 =	vld.idx.msk [tilespmem:v7+s16+$0x0], $0xffff;
	_ =	sdelay $0x3  }
0x77: {  	s28 =	sadd.s32 s25, s23;
	s25 =	smov.u32 s26  }
0x78: {  	v6 =	vadd.s32 s28, v1  }
0x79: {  	vm2 =	vlt.s32 v6, v3;
	vm3 =	vgt.s32 v5, $0xFFFFFFFF  }
0x7a: {  	v5 =	vand.u32 $0x7FFF, v5;
	vm2 =	vmand vm2, vm3  }
0x7b: {  	v5 =	vnsel vm2, $0x0, v5  }
0x7c: {  	v6 =	vshll.u32 v5, $0x3  }
0x7d: {  	v7 =	vshrl.u32 v5, $0x1;
	v5 =	vand.u32 $0x787F, v5;
	v6 =	vand.u32 $0x400, v6  }
0x7e: {  	v7 =	vand.u32 $0x380, v7;
	v5 =	vor.u32 v6, v5  }
0x7f: {  	v5 =	vor.u32 v7, v5;
	_ =	sdelay $0x1  }
.Ltmp10:
0x80: {  	(pc) =	sbr.rel @p0 .LBB2_10-.Ltmp10, $3  }
0x81: {  	_ =	sdelay $0x1  }
0x82: {  	v6 =	vld.idx.msk [tilespmem:v5+s3+$0x0], $0xffff  }
0x83: {  	s26 =	sadd.s32 $0x10, s26;
	v7 =	vmov s25  }
0x84: {  	v7 =	vshll.u32 v7, $0x1  }
0x85: {  	v7 =	vor.u32 v2, v7  }
0x86: {  	v4 =	vadd.s32 v4, v7;
	_ =	sdelay $0x1  }
0x87: {  	v6 =	vmul.f32 $9.499999880e-01, v6;
	_ =	sdelay $0x1  }
0x88: {  	[tilespmem:v5+s12+$0x0] =	vst.idx.msk vm2, v6  }
0x89: {  	v4 =	vld.idx.msk [tilespmem:v4+s16+$0x0], $0xffff;
	_ =	sdelay $0x2  }
0x8a: {  	s25 =	sadd.s32 s25, s23  }
0x8b: {  	v5 =	vadd.s32 s25, v1  }
0x8c: {  	vm2 =	vlt.s32 v5, v3;
	vm3 =	vgt.s32 v4, $0xFFFFFFFF  }
0x8d: {  	v4 =	vand.u32 $0x7FFF, v4;
	vm2 =	vmand vm2, vm3  }
0x8e: {  	v4 =	vnsel vm2, $0x0, v4  }
0x8f: {  	v5 =	vshll.u32 v4, $0x3  }
0x90: {  	v63 =	vshrl.u32 v4, $0x1;
	v4 =	vand.u32 $0x787F, v4;
	v5 =	vand.u32 $0x400, v5  }
0x91: {  	v6 =	vand.u32 $0x380, v63;
	v4 =	vor.u32 v5, v4  }
0x92: {  	v4 =	vor.u32 v6, v4;
	_ =	sdelay $0x4  }
0x93: {  	v5 =	vld.idx.msk [tilespmem:v4+s3+$0x0], $0xffff  }
0x94: {  	s24 =	sadd.s32 $0x1, s24  }
0x95: {  	p0 =	sne.s32 s24, s21  }
.Ltmp11:
0x96: {  	_ = 	snop;
	(pc) =	sbr.rel @p0 .LBB2_9-.Ltmp11, $4  }
.Ltmp12:
0x97: {  	_ = 	snop;
	(pc) =	sbr.rel @!p0 .LBB2_12-.Ltmp12, $4  }
0x98: {  	v5 =	vmul.f32 $9.499999880e-01, v5  }
0x99: {  	_ = 	snop  }
0x9a: {  	s23 =	sadd.s32 $0x200, s23;
	s25 =	simm.s32 $0x0;
	[tilespmem:v4+s12+$0x0] =	vst.idx.msk vm2, v5  }
0x9b: {  	_ = 	snop  }
.LBB2_18:
0x9c: {  	s25 =	sadd.s32 $0x1, s25  }
0x9d: {  	p0 =	seq.s32 s25, s21  }
.Ltmp13:
0x9e: {  	_ = 	snop;
	(pc) =	sbr.rel @p0 .LBB2_32-.Ltmp13, $1  }
0x9f: {  	_ =	sdelay $0x3  }
.LBB2_12:
.Ltmp14:
0xa0: {  	(pc) =	sbr.rel .LBB2_13-.Ltmp14, $4  }
0xa1: {  	_ = 	snop  }
0xa2: {  	s22 =	sshll.u32 s25, $0xA  }
0xa3: {  	s23 =	sshll.u32 s25, $0x9;
	v4 =	vmov s22  }
0xa4: {  	s22 =	sadd.s32 s20, s23;
	s23 =	simm.s32 $0x0;
	v5 =	vand.u32 $0xFFFFFF80, v4  }
.LBB2_16:
0xa5: {  	_ =	sdelay $0x4  }
0xa6: {  	[tilespmem:v8+s12+$0x0] =	vst.idx.msk vm3, v9  }
.LBB2_17:
0xa7: {  	s23 =	sadd.s32 $0x1, s23  }
0xa8: {  	p0 =	sne.s32 s23, $0x20  }
.Ltmp15:
0xa9: {  	_ = 	snop;
	(pc) =	sbr.rel @!p0 .LBB2_18-.Ltmp15, $1  }
0xaa: {  	_ =	sdelay $0x3  }
.LBB2_13:
0xab: {  	s24 =	sshll.u32 s23, $0x4  }
0xac: {  	v6 =	vmov s24  }
0xad: {  	v6 =	vshll.u32 v6, $0x1  }
0xae: {  	v7 =	vor.u32 v2, v6  }
0xaf: {  	v6 =	vor.u32 v4, v7;
	_ =	sdelay $0x4  }
0xb0: {  	v6 =	vld.idx.msk [tilespmem:v6+s16+$0x0], $0xffff;
	_ =	sdelay $0x2  }
0xb1: {  	s24 =	sadd.s32 s24, s22  }
0xb2: {  	v8 =	vadd.s32 s24, v1  }
0xb3: {  	vm2 =	vlt.s32 v8, v3;
	vm3 =	vgt.s32 v6, $0xFFFFFFFF  }
0xb4: {  	v6 =	vand.u32 $0x7FFF, v6;
	vm2 =	vmand vm2, vm3  }
0xb5: {  	v8 =	vnsel vm2, $0x0, v6  }
0xb6: {  	(xrf1) =	vunique.msk.u32 $0xffff, v8;
	_ =	sdelay $0xd  }
0xb7: {  	_, v6, _ =	vpop (xrf1)  }
0xb8: {  	v9 =	vxor.u32 $0x80000000, v6  }
0xb9: {  	v9 =	vnsel vm2, $0x80000000, v9  }
0xba: {  	(xrf0) =	vmax.scan.msk.u32 $0xffff, v9;
	_ =	sdelay $0x5  }
0xbb: {  	v9, _, _ =	vpop (xrf0)  }
0xbc: {  	(v2sf) =	vpush v9, $0xF;
	_ =	sdelay $0xe  }
0xbd: {  	s24 =	spop (v2sf)  }
0xbe: {  	v7 =	vor.u32 v5, v7;
	s26 =	sxor.u32 $0x80000000, s24  }
0xbf: {  	v7 =	vor.u32 $0x1, v7;
	p0 =	slt.s32 s26, $0x1  }
.Ltmp16:
0xc0: {  	_ = 	snop;
	(pc) =	sbr.rel @p0 .LBB2_17-.Ltmp16, $2  }
0xc1: {  	_ =	sdelay $0x2  }
0xc2: {  	v7 =	vld.idx.msk [tilespmem:v7+s16+$0x0], $0xffff  }
0xc3: {  	v9 =	vshll.u32 v8, $0x3  }
0xc4: {  	v10 =	vshrl.u32 v8, $0x1;
	v8 =	vand.u32 $0x787F, v8;
	v9 =	vand.u32 $0x400, v9  }
0xc5: {  	v10 =	vand.u32 $0x380, v10;
	v8 =	vor.u32 v9, v8  }
0xc6: {  	v8 =	vor.u32 v10, v8;
	_ =	sdelay $0x2  }
0xc7: {  	s26 =	simm.s32 $0x1  }
0xc8: {  	vm3 =	veq.s32 v6, s26  }
0xc9: {  	p0 =	sne.s32 s24, $0x80000001;
	vm3 =	vmand vm2, vm3;
	v9 =	vld.idx.msk [tilespmem:v8+s12+$0x0], $0xffff  }
.Ltmp17:
0xca: {  	_ = 	snop;
	(pc) =	sbr.rel @!p0 .LBB2_16-.Ltmp17, $2  }
0xcb: {  	_ =	sdelay $0x2  }
0xcc: {  	s26 =	simm.s32 $0x80000001;
	v9 =	vmax.f32 v9, v7  }
.LBB2_15:
0xcd: {  	s28 =	sadd.s32 $0x80000001, s26;
	s26 =	sadd.s32 $0x1, s26;
	[tilespmem:v8+s12+$0x0] =	vst.idx.msk vm3, v9  }
0xce: {  	vm3 =	veq.s32 v6, s28;
	v9 =	vld.idx.msk [tilespmem:v8+s12+$0x0], $0xffff;
	p0 =	sne.s32 s24, s26  }
0xcf: {  	vm3 =	vmand vm2, vm3  }
.Ltmp18:
0xd0: {  	(pc) =	sbr.rel @p0 .LBB2_15-.Ltmp18, $2  }
0xd1: {  	_ =	sdelay $0x2  }
0xd2: {  	v9 =	vmax.f32 v9, v7  }
.Ltmp19:
0xd3: {  	_ = 	snop;
	(pc) =	sbr.rel .LBB2_16-.Ltmp19, $1  }
0xd4: {  	_ =	sdelay $0x3  }
.LBB2_19:
0xd5: {  	_ =	swait.ge [sflag:s13], $0x8000  }
0xd6: {  	[sflag:s13] =	ssyncset.done $0x0  }
0xd7: {  	[sflag:s13] =	ssyncadd.s32 $0xFFFF8000  }
0xd8: {  	_ =	swait.ge [sflag:s14], $0x8000  }
0xd9: {  	v3 =	vmov s22;
	s22 =	simm.s32 $0x0;
	[sflag:s14] =	ssyncset.done $0x0  }
0xda: {  	s23 =	smov.u32 s20;
	s24 =	simm.s32 $0x0;
	[sflag:s14] =	ssyncadd.s32 $0xFFFF8000  }
.LBB2_20:
0xdb: {  	s25 =	sshll.u32 s24, $0x9  }
0xdc: {  	s25 =	sadd.s32 s20, s25  }
0xdd: {  	v4 =	vmov s22;
	s25 =	sshrl.u32 s25, $0x2  }
0xde: {  	v4 =	vshll.u32 v4, $0x1;
	s25 =	sand.u32 $0x1FFFFFFF, s25  }
0xdf: {  	v4 =	vor.u32 v2, v4;
	s25 =	sadd.s32 s6, s25  }
0xe0: {  	[tilespmem:s16], [sflag:$0x4] =	stream.linear.gather [hbm4b:s25+s22], $0x400, $0x38;
	[tilespmem:$0x14280] =	vst v63  }
0xe1: {  	_ =	swait.ge [sflag:s11], $0x400  }
0xe2: {  	[sflag:s11] =	ssyncset.done $0x0  }
0xe3: {  	[sflag:s11] =	ssyncadd.s32 $0xFFFFFC00  }
0xe4: {  	v4 =	vld.idx.msk [tilespmem:v4+s16+$0x0], $0xffff;
	_ =	sdelay $0x2  }
0xe5: {  	s31 =	sadd.s32 $0x0, s23  }
0xe6: {  	v5 =	vadd.s32 s31, v1  }
0xe7: {  	vm2 =	vlt.s32 v5, v3;
	vm3 =	vgt.s32 v4, $0xFFFFFFFF  }
0xe8: {  	v4 =	vand.u32 $0x7FFF, v4;
	vm2 =	vmand vm2, vm3  }
0xe9: {  	v4 =	vnsel vm2, $0x0, v4  }
0xea: {  	v5 =	vshll.u32 v4, $0x3  }
0xeb: {  	v6 =	vshrl.u32 v4, $0x1;
	v4 =	vand.u32 $0x787F, v4;
	v5 =	vand.u32 $0x400, v5  }
0xec: {  	v6 =	vand.u32 $0x380, v6;
	v4 =	vor.u32 v5, v4  }
0xed: {  	v4 =	vor.u32 v6, v4;
	_ =	sdelay $0x4  }
0xee: {  	s25 =	simm.s32 $0x10;
	v5 =	vld.idx.msk [tilespmem:v4+s3+$0x0], $0xffff  }
0xef: {  	s26 =	simm.s32 $0x20;
	v6 =	vmov s25  }
.LBB2_21:
0xf0: {  	p0 =	sne.s32 s26, $0x1F0;
	v6 =	vshll.u32 v6, $0x1  }
0xf1: {  	v6 =	vor.u32 v2, v6;
	_ =	sdelay $0x1  }
0xf2: {  	v5 =	vmul.f32 $9.499999880e-01, v5;
	_ =	sdelay $0x1  }
0xf3: {  	[tilespmem:v4+s12+$0x0] =	vst.idx.msk vm2, v5  }
0xf4: {  	v4 =	vld.idx.msk [tilespmem:v6+s16+$0x0], $0xffff;
	_ =	sdelay $0x3  }
0xf5: {  	s28 =	sadd.s32 s25, s23;
	s25 =	smov.u32 s26  }
0xf6: {  	v5 =	vadd.s32 s28, v1  }
0xf7: {  	vm2 =	vlt.s32 v5, v3;
	vm3 =	vgt.s32 v4, $0xFFFFFFFF  }
0xf8: {  	v4 =	vand.u32 $0x7FFF, v4;
	vm2 =	vmand vm2, vm3  }
0xf9: {  	v4 =	vnsel vm2, $0x0, v4  }
0xfa: {  	v5 =	vshll.u32 v4, $0x3  }
0xfb: {  	v6 =	vshrl.u32 v4, $0x1;
	v4 =	vand.u32 $0x787F, v4;
	v5 =	vand.u32 $0x400, v5  }
0xfc: {  	v6 =	vand.u32 $0x380, v6;
	v4 =	vor.u32 v5, v4  }
0xfd: {  	v4 =	vor.u32 v6, v4;
	_ =	sdelay $0x2  }
.Ltmp20:
0xfe: {  	(pc) =	sbr.rel @p0 .LBB2_21-.Ltmp20, $3  }
0xff: {  	_ = 	snop  }
0x100: {  	v5 =	vld.idx.msk [tilespmem:v4+s3+$0x0], $0xffff;
	_ =	sdelay $0x1  }
0x101: {  	s26 =	sadd.s32 $0x10, s26;
	v6 =	vmov s25  }
0x102: {  	v6 =	vshll.u32 v6, $0x1  }
0x103: {  	v6 =	vor.u32 v2, v6;
	_ =	sdelay $0x1  }
0x104: {  	v5 =	vmul.f32 $9.499999880e-01, v5;
	_ =	sdelay $0x1  }
0x105: {  	[tilespmem:v4+s12+$0x0] =	vst.idx.msk vm2, v5  }
0x106: {  	v4 =	vld.idx.msk [tilespmem:v6+s16+$0x0], $0xffff;
	_ =	sdelay $0x2  }
0x107: {  	s25 =	sadd.s32 s25, s23  }
0x108: {  	v5 =	vadd.s32 s25, v1  }
0x109: {  	vm2 =	vlt.s32 v5, v3;
	vm3 =	vgt.s32 v4, $0xFFFFFFFF  }
0x10a: {  	v4 =	vand.u32 $0x7FFF, v4;
	vm2 =	vmand vm2, vm3  }
0x10b: {  	v4 =	vnsel vm2, $0x0, v4  }
0x10c: {  	v5 =	vshll.u32 v4, $0x3  }
0x10d: {  	v63 =	vshrl.u32 v4, $0x1;
	v4 =	vand.u32 $0x787F, v4;
	v5 =	vand.u32 $0x400, v5  }
0x10e: {  	v6 =	vand.u32 $0x380, v63;
	v4 =	vor.u32 v5, v4  }
0x10f: {  	v4 =	vor.u32 v6, v4;
	_ =	sdelay $0x4  }
0x110: {  	v5 =	vld.idx.msk [tilespmem:v4+s3+$0x0], $0xffff  }
0x111: {  	s24 =	sadd.s32 $0x1, s24  }
0x112: {  	p0 =	sne.s32 s24, s21  }
.Ltmp21:
0x113: {  	_ = 	snop;
	(pc) =	sbr.rel @p0 .LBB2_20-.Ltmp21, $3  }
0x114: {  	_ = 	snop  }
0x115: {  	v5 =	vmul.f32 $9.499999880e-01, v5;
	_ =	sdelay $0x1  }
0x116: {  	s23 =	sadd.s32 $0x200, s23;
	s25 =	simm.s32 $0x0;
	[tilespmem:v4+s12+$0x0] =	vst.idx.msk vm2, v5  }
.Ltmp22:
0x117: {  	(pc) =	sbr.rel .LBB2_24-.Ltmp22, $2  }
0x118: {  	_ =	sdelay $0x2  }
0x119: {  	s22 =	simm.s32 $0x0  }
.LBB2_30:
0x11a: {  	s22 =	sadd.s32 $0x1, s22  }
0x11b: {  	p0 =	seq.s32 s22, s21  }
.Ltmp23:
0x11c: {  	_ = 	snop;
	(pc) =	sbr.rel @p0 .LBB2_32-.Ltmp23, $1  }
0x11d: {  	_ =	sdelay $0x3  }
.LBB2_24:
0x11e: {  	s23 =	sshll.u32 s22, $0x9  }
0x11f: {  	s23 =	sadd.s32 s20, s23  }
0x120: {  	s24 =	sshrl.u32 s23, $0x2  }
0x121: {  	s24 =	sand.u32 $0x1FFFFFFF, s24  }
.Ltmp24:
0x122: {  	s24 =	sadd.s32 s6, s24;
	(pc) =	sbr.rel .LBB2_25-.Ltmp24, $4  }
0x123: {  	[tilespmem:s16], [sflag:$0x4] =	stream.linear.gather [hbm4b:s24+s25], $0x400, $0x38;
	[tilespmem:$0x14280] =	vst v63  }
0x124: {  	_ =	swait.ge [sflag:s11], $0x400  }
0x125: {  	[sflag:s11] =	ssyncset.done $0x0  }
0x126: {  	s24 =	simm.s32 $0x0;
	[sflag:s11] =	ssyncadd.s32 $0xFFFFFC00  }
.LBB2_28:
0x127: {  	_ =	sdelay $0x4  }
0x128: {  	[tilespmem:v6+s12+$0x0] =	vst.idx.msk vm3, v7  }
.LBB2_29:
0x129: {  	s24 =	sadd.s32 $0x1, s24  }
0x12a: {  	p0 =	sne.s32 s24, $0x20  }
.Ltmp25:
0x12b: {  	_ = 	snop;
	(pc) =	sbr.rel @!p0 .LBB2_30-.Ltmp25, $1  }
0x12c: {  	_ =	sdelay $0x3  }
.LBB2_25:
0x12d: {  	s26 =	sshll.u32 s24, $0x4  }
0x12e: {  	v4 =	vmov s26  }
0x12f: {  	v4 =	vshll.u32 v4, $0x1  }
0x130: {  	v5 =	vor.u32 v2, v4;
	_ =	sdelay $0x4  }
0x131: {  	v4 =	vld.idx.msk [tilespmem:v5+s16+$0x0], $0xffff;
	_ =	sdelay $0x2  }
0x132: {  	s26 =	sadd.s32 s23, s26  }
0x133: {  	v6 =	vadd.s32 s26, v1  }
0x134: {  	vm2 =	vlt.s32 v6, v3;
	vm3 =	vgt.s32 v4, $0xFFFFFFFF  }
0x135: {  	v4 =	vand.u32 $0x7FFF, v4;
	vm2 =	vmand vm2, vm3  }
0x136: {  	v6 =	vnsel vm2, $0x0, v4  }
0x137: {  	(xrf1) =	vunique.msk.u32 $0xffff, v6;
	_ =	sdelay $0xd  }
0x138: {  	_, v4, _ =	vpop (xrf1)  }
0x139: {  	v7 =	vxor.u32 $0x80000000, v4  }
0x13a: {  	v7 =	vnsel vm2, $0x80000000, v7  }
0x13b: {  	(xrf0) =	vmax.scan.msk.u32 $0xffff, v7;
	_ =	sdelay $0x5  }
0x13c: {  	v7, _, _ =	vpop (xrf0)  }
0x13d: {  	(v2sf) =	vpush v7, $0xF;
	_ =	sdelay $0xe  }
0x13e: {  	s26 =	spop (v2sf)  }
0x13f: {  	s28 =	sxor.u32 $0x80000000, s26  }
0x140: {  	v5 =	vor.u32 $0x1, v5;
	p0 =	slt.s32 s28, $0x1  }
.Ltmp26:
0x141: {  	_ = 	snop;
	(pc) =	sbr.rel @p0 .LBB2_29-.Ltmp26, $2  }
0x142: {  	_ =	sdelay $0x2  }
0x143: {  	v5 =	vld.idx.msk [tilespmem:v5+s16+$0x0], $0xffff  }
0x144: {  	v7 =	vshll.u32 v6, $0x3  }
0x145: {  	v8 =	vshrl.u32 v6, $0x1;
	v6 =	vand.u32 $0x787F, v6;
	v7 =	vand.u32 $0x400, v7  }
0x146: {  	v8 =	vand.u32 $0x380, v8;
	v6 =	vor.u32 v7, v6  }
0x147: {  	v6 =	vor.u32 v8, v6;
	_ =	sdelay $0x2  }
0x148: {  	s28 =	simm.s32 $0x1  }
0x149: {  	vm3 =	veq.s32 v4, s28  }
0x14a: {  	p0 =	sne.s32 s26, $0x80000001;
	vm3 =	vmand vm2, vm3;
	v7 =	vld.idx.msk [tilespmem:v6+s12+$0x0], $0xffff  }
.Ltmp27:
0x14b: {  	_ = 	snop;
	(pc) =	sbr.rel @!p0 .LBB2_28-.Ltmp27, $2  }
0x14c: {  	_ =	sdelay $0x2  }
0x14d: {  	s28 =	simm.s32 $0x80000001;
	v7 =	vmax.f32 v7, v5  }
.LBB2_27:
0x14e: {  	s29 =	sadd.s32 $0x80000001, s28;
	s28 =	sadd.s32 $0x1, s28;
	[tilespmem:v6+s12+$0x0] =	vst.idx.msk vm3, v7  }
0x14f: {  	vm3 =	veq.s32 v4, s29;
	v7 =	vld.idx.msk [tilespmem:v6+s12+$0x0], $0xffff;
	p0 =	sne.s32 s26, s28  }
0x150: {  	vm3 =	vmand vm2, vm3  }
.Ltmp28:
0x151: {  	(pc) =	sbr.rel @p0 .LBB2_27-.Ltmp28, $2  }
0x152: {  	_ =	sdelay $0x2  }
0x153: {  	v7 =	vmax.f32 v7, v5  }
.Ltmp29:
0x154: {  	_ = 	snop;
	(pc) =	sbr.rel .LBB2_28-.Ltmp29, $1  }
0x155: {  	_ =	sdelay $0x3  }
.LBB2_34:
0x156: {  	_ =	sfence.sel $0x180000  }
0x157: {  	[bflag:$0x0] =	sbarrier.arrive $0xFFFF  }
0x158: {  	p0 =	sne.s32 s4, $0x0;
	_ =	strace $0x9000004D  }
0x159: {  	s0 =	sadd.s32 @!p0 $0x100000, s0;
	[bflag:$0x2] =	sbarrier.arrive $0xFFFF  }
0x15a: {  	[sflag:s0] =	ssyncadd.tile.s32 @!p0 $0x1;
	_ =	shalt  }
.Lfunc_end2:
_tile_overlayer_lowered:
.L_overlay_start_2:
0x15b: {  	(tag) =	ssettag $0x2  }
0x15c: {  	s0 =	rddreg [dreg:$0x0];
	s2 =	stileid.u32  }
0x15d: {  	s1 =	rddreg [dreg:$0x1];
	p0 =	sne.s32 s2, $0x0  }
0x15e: {  	s3 =	rddreg [dreg:$0x2];
	[bflag:$0x3] =	sbarrier.arrive $0xFFFF;
	s2 =	simm.s32 @!p0 $0x1C04  }
0x15f: {  	[timem:s3], [sflag:s2] =	dma.local @!p0 [hbm:s0], s1  }
0x160: {  	s0 =	simm.s32 @!p0 $0x4  }
0x161: {  	_ =	swait.ge @!p0 [sflag:s0], s1  }
0x162: {  	s1 =	ssub.s32 @!p0 $0x0, s1;
	[sflag:s0] =	ssyncset.done @!p0 $0x0  }
0x163: {  	[sflag:s0] =	ssyncadd.s32 @!p0 s1  }
0x164: {  	[bflag:$0x3] =	sbarrier.arrive $0xFFFF  }
0x165: {  	_ =	shalt  }

</sc_bundles>
